<compile_context>
chip_gen: v7x
topology: tpu7x:2x2x1
jax: 0.10.2.dev20260603
libtpu: 0.0.44.dev20260713+nightly
codegen_flags: <defaults>
</compile_context>

<pallas_src>
import jax
import jax.numpy as jnp
from jax import lax
from jax.experimental import pallas as pl
from jax.experimental.pallas import tpu as pltpu
from jax.experimental.pallas import tpu_sc as plsc

E = 320000
A = 960000
D = 128
IDIM = 64

NC = 2
NS = 16
NW = NC * NS

BE1 = 2000


def _prep_body(m_ref, e6_ref, wmkj_ref, bmkj_ref, we1_ref, we2_ref,
               mkj_out, et_out):
    m = m_ref[...]
    z = jnp.dot(m, wmkj_ref[...], preferred_element_type=jnp.float32)
    z = z + bmkj_ref[...]
    mkj_out[...] = z * jax.nn.sigmoid(z)
    we = jnp.dot(we1_ref[...], we2_ref[...], preferred_element_type=jnp.float32)
    et_out[...] = jnp.dot(e6_ref[...], we, preferred_element_type=jnp.float32)


def _prep(m_ji, e_rbf, W_mkj, b_mkj2, W_e1, W_e2):
    n = E // BE1
    return pl.pallas_call(
        _prep_body,
        grid=(n,),
        in_specs=[
            pl.BlockSpec((BE1, D), lambda i: (i, 0)),
            pl.BlockSpec((BE1, 6), lambda i: (i, 0)),
            pl.BlockSpec((D, D), lambda i: (0, 0)),
            pl.BlockSpec((1, D), lambda i: (0, 0)),
            pl.BlockSpec((6, 8), lambda i: (0, 0)),
            pl.BlockSpec((8, D), lambda i: (0, 0)),
        ],
        out_specs=[
            pl.BlockSpec((BE1, D), lambda i: (i, 0)),
            pl.BlockSpec((BE1, D), lambda i: (i, 0)),
        ],
        out_shape=[
            jax.ShapeDtypeStruct((E, D), jnp.float32),
            jax.ShapeDtypeStruct((E, D), jnp.float32),
        ],
        compiler_params=pltpu.CompilerParams(
            dimension_semantics=("parallel",)),
    )(m_ji, e_rbf, W_mkj, b_mkj2, W_e1, W_e2)


GC = 600
GG = 120
GCH = (A // NW) // GC


def _gather_body(mkj_hbm, et_hbm, kj_hbm, ji_hbm, gkj_hbm, gji_hbm,
                 idx_v, rows_v, sem):
    wid = lax.axis_index("s") * NC + lax.axis_index("c")
    base = wid * (A // NW)

    def chunk(c, carry):
        off = base + c * GC
        for k in range(GC // GG):
            pltpu.sync_copy(kj_hbm.at[pl.ds(off + k * GG, GG)], idx_v.at[k])
        cps = [pltpu.async_copy(mkj_hbm.at[idx_v.at[k]],
                                rows_v.at[pl.ds(k * GG, GG)], sem)
               for k in range(GC // GG)]
        for cp in cps:
            cp.wait()
        pltpu.sync_copy(rows_v, gkj_hbm.at[pl.ds(off, GC)])

        for k in range(GC // GG):
            pltpu.sync_copy(ji_hbm.at[pl.ds(off + k * GG, GG)], idx_v.at[k])
        cps = [pltpu.async_copy(et_hbm.at[idx_v.at[k]],
                                rows_v.at[pl.ds(k * GG, GG)], sem)
               for k in range(GC // GG)]
        for cp in cps:
            cp.wait()
        pltpu.sync_copy(rows_v, gji_hbm.at[pl.ds(off, GC)])
        return carry

    lax.fori_loop(0, GCH, chunk, 0)


def _gather(mkj_tab, e_tab, kj, ji):
    return pl.kernel(
        _gather_body,
        out_type=(jax.ShapeDtypeStruct((A, D), jnp.float32),
                  jax.ShapeDtypeStruct((A, D), jnp.float32)),
        mesh=plsc.VectorSubcoreMesh(core_axis_name="c", subcore_axis_name="s",
                                    num_cores=NC, num_subcores=NS),
        scratch_types=[
            pltpu.VMEM((GC // GG, GG), jnp.int32),
            pltpu.VMEM((GC, D), jnp.float32),
            pltpu.SemaphoreType.DMA,
        ],
    )(mkj_tab, e_tab, kj, ji)


BA3 = 3000


def _mid_body(gkj_ref, gji_ref, a49_ref, wa1_ref, wa2_ref, wd_ref, out_ref):
    prod = gkj_ref[...] * gji_ref[...]
    em = jnp.dot(prod, wd_ref[...], preferred_element_type=jnp.float32)
    em = em * jax.nn.sigmoid(em)
    a8 = jnp.dot(a49_ref[...], wa1_ref[...], preferred_element_type=jnp.float32)
    a64 = jnp.dot(a8, wa2_ref[...], preferred_element_type=jnp.float32)
    out_ref[...] = em * a64


def _mid(gkj, gji, a_sbf, W_a1, W_a2, W_down):
    n = A // BA3
    return pl.pallas_call(
        _mid_body,
        grid=(n,),
        in_specs=[
            pl.BlockSpec((BA3, D), lambda i: (i, 0)),
            pl.BlockSpec((BA3, D), lambda i: (i, 0)),
            pl.BlockSpec((BA3, 49), lambda i: (i, 0)),
            pl.BlockSpec((49, 8), lambda i: (0, 0)),
            pl.BlockSpec((8, IDIM), lambda i: (0, 0)),
            pl.BlockSpec((D, IDIM), lambda i: (0, 0)),
        ],
        out_specs=pl.BlockSpec((BA3, IDIM), lambda i: (i, 0)),
        out_shape=jax.ShapeDtypeStruct((A, IDIM), jnp.float32),
        compiler_params=pltpu.CompilerParams(
            dimension_semantics=("parallel",)),
    )(gkj, gji, a_sbf, W_a1, W_a2, W_down)


R4 = 16000
ROWS4 = 16384
CA = 96
NCH4 = A // CA
CPS = NCH4 // NS
PASSES = 10
EHALF = E // NC
ZB = 64


def _scatter_body(aggr_hbm, ji_hbm, out_hbm, idx_v, adj_v, rows_v, zb_v,
                  ob_v, acc_sh, sem):
    core = lax.axis_index("c")
    sid = lax.axis_index("s")
    zero16 = jnp.zeros((16,), jnp.float32)
    iota16 = lax.broadcasted_iota(jnp.int32, (16,), 0)

    def zr(r, carry):
        for cc in range(IDIM // 16):
            zb_v[r, pl.ds(cc * 16, 16)] = zero16
        return carry

    lax.fori_loop(0, ZB, zr, 0)

    def do_pass(p, carry):
        base = pl.multiple_of(core * EHALF + p * R4, 8)
        for b in range(16):
            pltpu.sync_copy(zb_v, acc_sh.at[pl.ds(sid * 1024 + b * ZB, ZB)])
        plsc.subcore_barrier()

        def chunk(gi, c1):
            off = pl.multiple_of((sid * CPS + gi) * CA, 8)
            pltpu.sync_copy(ji_hbm.at[pl.ds(off, CA)], idx_v)
            cp = pltpu.async_copy(aggr_hbm.at[pl.ds(off, CA)], rows_v, sem)

            def grp(k, c2):
                v = idx_v[pl.ds(k * 16, 16)]
                local = v - base
                inb = (local >= 0) & (local < R4)
                dump = R4 + k * 16 + iota16
                adj_v[pl.ds(k * 16, 16)] = jnp.where(inb, local, dump)
                return c2

            lax.fori_loop(0, CA // 16, grp, 0)
            cp.wait()
            pltpu.sync_copy(rows_v, acc_sh.at[adj_v], add=True)
            return c1

        lax.fori_loop(0, CPS, chunk, 0)
        plsc.subcore_barrier()
        for b in range(5):
            l0 = sid * 1000 + b * 200
            pltpu.sync_copy(acc_sh.at[pl.ds(l0, 200)], ob_v)
            pltpu.sync_copy(ob_v, out_hbm.at[pl.ds(base + l0, 200)])
        plsc.subcore_barrier()
        return carry

    lax.fori_loop(0, PASSES, do_pass, 0)


def _scatter(aggr, ji):
    return pl.kernel(
        _scatter_body,
        out_type=jax.ShapeDtypeStruct((E, IDIM), jnp.float32),
        mesh=plsc.VectorSubcoreMesh(core_axis_name="c", subcore_axis_name="s",
                                    num_cores=NC, num_subcores=NS),
        scratch_types=[
            pltpu.VMEM((CA,), jnp.int32),
            pltpu.VMEM((CA,), jnp.int32),
            pltpu.VMEM((CA, IDIM), jnp.float32),
            pltpu.VMEM((ZB, IDIM), jnp.float32),
            pltpu.VMEM((200, IDIM), jnp.float32),
            pltpu.VMEM_SHARED((ROWS4, IDIM), jnp.float32),
            pltpu.SemaphoreType.DMA,
        ],
    )(aggr, ji)


BE5 = 2000


def _silu(x):
    return x * jax.nn.sigmoid(x)


def _final_body(s_ref, m_ref, wup_ref, wmji_ref, bmji_ref, wpost_ref,
                bpost_ref, w00_ref, b00_ref, w01_ref, b01_ref,
                w10_ref, b10_ref, w11_ref, b11_ref,
                w20_ref, b20_ref, w21_ref, b21_ref, out_ref):
    m = m_ref[...]
    d = _silu(jnp.dot(s_ref[...], wup_ref[...],
                      preferred_element_type=jnp.float32))
    dm = _silu(jnp.dot(m, wmji_ref[...],
                       preferred_element_type=jnp.float32) + bmji_ref[...])
    x = d + dm

    def res(x, w1, b1, w2, b2):
        r = _silu(jnp.dot(x, w1[...], preferred_element_type=jnp.float32)
                  + b1[...])
        r = _silu(jnp.dot(r, w2[...], preferred_element_type=jnp.float32)
                  + b2[...])
        return r + x

    x = res(x, w00_ref, b00_ref, w01_ref, b01_ref)
    x = _silu(jnp.dot(x, wpost_ref[...],
                      preferred_element_type=jnp.float32) + bpost_ref[...]) + m
    x = res(x, w10_ref, b10_ref, w11_ref, b11_ref)
    x = res(x, w20_ref, b20_ref, w21_ref, b21_ref)
    out_ref[...] = x


def _final(summed, m_ji, W_up, W_mji, b_mji2, W_post, b_post2, rws):
    n = E // BE5
    wspec = pl.BlockSpec((D, D), lambda i: (0, 0))
    bspec = pl.BlockSpec((1, D), lambda i: (0, 0))
    rspecs = []
    for k in range(6):
        rspecs.extend([wspec, bspec])
    return pl.pallas_call(
        _final_body,
        grid=(n,),
        in_specs=[
            pl.BlockSpec((BE5, IDIM), lambda i: (i, 0)),
            pl.BlockSpec((BE5, D), lambda i: (i, 0)),
            pl.BlockSpec((IDIM, D), lambda i: (0, 0)),
            wspec, bspec, wspec, bspec,
        ] + rspecs,
        out_specs=pl.BlockSpec((BE5, D), lambda i: (i, 0)),
        out_shape=jax.ShapeDtypeStruct((E, D), jnp.float32),
        compiler_params=pltpu.CompilerParams(
            dimension_semantics=("parallel",)),
    )(summed, m_ji, W_up, W_mji, b_mji2, W_post, b_post2, *rws)


def kernel(m_ji, e_rbf, a_sbf, kj_idx, ji_idx,
           W_mkj, b_mkj, W_e1, W_e2, W_a1, W_a2, W_down, W_up,
           W_mji, b_mji, W_post, b_post,
           W_res00, b_res00, W_res01, b_res01,
           W_res10, b_res10, W_res11, b_res11,
           W_res20, b_res20, W_res21, b_res21):
    kj = kj_idx.astype(jnp.int32)
    ji = ji_idx.astype(jnp.int32)

    mkj_tab, e_tab = _prep(m_ji, e_rbf, W_mkj, b_mkj.reshape(1, D),
                           W_e1, W_e2)
    gkj, gji = _gather(mkj_tab, e_tab, kj, ji)
    aggr = _mid(gkj, gji, a_sbf, W_a1, W_a2, W_down)
    summed = jax.ops.segment_sum(aggr, ji, num_segments=E)
    rws = []
    for w, b in ((W_res00, b_res00), (W_res01, b_res01),
                 (W_res10, b_res10), (W_res11, b_res11),
                 (W_res20, b_res20), (W_res21, b_res21)):
        rws.extend([w, b.reshape(1, D)])
    return _final(summed, m_ji, W_up, W_mji, b_mji.reshape(1, D),
                  W_post, b_post.reshape(1, D), rws)

# --- scband reference (transcript-rebuilt; emitter-appended) ---
"""Pipeline reference for scband-interaction-block-13005160972695 (READ-ONLY COPY).

The authoritative reference and input builder live on the scoring server;
editing this copy changes nothing except your own understanding.
"""

import jax, jax.numpy as jnp
import numpy as np

E = 320000
A = 960000
D = 128
N_RBF = 6
SPH = 49
BEMB = 8
IDIM = 64


def _glorot(k, shape):
    lim = (6.0 / (shape[0] + shape[1])) ** 0.5
    return jax.random.uniform(k, shape, jnp.float32, -lim, lim)


def setup_inputs(seed: int = 0) -> dict:
    key = jax.random.key(seed)
    ks = jax.random.split(key, 32)
    inp = {}
    inp["m_ji"] = jax.random.normal(ks[0], (E, D), jnp.float32)
    inp["e_rbf"] = jax.random.uniform(ks[1], (E, N_RBF), jnp.float32)
    inp["a_sbf"] = jax.random.normal(ks[2], (A, SPH), jnp.float32)
    inp["kj_idx"] = jax.random.randint(ks[3], (A,), 0, E, dtype=jnp.int32).astype(jnp.int64)
    inp["ji_idx"] = jax.random.randint(ks[4], (A,), 0, E, dtype=jnp.int32).astype(jnp.int64)
    inp["W_mkj"] = _glorot(ks[5], (D, D)); inp["b_mkj"] = jnp.zeros((D,), jnp.float32)
    inp["W_e1"] = _glorot(ks[6], (N_RBF, BEMB)); inp["W_e2"] = _glorot(ks[7], (BEMB, D))
    inp["W_a1"] = _glorot(ks[8], (SPH, BEMB)); inp["W_a2"] = _glorot(ks[9], (BEMB, IDIM))
    inp["W_down"] = _glorot(ks[10], (D, IDIM)); inp["W_up"] = _glorot(ks[11], (IDIM, D))
    inp["W_mji"] = _glorot(ks[12], (D, D)); inp["b_mji"] = jnp.zeros((D,), jnp.float32)
    inp["W_post"] = _glorot(ks[13], (D, D)); inp["b_post"] = jnp.zeros((D,), jnp.float32)
    c = 14
    for i in range(3):
        for j in range(2):
            inp[f"W_res{i}{j}"] = _glorot(ks[c], (D, D)); c += 1
            inp[f"b_res{i}{j}"] = jnp.zeros((D,), jnp.float32)
    return inp


def reference(m_ji, e_rbf, a_sbf, kj_idx, ji_idx,
              W_mkj, b_mkj, W_e1, W_e2, W_a1, W_a2, W_down, W_up,
              W_mji, b_mji, W_post, b_post,
              W_res00, b_res00, W_res01, b_res01,
              W_res10, b_res10, W_res11, b_res11,
              W_res20, b_res20, W_res21, b_res21):
    # DirectedMessagePP
    e_ji = (jnp.take(e_rbf, ji_idx, axis=0) @ W_e1) @ W_e2
    m_kj = jax.nn.silu(jnp.take(m_ji, kj_idx, axis=0) @ W_mkj + b_mkj)
    a = (a_sbf @ W_a1) @ W_a2
    edge_message = jax.nn.silu((m_kj * e_ji) @ W_down)
    aggr = edge_message * a
    summed = jax.ops.segment_sum(aggr, ji_idx, num_segments=m_ji.shape[0])
    directed_out = jax.nn.silu(summed @ W_up)
    # InteractionBlock body
    dense_m_ji = jax.nn.silu(m_ji @ W_mji + b_mji)
    output = directed_out + dense_m_ji

    def res_block(x, W1, b1, W2, b2):
        r = jax.nn.silu(x @ W1 + b1)
        r = jax.nn.silu(r @ W2 + b2)
        return r + x

    output = res_block(output, W_res00, b_res00, W_res01, b_res01)
    output = jax.nn.silu(output @ W_post + b_post) + m_ji
    output = res_block(output, W_res10, b_res10, W_res11, b_res11)
    output = res_block(output, W_res20, b_res20, W_res21, b_res21)
    return output

if __name__ == "__main__":
    import jax
    _d = setup_inputs()
    print(jax.jit(kernel)(*tuple(_d.values())))

</pallas_src>

<mosaic_0001>
#map = affine_map<(d0, d1) -> (0, 0)>
#map1 = affine_map<(d0, d1) -> (0)>
module attributes {stable_mosaic.version = 14 : i64} {
  func.func @_gather_body(%arg0: i32, %arg1: i32, %arg2: memref<320000x128xf32, #tpu.memory_space<hbm>>, %arg3: memref<320000x128xf32, #tpu.memory_space<hbm>>, %arg4: memref<960000xi32, #tpu.memory_space<hbm>>, %arg5: memref<960000xi32, #tpu.memory_space<hbm>>, %arg6: memref<960000x128xf32, #tpu.memory_space<hbm>>, %arg7: memref<960000x128xf32, #tpu.memory_space<hbm>>, %arg8: memref<5x120xi32, #tpu.memory_space<vmem>>, %arg9: memref<600x128xf32, #tpu.memory_space<vmem>>, %arg10: memref<!tpu.dma_semaphore, #tpu.memory_space<semaphore_mem>>) attributes {dimension_semantics = [#tpu.dimension_semantics<core_parallel>, #tpu.dimension_semantics<subcore_parallel>], iteration_bounds = array<i64: 2, 16>, scalar_prefetch = 0 : i64, scratch_operands = 3 : i64, tpu.core_type = #tpu.core_type<sc_vector_subcore>, window_params = [{transform_indices = #map}, {transform_indices = #map}, {transform_indices = #map1}, {transform_indices = #map1}, {transform_indices = #map}, {transform_indices = #map}]} {
    %mul3A = arith.constant 2 : i32
    %mul3A_0 = arith.muli %arg1, %mul3A : i32
    %add3A = arith.addi %mul3A_0, %arg0 : i32
    %mul3A_1 = arith.constant 30000 : i32
    %mul3A_2 = arith.muli %add3A, %mul3A_1 : i32
    %scan3A = arith.constant 0 : i32
    %scan3A_3 = arith.constant 0 : i32
    %scan3A_4 = arith.constant 50 : i32
    %scan3A_5 = arith.addi %scan3A_3, %scan3A_4 : i32
    %scan3A_6 = arith.constant 1 : i32
    scf.for %scan3A_8 = %scan3A_3 to %scan3A_5 step %scan3A_6  : i32 {
      %mul3A_9 = arith.constant 600 : i32
      %mul3A_10 = arith.muli %scan3A_8, %mul3A_9 : i32
      %add3A_11 = arith.addi %mul3A_2, %mul3A_10 : i32
      %add3A_12 = arith.constant 0 : i32
      %add3A_13 = arith.addi %add3A_11, %add3A_12 : i32
      %run_scoped3A = arith.constant 0 : i32
      "tpu.region"() ({
        %run_scoped3A_239 = tpu.sem_alloc : memref<!tpu.dma_semaphore, #tpu.memory_space<semaphore_mem>>
        %dma_start3A_240 = arith.constant 0 : i32
        %dma_start3A_241 = tpu.memref_slice %arg8[%run_scoped3A, %dma_start3A_240] : memref<5x120xi32, #tpu.memory_space<vmem>> -> memref<1x120xi32, #tpu.memory_space<vmem>>
        %dma_start3A_242 = tpu.memref_squeeze %dma_start3A_241 : memref<1x120xi32, #tpu.memory_space<vmem>> -> memref<120xi32, #tpu.memory_space<vmem>>
        %dma_start3A_243 = tpu.memref_slice %arg4[%add3A_13] : memref<960000xi32, #tpu.memory_space<hbm>> -> memref<120xi32, #tpu.memory_space<hbm>>
        %dma_start3A_244 = arith.constant 0 : i32
        %dma_start3A_245 = tpu.memref_slice %arg8[%run_scoped3A, %dma_start3A_244] : memref<5x120xi32, #tpu.memory_space<vmem>> -> memref<1x120xi32, #tpu.memory_space<vmem>>
        %dma_start3A_246 = tpu.memref_squeeze %dma_start3A_245 : memref<1x120xi32, #tpu.memory_space<vmem>> -> memref<120xi32, #tpu.memory_space<vmem>>
        %dma_start3A_247 = tpu.memref_slice %arg4[%add3A_13] : memref<960000xi32, #tpu.memory_space<hbm>> -> memref<120xi32, #tpu.memory_space<hbm>>
        tpu.enqueue_dma source(%dma_start3A_247 : memref<120xi32, #tpu.memory_space<hbm>>) target(%dma_start3A_246 : memref<120xi32, #tpu.memory_space<vmem>>) target_semaphore(%run_scoped3A_239 : memref<!tpu.dma_semaphore, #tpu.memory_space<semaphore_mem>>)
        %dma_wait3A_248 = arith.constant 0 : i32
        %dma_wait3A_249 = tpu.memref_slice %arg8[%run_scoped3A, %dma_wait3A_248] : memref<5x120xi32, #tpu.memory_space<vmem>> -> memref<1x120xi32, #tpu.memory_space<vmem>>
        %dma_wait3A_250 = tpu.memref_squeeze %dma_wait3A_249 : memref<1x120xi32, #tpu.memory_space<vmem>> -> memref<120xi32, #tpu.memory_space<vmem>>
        %dma_wait3A_251 = tpu.memref_slice %arg4[%add3A_13] : memref<960000xi32, #tpu.memory_space<hbm>> -> memref<120xi32, #tpu.memory_space<hbm>>
        %dma_wait3A_252 = arith.constant 0 : i32
        %dma_wait3A_253 = tpu.memref_slice %arg8[%run_scoped3A, %dma_wait3A_252] : memref<5x120xi32, #tpu.memory_space<vmem>> -> memref<1x120xi32, #tpu.memory_space<vmem>>
        %dma_wait3A_254 = tpu.memref_squeeze %dma_wait3A_253 : memref<1x120xi32, #tpu.memory_space<vmem>> -> memref<120xi32, #tpu.memory_space<vmem>>
        %dma_wait3A_255 = tpu.memref_slice %arg4[%add3A_13] : memref<960000xi32, #tpu.memory_space<hbm>> -> memref<120xi32, #tpu.memory_space<hbm>>
        tpu.wait_dma2 semaphore(%run_scoped3A_239 : memref<!tpu.dma_semaphore, #tpu.memory_space<semaphore_mem>>) src(%dma_wait3A_255 : memref<120xi32, #tpu.memory_space<hbm>>) dst(%dma_wait3A_254 : memref<120xi32, #tpu.memory_space<vmem>>)
        tpu.yield
      }) : () -> ()
      %add3A_14 = arith.constant 120 : i32
      %add3A_15 = arith.addi %add3A_11, %add3A_14 : i32
      %run_scoped3A_16 = arith.constant 1 : i32
      "tpu.region"() ({
        %run_scoped3A_239 = tpu.sem_alloc : memref<!tpu.dma_semaphore, #tpu.memory_space<semaphore_mem>>
        %dma_start3A_240 = arith.constant 0 : i32
        %dma_start3A_241 = tpu.memref_slice %arg8[%run_scoped3A_16, %dma_start3A_240] : memref<5x120xi32, #tpu.memory_space<vmem>> -> memref<1x120xi32, #tpu.memory_space<vmem>>
        %dma_start3A_242 = tpu.memref_squeeze %dma_start3A_241 : memref<1x120xi32, #tpu.memory_space<vmem>> -> memref<120xi32, #tpu.memory_space<vmem>>
        %dma_start3A_243 = tpu.memref_slice %arg4[%add3A_15] : memref<960000xi32, #tpu.memory_space<hbm>> -> memref<120xi32, #tpu.memory_space<hbm>>
        %dma_start3A_244 = arith.constant 0 : i32
        %dma_start3A_245 = tpu.memref_slice %arg8[%run_scoped3A_16, %dma_start3A_244] : memref<5x120xi32, #tpu.memory_space<vmem>> -> memref<1x120xi32, #tpu.memory_space<vmem>>
        %dma_start3A_246 = tpu.memref_squeeze %dma_start3A_245 : memref<1x120xi32, #tpu.memory_space<vmem>> -> memref<120xi32, #tpu.memory_space<vmem>>
        %dma_start3A_247 = tpu.memref_slice %arg4[%add3A_15] : memref<960000xi32, #tpu.memory_space<hbm>> -> memref<120xi32, #tpu.memory_space<hbm>>
        tpu.enqueue_dma source(%dma_start3A_247 : memref<120xi32, #tpu.memory_space<hbm>>) target(%dma_start3A_246 : memref<120xi32, #tpu.memory_space<vmem>>) target_semaphore(%run_scoped3A_239 : memref<!tpu.dma_semaphore, #tpu.memory_space<semaphore_mem>>)
        %dma_wait3A_248 = arith.constant 0 : i32
        %dma_wait3A_249 = tpu.memref_slice %arg8[%run_scoped3A_16, %dma_wait3A_248] : memref<5x120xi32, #tpu.memory_space<vmem>> -> memref<1x120xi32, #tpu.memory_space<vmem>>
        %dma_wait3A_250 = tpu.memref_squeeze %dma_wait3A_249 : memref<1x120xi32, #tpu.memory_space<vmem>> -> memref<120xi32, #tpu.memory_space<vmem>>
        %dma_wait3A_251 = tpu.memref_slice %arg4[%add3A_15] : memref<960000xi32, #tpu.memory_space<hbm>> -> memref<120xi32, #tpu.memory_space<hbm>>
        %dma_wait3A_252 = arith.constant 0 : i32
        %dma_wait3A_253 = tpu.memref_slice %arg8[%run_scoped3A_16, %dma_wait3A_252] : memref<5x120xi32, #tpu.memory_space<vmem>> -> memref<1x120xi32, #tpu.memory_space<vmem>>
        %dma_wait3A_254 = tpu.memref_squeeze %dma_wait3A_253 : memref<1x120xi32, #tpu.memory_space<vmem>> -> memref<120xi32, #tpu.memory_space<vmem>>
        %dma_wait3A_255 = tpu.memref_slice %arg4[%add3A_15] : memref<960000xi32, #tpu.memory_space<hbm>> -> memref<120xi32, #tpu.memory_space<hbm>>
        tpu.wait_dma2 semaphore(%run_scoped3A_239 : memref<!tpu.dma_semaphore, #tpu.memory_space<semaphore_mem>>) src(%dma_wait3A_255 : memref<120xi32, #tpu.memory_space<hbm>>) dst(%dma_wait3A_254 : memref<120xi32, #tpu.memory_space<vmem>>)
        tpu.yield
      }) : () -> ()
      %add3A_17 = arith.constant 240 : i32
      %add3A_18 = arith.addi %add3A_11, %add3A_17 : i32
      %run_scoped3A_19 = arith.constant 2 : i32
      "tpu.region"() ({
        %run_scoped3A_239 = tpu.sem_alloc : memref<!tpu.dma_semaphore, #tpu.memory_space<semaphore_mem>>
        %dma_start3A_240 = arith.constant 0 : i32
        %dma_start3A_241 = tpu.memref_slice %arg8[%run_scoped3A_19, %dma_start3A_240] : memref<5x120xi32, #tpu.memory_space<vmem>> -> memref<1x120xi32, #tpu.memory_space<vmem>>
        %dma_start3A_242 = tpu.memref_squeeze %dma_start3A_241 : memref<1x120xi32, #tpu.memory_space<vmem>> -> memref<120xi32, #tpu.memory_space<vmem>>
        %dma_start3A_243 = tpu.memref_slice %arg4[%add3A_18] : memref<960000xi32, #tpu.memory_space<hbm>> -> memref<120xi32, #tpu.memory_space<hbm>>
        %dma_start3A_244 = arith.constant 0 : i32
        %dma_start3A_245 = tpu.memref_slice %arg8[%run_scoped3A_19, %dma_start3A_244] : memref<5x120xi32, #tpu.memory_space<vmem>> -> memref<1x120xi32, #tpu.memory_space<vmem>>
        %dma_start3A_246 = tpu.memref_squeeze %dma_start3A_245 : memref<1x120xi32, #tpu.memory_space<vmem>> -> memref<120xi32, #tpu.memory_space<vmem>>
        %dma_start3A_247 = tpu.memref_slice %arg4[%add3A_18] : memref<960000xi32, #tpu.memory_space<hbm>> -> memref<120xi32, #tpu.memory_space<hbm>>
        tpu.enqueue_dma source(%dma_start3A_247 : memref<120xi32, #tpu.memory_space<hbm>>) target(%dma_start3A_246 : memref<120xi32, #tpu.memory_space<vmem>>) target_semaphore(%run_scoped3A_239 : memref<!tpu.dma_semaphore, #tpu.memory_space<semaphore_mem>>)
        %dma_wait3A_248 = arith.constant 0 : i32
        %dma_wait3A_249 = tpu.memref_slice %arg8[%run_scoped3A_19, %dma_wait3A_248] : memref<5x120xi32, #tpu.memory_space<vmem>> -> memref<1x120xi32, #tpu.memory_space<vmem>>
        %dma_wait3A_250 = tpu.memref_squeeze %dma_wait3A_249 : memref<1x120xi32, #tpu.memory_space<vmem>> -> memref<120xi32, #tpu.memory_space<vmem>>
        %dma_wait3A_251 = tpu.memref_slice %arg4[%add3A_18] : memref<960000xi32, #tpu.memory_space<hbm>> -> memref<120xi32, #tpu.memory_space<hbm>>
        %dma_wait3A_252 = arith.constant 0 : i32
        %dma_wait3A_253 = tpu.memref_slice %arg8[%run_scoped3A_19, %dma_wait3A_252] : memref<5x120xi32, #tpu.memory_space<vmem>> -> memref<1x120xi32, #tpu.memory_space<vmem>>
        %dma_wait3A_254 = tpu.memref_squeeze %dma_wait3A_253 : memref<1x120xi32, #tpu.memory_space<vmem>> -> memref<120xi32, #tpu.memory_space<vmem>>
        %dma_wait3A_255 = tpu.memref_slice %arg4[%add3A_18] : memref<960000xi32, #tpu.memory_space<hbm>> -> memref<120xi32, #tpu.memory_space<hbm>>
        tpu.wait_dma2 semaphore(%run_scoped3A_239 : memref<!tpu.dma_semaphore, #tpu.memory_space<semaphore_mem>>) src(%dma_wait3A_255 : memref<120xi32, #tpu.memory_space<hbm>>) dst(%dma_wait3A_254 : memref<120xi32, #tpu.memory_space<vmem>>)
        tpu.yield
      }) : () -> ()
      %add3A_20 = arith.constant 360 : i32
      %add3A_21 = arith.addi %add3A_11, %add3A_20 : i32
      %run_scoped3A_22 = arith.constant 3 : i32
      "tpu.region"() ({
        %run_scoped3A_239 = tpu.sem_alloc : memref<!tpu.dma_semaphore, #tpu.memory_space<semaphore_mem>>
        %dma_start3A_240 = arith.constant 0 : i32
        %dma_start3A_241 = tpu.memref_slice %arg8[%run_scoped3A_22, %dma_start3A_240] : memref<5x120xi32, #tpu.memory_space<vmem>> -> memref<1x120xi32, #tpu.memory_space<vmem>>
        %dma_start3A_242 = tpu.memref_squeeze %dma_start3A_241 : memref<1x120xi32, #tpu.memory_space<vmem>> -> memref<120xi32, #tpu.memory_space<vmem>>
        %dma_start3A_243 = tpu.memref_slice %arg4[%add3A_21] : memref<960000xi32, #tpu.memory_space<hbm>> -> memref<120xi32, #tpu.memory_space<hbm>>
        %dma_start3A_244 = arith.constant 0 : i32
        %dma_start3A_245 = tpu.memref_slice %arg8[%run_scoped3A_22, %dma_start3A_244] : memref<5x120xi32, #tpu.memory_space<vmem>> -> memref<1x120xi32, #tpu.memory_space<vmem>>
        %dma_start3A_246 = tpu.memref_squeeze %dma_start3A_245 : memref<1x120xi32, #tpu.memory_space<vmem>> -> memref<120xi32, #tpu.memory_space<vmem>>
        %dma_start3A_247 = tpu.memref_slice %arg4[%add3A_21] : memref<960000xi32, #tpu.memory_space<hbm>> -> memref<120xi32, #tpu.memory_space<hbm>>
        tpu.enqueue_dma source(%dma_start3A_247 : memref<120xi32, #tpu.memory_space<hbm>>) target(%dma_start3A_246 : memref<120xi32, #tpu.memory_space<vmem>>) target_semaphore(%run_scoped3A_239 : memref<!tpu.dma_semaphore, #tpu.memory_space<semaphore_mem>>)
        %dma_wait3A_248 = arith.constant 0 : i32
        %dma_wait3A_249 = tpu.memref_slice %arg8[%run_scoped3A_22, %dma_wait3A_248] : memref<5x120xi32, #tpu.memory_space<vmem>> -> memref<1x120xi32, #tpu.memory_space<vmem>>
        %dma_wait3A_250 = tpu.memref_squeeze %dma_wait3A_249 : memref<1x120xi32, #tpu.memory_space<vmem>> -> memref<120xi32, #tpu.memory_space<vmem>>
        %dma_wait3A_251 = tpu.memref_slice %arg4[%add3A_21] : memref<960000xi32, #tpu.memory_space<hbm>> -> memref<120xi32, #tpu.memory_space<hbm>>
        %dma_wait3A_252 = arith.constant 0 : i32
        %dma_wait3A_253 = tpu.memref_slice %arg8[%run_scoped3A_22, %dma_wait3A_252] : memref<5x120xi32, #tpu.memory_space<vmem>> -> memref<1x120xi32, #tpu.memory_space<vmem>>
        %dma_wait3A_254 = tpu.memref_squeeze %dma_wait3A_253 : memref<1x120xi32, #tpu.memory_space<vmem>> -> memref<120xi32, #tpu.memory_space<vmem>>
        %dma_wait3A_255 = tpu.memref_slice %arg4[%add3A_21] : memref<960000xi32, #tpu.memory_space<hbm>> -> memref<120xi32, #tpu.memory_space<hbm>>
        tpu.wait_dma2 semaphore(%run_scoped3A_239 : memref<!tpu.dma_semaphore, #tpu.memory_space<semaphore_mem>>) src(%dma_wait3A_255 : memref<120xi32, #tpu.memory_space<hbm>>) dst(%dma_wait3A_254 : memref<120xi32, #tpu.memory_space<vmem>>)
        tpu.yield
      }) : () -> ()
      %add3A_23 = arith.constant 480 : i32
      %add3A_24 = arith.addi %add3A_11, %add3A_23 : i32
      %run_scoped3A_25 = arith.constant 4 : i32
      "tpu.region"() ({
        %run_scoped3A_239 = tpu.sem_alloc : memref<!tpu.dma_semaphore, #tpu.memory_space<semaphore_mem>>
        %dma_start3A_240 = arith.constant 0 : i32
        %dma_start3A_241 = tpu.memref_slice %arg8[%run_scoped3A_25, %dma_start3A_240] : memref<5x120xi32, #tpu.memory_space<vmem>> -> memref<1x120xi32, #tpu.memory_space<vmem>>
        %dma_start3A_242 = tpu.memref_squeeze %dma_start3A_241 : memref<1x120xi32, #tpu.memory_space<vmem>> -> memref<120xi32, #tpu.memory_space<vmem>>
        %dma_start3A_243 = tpu.memref_slice %arg4[%add3A_24] : memref<960000xi32, #tpu.memory_space<hbm>> -> memref<120xi32, #tpu.memory_space<hbm>>
        %dma_start3A_244 = arith.constant 0 : i32
        %dma_start3A_245 = tpu.memref_slice %arg8[%run_scoped3A_25, %dma_start3A_244] : memref<5x120xi32, #tpu.memory_space<vmem>> -> memref<1x120xi32, #tpu.memory_space<vmem>>
        %dma_start3A_246 = tpu.memref_squeeze %dma_start3A_245 : memref<1x120xi32, #tpu.memory_space<vmem>> -> memref<120xi32, #tpu.memory_space<vmem>>
        %dma_start3A_247 = tpu.memref_slice %arg4[%add3A_24] : memref<960000xi32, #tpu.memory_space<hbm>> -> memref<120xi32, #tpu.memory_space<hbm>>
        tpu.enqueue_dma source(%dma_start3A_247 : memref<120xi32, #tpu.memory_space<hbm>>) target(%dma_start3A_246 : memref<120xi32, #tpu.memory_space<vmem>>) target_semaphore(%run_scoped3A_239 : memref<!tpu.dma_semaphore, #tpu.memory_space<semaphore_mem>>)
        %dma_wait3A_248 = arith.constant 0 : i32
        %dma_wait3A_249 = tpu.memref_slice %arg8[%run_scoped3A_25, %dma_wait3A_248] : memref<5x120xi32, #tpu.memory_space<vmem>> -> memref<1x120xi32, #tpu.memory_space<vmem>>
        %dma_wait3A_250 = tpu.memref_squeeze %dma_wait3A_249 : memref<1x120xi32, #tpu.memory_space<vmem>> -> memref<120xi32, #tpu.memory_space<vmem>>
        %dma_wait3A_251 = tpu.memref_slice %arg4[%add3A_24] : memref<960000xi32, #tpu.memory_space<hbm>> -> memref<120xi32, #tpu.memory_space<hbm>>
        %dma_wait3A_252 = arith.constant 0 : i32
        %dma_wait3A_253 = tpu.memref_slice %arg8[%run_scoped3A_25, %dma_wait3A_252] : memref<5x120xi32, #tpu.memory_space<vmem>> -> memref<1x120xi32, #tpu.memory_space<vmem>>
        %dma_wait3A_254 = tpu.memref_squeeze %dma_wait3A_253 : memref<1x120xi32, #tpu.memory_space<vmem>> -> memref<120xi32, #tpu.memory_space<vmem>>
        %dma_wait3A_255 = tpu.memref_slice %arg4[%add3A_24] : memref<960000xi32, #tpu.memory_space<hbm>> -> memref<120xi32, #tpu.memory_space<hbm>>
        tpu.wait_dma2 semaphore(%run_scoped3A_239 : memref<!tpu.dma_semaphore, #tpu.memory_space<semaphore_mem>>) src(%dma_wait3A_255 : memref<120xi32, #tpu.memory_space<hbm>>) dst(%dma_wait3A_254 : memref<120xi32, #tpu.memory_space<vmem>>)
        tpu.yield
      }) : () -> ()
      %dma_start3A = arith.constant 0 : i32
      %dma_start3A_26 = arith.constant 0 : i32
      %dma_start3A_27 = arith.constant 0 : i32
      %dma_start3A_28 = tpu.memref_slice %arg9[%dma_start3A_26, %dma_start3A_27] : memref<600x128xf32, #tpu.memory_space<vmem>> -> memref<120x128xf32, #tpu.memory_space<vmem>>
      %dma_start3A_29 = arith.constant 0 : i32
      %dma_start3A_30 = tpu.memref_slice %arg8[%dma_start3A, %dma_start3A_29] : memref<5x120xi32, #tpu.memory_space<vmem>> -> memref<1x120xi32, #tpu.memory_space<vmem>>
      %dma_start3A_31 = tpu.memref_squeeze %dma_start3A_30 : memref<1x120xi32, #tpu.memory_space<vmem>> -> memref<120xi32, #tpu.memory_space<vmem>>
      %dma_start3A_32 = arith.constant 0 : i32
      %dma_start3A_33 = arith.constant 0 : i32
      %dma_start3A_34 = tpu.memref_slice %arg2[%dma_start3A_32, %dma_start3A_33] : memref<320000x128xf32, #tpu.memory_space<hbm>> -> memref<320000x128xf32, #tpu.memory_space<hbm>>
      tpu.enqueue_indirect_dma source(%dma_start3A_34 : memref<320000x128xf32, #tpu.memory_space<hbm>>) target(%dma_start3A_28 : memref<120x128xf32, #tpu.memory_space<vmem>>) offsets(%dma_start3A_31 : memref<120xi32, #tpu.memory_space<vmem>>) semaphore(%arg10 : memref<!tpu.dma_semaphore, #tpu.memory_space<semaphore_mem>>)
      %dma_start3A_35 = arith.constant 1 : i32
      %dma_start3A_36 = arith.constant 120 : i32
      %dma_start3A_37 = arith.constant 0 : i32
      %dma_start3A_38 = tpu.memref_slice %arg9[%dma_start3A_36, %dma_start3A_37] : memref<600x128xf32, #tpu.memory_space<vmem>> -> memref<120x128xf32, #tpu.memory_space<vmem>>
      %dma_start3A_39 = arith.constant 0 : i32
      %dma_start3A_40 = tpu.memref_slice %arg8[%dma_start3A_35, %dma_start3A_39] : memref<5x120xi32, #tpu.memory_space<vmem>> -> memref<1x120xi32, #tpu.memory_space<vmem>>
      %dma_start3A_41 = tpu.memref_squeeze %dma_start3A_40 : memref<1x120xi32, #tpu.memory_space<vmem>> -> memref<120xi32, #tpu.memory_space<vmem>>
      %dma_start3A_42 = arith.constant 0 : i32
      %dma_start3A_43 = arith.constant 0 : i32
      %dma_start3A_44 = tpu.memref_slice %arg2[%dma_start3A_42, %dma_start3A_43] : memref<320000x128xf32, #tpu.memory_space<hbm>> -> memref<320000x128xf32, #tpu.memory_space<hbm>>
      tpu.enqueue_indirect_dma source(%dma_start3A_44 : memref<320000x128xf32, #tpu.memory_space<hbm>>) target(%dma_start3A_38 : memref<120x128xf32, #tpu.memory_space<vmem>>) offsets(%dma_start3A_41 : memref<120xi32, #tpu.memory_space<vmem>>) semaphore(%arg10 : memref<!tpu.dma_semaphore, #tpu.memory_space<semaphore_mem>>)
      %dma_start3A_45 = arith.constant 2 : i32
      %dma_start3A_46 = arith.constant 240 : i32
      %dma_start3A_47 = arith.constant 0 : i32
      %dma_start3A_48 = tpu.memref_slice %arg9[%dma_start3A_46, %dma_start3A_47] : memref<600x128xf32, #tpu.memory_space<vmem>> -> memref<120x128xf32, #tpu.memory_space<vmem>>
      %dma_start3A_49 = arith.constant 0 : i32
      %dma_start3A_50 = tpu.memref_slice %arg8[%dma_start3A_45, %dma_start3A_49] : memref<5x120xi32, #tpu.memory_space<vmem>> -> memref<1x120xi32, #tpu.memory_space<vmem>>
      %dma_start3A_51 = tpu.memref_squeeze %dma_start3A_50 : memref<1x120xi32, #tpu.memory_space<vmem>> -> memref<120xi32, #tpu.memory_space<vmem>>
      %dma_start3A_52 = arith.constant 0 : i32
      %dma_start3A_53 = arith.constant 0 : i32
      %dma_start3A_54 = tpu.memref_slice %arg2[%dma_start3A_52, %dma_start3A_53] : memref<320000x128xf32, #tpu.memory_space<hbm>> -> memref<320000x128xf32, #tpu.memory_space<hbm>>
      tpu.enqueue_indirect_dma source(%dma_start3A_54 : memref<320000x128xf32, #tpu.memory_space<hbm>>) target(%dma_start3A_48 : memref<120x128xf32, #tpu.memory_space<vmem>>) offsets(%dma_start3A_51 : memref<120xi32, #tpu.memory_space<vmem>>) semaphore(%arg10 : memref<!tpu.dma_semaphore, #tpu.memory_space<semaphore_mem>>)
      %dma_start3A_55 = arith.constant 3 : i32
      %dma_start3A_56 = arith.constant 360 : i32
      %dma_start3A_57 = arith.constant 0 : i32
      %dma_start3A_58 = tpu.memref_slice %arg9[%dma_start3A_56, %dma_start3A_57] : memref<600x128xf32, #tpu.memory_space<vmem>> -> memref<120x128xf32, #tpu.memory_space<vmem>>
      %dma_start3A_59 = arith.constant 0 : i32
      %dma_start3A_60 = tpu.memref_slice %arg8[%dma_start3A_55, %dma_start3A_59] : memref<5x120xi32, #tpu.memory_space<vmem>> -> memref<1x120xi32, #tpu.memory_space<vmem>>
      %dma_start3A_61 = tpu.memref_squeeze %dma_start3A_60 : memref<1x120xi32, #tpu.memory_space<vmem>> -> memref<120xi32, #tpu.memory_space<vmem>>
      %dma_start3A_62 = arith.constant 0 : i32
      %dma_start3A_63 = arith.constant 0 : i32
      %dma_start3A_64 = tpu.memref_slice %arg2[%dma_start3A_62, %dma_start3A_63] : memref<320000x128xf32, #tpu.memory_space<hbm>> -> memref<320000x128xf32, #tpu.memory_space<hbm>>
      tpu.enqueue_indirect_dma source(%dma_start3A_64 : memref<320000x128xf32, #tpu.memory_space<hbm>>) target(%dma_start3A_58 : memref<120x128xf32, #tpu.memory_space<vmem>>) offsets(%dma_start3A_61 : memref<120xi32, #tpu.memory_space<vmem>>) semaphore(%arg10 : memref<!tpu.dma_semaphore, #tpu.memory_space<semaphore_mem>>)
      %dma_start3A_65 = arith.constant 4 : i32
      %dma_start3A_66 = arith.constant 480 : i32
      %dma_start3A_67 = arith.constant 0 : i32
      %dma_start3A_68 = tpu.memref_slice %arg9[%dma_start3A_66, %dma_start3A_67] : memref<600x128xf32, #tpu.memory_space<vmem>> -> memref<120x128xf32, #tpu.memory_space<vmem>>
      %dma_start3A_69 = arith.constant 0 : i32
      %dma_start3A_70 = tpu.memref_slice %arg8[%dma_start3A_65, %dma_start3A_69] : memref<5x120xi32, #tpu.memory_space<vmem>> -> memref<1x120xi32, #tpu.memory_space<vmem>>
      %dma_start3A_71 = tpu.memref_squeeze %dma_start3A_70 : memref<1x120xi32, #tpu.memory_space<vmem>> -> memref<120xi32, #tpu.memory_space<vmem>>
      %dma_start3A_72 = arith.constant 0 : i32
      %dma_start3A_73 = arith.constant 0 : i32
      %dma_start3A_74 = tpu.memref_slice %arg2[%dma_start3A_72, %dma_start3A_73] : memref<320000x128xf32, #tpu.memory_space<hbm>> -> memref<320000x128xf32, #tpu.memory_space<hbm>>
      tpu.enqueue_indirect_dma source(%dma_start3A_74 : memref<320000x128xf32, #tpu.memory_space<hbm>>) target(%dma_start3A_68 : memref<120x128xf32, #tpu.memory_space<vmem>>) offsets(%dma_start3A_71 : memref<120xi32, #tpu.memory_space<vmem>>) semaphore(%arg10 : memref<!tpu.dma_semaphore, #tpu.memory_space<semaphore_mem>>)
      %dma_wait3A = arith.constant 0 : i32
      %dma_wait3A_75 = arith.constant 0 : i32
      %dma_wait3A_76 = arith.constant 0 : i32
      %dma_wait3A_77 = tpu.memref_slice %arg9[%dma_wait3A_75, %dma_wait3A_76] : memref<600x128xf32, #tpu.memory_space<vmem>> -> memref<120x128xf32, #tpu.memory_space<vmem>>
      %dma_wait3A_78 = arith.constant 0 : i32
      %dma_wait3A_79 = tpu.memref_slice %arg8[%dma_wait3A, %dma_wait3A_78] : memref<5x120xi32, #tpu.memory_space<vmem>> -> memref<1x120xi32, #tpu.memory_space<vmem>>
      %dma_wait3A_80 = tpu.memref_squeeze %dma_wait3A_79 : memref<1x120xi32, #tpu.memory_space<vmem>> -> memref<120xi32, #tpu.memory_space<vmem>>
      %dma_wait3A_81 = arith.constant 0 : i32
      %dma_wait3A_82 = arith.constant 0 : i32
      %dma_wait3A_83 = tpu.memref_slice %arg2[%dma_wait3A_81, %dma_wait3A_82] : memref<320000x128xf32, #tpu.memory_space<hbm>> -> memref<320000x128xf32, #tpu.memory_space<hbm>>
      tpu.wait_indirect_dma semaphore(%arg10 : memref<!tpu.dma_semaphore, #tpu.memory_space<semaphore_mem>>) src(%dma_wait3A_83 : memref<320000x128xf32, #tpu.memory_space<hbm>>) dst(%dma_wait3A_77 : memref<120x128xf32, #tpu.memory_space<vmem>>)
      %dma_wait3A_84 = arith.constant 1 : i32
      %dma_wait3A_85 = arith.constant 120 : i32
      %dma_wait3A_86 = arith.constant 0 : i32
      %dma_wait3A_87 = tpu.memref_slice %arg9[%dma_wait3A_85, %dma_wait3A_86] : memref<600x128xf32, #tpu.memory_space<vmem>> -> memref<120x128xf32, #tpu.memory_space<vmem>>
      %dma_wait3A_88 = arith.constant 0 : i32
      %dma_wait3A_89 = tpu.memref_slice %arg8[%dma_wait3A_84, %dma_wait3A_88] : memref<5x120xi32, #tpu.memory_space<vmem>> -> memref<1x120xi32, #tpu.memory_space<vmem>>
      %dma_wait3A_90 = tpu.memref_squeeze %dma_wait3A_89 : memref<1x120xi32, #tpu.memory_space<vmem>> -> memref<120xi32, #tpu.memory_space<vmem>>
      %dma_wait3A_91 = arith.constant 0 : i32
      %dma_wait3A_92 = arith.constant 0 : i32
      %dma_wait3A_93 = tpu.memref_slice %arg2[%dma_wait3A_91, %dma_wait3A_92] : memref<320000x128xf32, #tpu.memory_space<hbm>> -> memref<320000x128xf32, #tpu.memory_space<hbm>>
      tpu.wait_indirect_dma semaphore(%arg10 : memref<!tpu.dma_semaphore, #tpu.memory_space<semaphore_mem>>) src(%dma_wait3A_93 : memref<320000x128xf32, #tpu.memory_space<hbm>>) dst(%dma_wait3A_87 : memref<120x128xf32, #tpu.memory_space<vmem>>)
      %dma_wait3A_94 = arith.constant 2 : i32
      %dma_wait3A_95 = arith.constant 240 : i32
      %dma_wait3A_96 = arith.constant 0 : i32
      %dma_wait3A_97 = tpu.memref_slice %arg9[%dma_wait3A_95, %dma_wait3A_96] : memref<600x128xf32, #tpu.memory_space<vmem>> -> memref<120x128xf32, #tpu.memory_space<vmem>>
      %dma_wait3A_98 = arith.constant 0 : i32
      %dma_wait3A_99 = tpu.memref_slice %arg8[%dma_wait3A_94, %dma_wait3A_98] : memref<5x120xi32, #tpu.memory_space<vmem>> -> memref<1x120xi32, #tpu.memory_space<vmem>>
      %dma_wait3A_100 = tpu.memref_squeeze %dma_wait3A_99 : memref<1x120xi32, #tpu.memory_space<vmem>> -> memref<120xi32, #tpu.memory_space<vmem>>
      %dma_wait3A_101 = arith.constant 0 : i32
      %dma_wait3A_102 = arith.constant 0 : i32
      %dma_wait3A_103 = tpu.memref_slice %arg2[%dma_wait3A_101, %dma_wait3A_102] : memref<320000x128xf32, #tpu.memory_space<hbm>> -> memref<320000x128xf32, #tpu.memory_space<hbm>>
      tpu.wait_indirect_dma semaphore(%arg10 : memref<!tpu.dma_semaphore, #tpu.memory_space<semaphore_mem>>) src(%dma_wait3A_103 : memref<320000x128xf32, #tpu.memory_space<hbm>>) dst(%dma_wait3A_97 : memref<120x128xf32, #tpu.memory_space<vmem>>)
      %dma_wait3A_104 = arith.constant 3 : i32
      %dma_wait3A_105 = arith.constant 360 : i32
      %dma_wait3A_106 = arith.constant 0 : i32
      %dma_wait3A_107 = tpu.memref_slice %arg9[%dma_wait3A_105, %dma_wait3A_106] : memref<600x128xf32, #tpu.memory_space<vmem>> -> memref<120x128xf32, #tpu.memory_space<vmem>>
      %dma_wait3A_108 = arith.constant 0 : i32
      %dma_wait3A_109 = tpu.memref_slice %arg8[%dma_wait3A_104, %dma_wait3A_108] : memref<5x120xi32, #tpu.memory_space<vmem>> -> memref<1x120xi32, #tpu.memory_space<vmem>>
      %dma_wait3A_110 = tpu.memref_squeeze %dma_wait3A_109 : memref<1x120xi32, #tpu.memory_space<vmem>> -> memref<120xi32, #tpu.memory_space<vmem>>
      %dma_wait3A_111 = arith.constant 0 : i32
      %dma_wait3A_112 = arith.constant 0 : i32
      %dma_wait3A_113 = tpu.memref_slice %arg2[%dma_wait3A_111, %dma_wait3A_112] : memref<320000x128xf32, #tpu.memory_space<hbm>> -> memref<320000x128xf32, #tpu.memory_space<hbm>>
      tpu.wait_indirect_dma semaphore(%arg10 : memref<!tpu.dma_semaphore, #tpu.memory_space<semaphore_mem>>) src(%dma_wait3A_113 : memref<320000x128xf32, #tpu.memory_space<hbm>>) dst(%dma_wait3A_107 : memref<120x128xf32, #tpu.memory_space<vmem>>)
      %dma_wait3A_114 = arith.constant 4 : i32
      %dma_wait3A_115 = arith.constant 480 : i32
      %dma_wait3A_116 = arith.constant 0 : i32
      %dma_wait3A_117 = tpu.memref_slice %arg9[%dma_wait3A_115, %dma_wait3A_116] : memref<600x128xf32, #tpu.memory_space<vmem>> -> memref<120x128xf32, #tpu.memory_space<vmem>>
      %dma_wait3A_118 = arith.constant 0 : i32
      %dma_wait3A_119 = tpu.memref_slice %arg8[%dma_wait3A_114, %dma_wait3A_118] : memref<5x120xi32, #tpu.memory_space<vmem>> -> memref<1x120xi32, #tpu.memory_space<vmem>>
      %dma_wait3A_120 = tpu.memref_squeeze %dma_wait3A_119 : memref<1x120xi32, #tpu.memory_space<vmem>> -> memref<120xi32, #tpu.memory_space<vmem>>
      %dma_wait3A_121 = arith.constant 0 : i32
      %dma_wait3A_122 = arith.constant 0 : i32
      %dma_wait3A_123 = tpu.memref_slice %arg2[%dma_wait3A_121, %dma_wait3A_122] : memref<320000x128xf32, #tpu.memory_space<hbm>> -> memref<320000x128xf32, #tpu.memory_space<hbm>>
      tpu.wait_indirect_dma semaphore(%arg10 : memref<!tpu.dma_semaphore, #tpu.memory_space<semaphore_mem>>) src(%dma_wait3A_123 : memref<320000x128xf32, #tpu.memory_space<hbm>>) dst(%dma_wait3A_117 : memref<120x128xf32, #tpu.memory_space<vmem>>)
      "tpu.region"() ({
        %run_scoped3A_239 = tpu.sem_alloc : memref<!tpu.dma_semaphore, #tpu.memory_space<semaphore_mem>>
        %dma_start3A_240 = arith.constant 0 : i32
        %dma_start3A_241 = tpu.memref_slice %arg6[%add3A_11, %dma_start3A_240] : memref<960000x128xf32, #tpu.memory_space<hbm>> -> memref<600x128xf32, #tpu.memory_space<hbm>>
        %dma_start3A_242 = arith.constant 0 : i32
        %dma_start3A_243 = tpu.memref_slice %arg6[%add3A_11, %dma_start3A_242] : memref<960000x128xf32, #tpu.memory_space<hbm>> -> memref<600x128xf32, #tpu.memory_space<hbm>>
        tpu.enqueue_dma source(%arg9 : memref<600x128xf32, #tpu.memory_space<vmem>>) target(%dma_start3A_243 : memref<600x128xf32, #tpu.memory_space<hbm>>) target_semaphore(%run_scoped3A_239 : memref<!tpu.dma_semaphore, #tpu.memory_space<semaphore_mem>>)
        %dma_wait3A_244 = arith.constant 0 : i32
        %dma_wait3A_245 = tpu.memref_slice %arg6[%add3A_11, %dma_wait3A_244] : memref<960000x128xf32, #tpu.memory_space<hbm>> -> memref<600x128xf32, #tpu.memory_space<hbm>>
        %dma_wait3A_246 = arith.constant 0 : i32
        %dma_wait3A_247 = tpu.memref_slice %arg6[%add3A_11, %dma_wait3A_246] : memref<960000x128xf32, #tpu.memory_space<hbm>> -> memref<600x128xf32, #tpu.memory_space<hbm>>
        tpu.wait_dma2 semaphore(%run_scoped3A_239 : memref<!tpu.dma_semaphore, #tpu.memory_space<semaphore_mem>>) src(%arg9 : memref<600x128xf32, #tpu.memory_space<vmem>>) dst(%dma_wait3A_247 : memref<600x128xf32, #tpu.memory_space<hbm>>)
        tpu.yield
      }) : () -> ()
      %add3A_124 = arith.constant 0 : i32
      %add3A_125 = arith.addi %add3A_11, %add3A_124 : i32
      %run_scoped3A_126 = arith.constant 0 : i32
      "tpu.region"() ({
        %run_scoped3A_239 = tpu.sem_alloc : memref<!tpu.dma_semaphore, #tpu.memory_space<semaphore_mem>>
        %dma_start3A_240 = arith.constant 0 : i32
        %dma_start3A_241 = tpu.memref_slice %arg8[%run_scoped3A_126, %dma_start3A_240] : memref<5x120xi32, #tpu.memory_space<vmem>> -> memref<1x120xi32, #tpu.memory_space<vmem>>
        %dma_start3A_242 = tpu.memref_squeeze %dma_start3A_241 : memref<1x120xi32, #tpu.memory_space<vmem>> -> memref<120xi32, #tpu.memory_space<vmem>>
        %dma_start3A_243 = tpu.memref_slice %arg5[%add3A_125] : memref<960000xi32, #tpu.memory_space<hbm>> -> memref<120xi32, #tpu.memory_space<hbm>>
        %dma_start3A_244 = arith.constant 0 : i32
        %dma_start3A_245 = tpu.memref_slice %arg8[%run_scoped3A_126, %dma_start3A_244] : memref<5x120xi32, #tpu.memory_space<vmem>> -> memref<1x120xi32, #tpu.memory_space<vmem>>
        %dma_start3A_246 = tpu.memref_squeeze %dma_start3A_245 : memref<1x120xi32, #tpu.memory_space<vmem>> -> memref<120xi32, #tpu.memory_space<vmem>>
        %dma_start3A_247 = tpu.memref_slice %arg5[%add3A_125] : memref<960000xi32, #tpu.memory_space<hbm>> -> memref<120xi32, #tpu.memory_space<hbm>>
        tpu.enqueue_dma source(%dma_start3A_247 : memref<120xi32, #tpu.memory_space<hbm>>) target(%dma_start3A_246 : memref<120xi32, #tpu.memory_space<vmem>>) target_semaphore(%run_scoped3A_239 : memref<!tpu.dma_semaphore, #tpu.memory_space<semaphore_mem>>)
        %dma_wait3A_248 = arith.constant 0 : i32
        %dma_wait3A_249 = tpu.memref_slice %arg8[%run_scoped3A_126, %dma_wait3A_248] : memref<5x120xi32, #tpu.memory_space<vmem>> -> memref<1x120xi32, #tpu.memory_space<vmem>>
        %dma_wait3A_250 = tpu.memref_squeeze %dma_wait3A_249 : memref<1x120xi32, #tpu.memory_space<vmem>> -> memref<120xi32, #tpu.memory_space<vmem>>
        %dma_wait3A_251 = tpu.memref_slice %arg5[%add3A_125] : memref<960000xi32, #tpu.memory_space<hbm>> -> memref<120xi32, #tpu.memory_space<hbm>>
        %dma_wait3A_252 = arith.constant 0 : i32
        %dma_wait3A_253 = tpu.memref_slice %arg8[%run_scoped3A_126, %dma_wait3A_252] : memref<5x120xi32, #tpu.memory_space<vmem>> -> memref<1x120xi32, #tpu.memory_space<vmem>>
        %dma_wait3A_254 = tpu.memref_squeeze %dma_wait3A_253 : memref<1x120xi32, #tpu.memory_space<vmem>> -> memref<120xi32, #tpu.memory_space<vmem>>
        %dma_wait3A_255 = tpu.memref_slice %arg5[%add3A_125] : memref<960000xi32, #tpu.memory_space<hbm>> -> memref<120xi32, #tpu.memory_space<hbm>>
        tpu.wait_dma2 semaphore(%run_scoped3A_239 : memref<!tpu.dma_semaphore, #tpu.memory_space<semaphore_mem>>) src(%dma_wait3A_255 : memref<120xi32, #tpu.memory_space<hbm>>) dst(%dma_wait3A_254 : memref<120xi32, #tpu.memory_space<vmem>>)
        tpu.yield
      }) : () -> ()
      %add3A_127 = arith.constant 120 : i32
      %add3A_128 = arith.addi %add3A_11, %add3A_127 : i32
      %run_scoped3A_129 = arith.constant 1 : i32
      "tpu.region"() ({
        %run_scoped3A_239 = tpu.sem_alloc : memref<!tpu.dma_semaphore, #tpu.memory_space<semaphore_mem>>
        %dma_start3A_240 = arith.constant 0 : i32
        %dma_start3A_241 = tpu.memref_slice %arg8[%run_scoped3A_129, %dma_start3A_240] : memref<5x120xi32, #tpu.memory_space<vmem>> -> memref<1x120xi32, #tpu.memory_space<vmem>>
        %dma_start3A_242 = tpu.memref_squeeze %dma_start3A_241 : memref<1x120xi32, #tpu.memory_space<vmem>> -> memref<120xi32, #tpu.memory_space<vmem>>
        %dma_start3A_243 = tpu.memref_slice %arg5[%add3A_128] : memref<960000xi32, #tpu.memory_space<hbm>> -> memref<120xi32, #tpu.memory_space<hbm>>
        %dma_start3A_244 = arith.constant 0 : i32
        %dma_start3A_245 = tpu.memref_slice %arg8[%run_scoped3A_129, %dma_start3A_244] : memref<5x120xi32, #tpu.memory_space<vmem>> -> memref<1x120xi32, #tpu.memory_space<vmem>>
        %dma_start3A_246 = tpu.memref_squeeze %dma_start3A_245 : memref<1x120xi32, #tpu.memory_space<vmem>> -> memref<120xi32, #tpu.memory_space<vmem>>
        %dma_start3A_247 = tpu.memref_slice %arg5[%add3A_128] : memref<960000xi32, #tpu.memory_space<hbm>> -> memref<120xi32, #tpu.memory_space<hbm>>
        tpu.enqueue_dma source(%dma_start3A_247 : memref<120xi32, #tpu.memory_space<hbm>>) target(%dma_start3A_246 : memref<120xi32, #tpu.memory_space<vmem>>) target_semaphore(%run_scoped3A_239 : memref<!tpu.dma_semaphore, #tpu.memory_space<semaphore_mem>>)
        %dma_wait3A_248 = arith.constant 0 : i32
        %dma_wait3A_249 = tpu.memref_slice %arg8[%run_scoped3A_129, %dma_wait3A_248] : memref<5x120xi32, #tpu.memory_space<vmem>> -> memref<1x120xi32, #tpu.memory_space<vmem>>
        %dma_wait3A_250 = tpu.memref_squeeze %dma_wait3A_249 : memref<1x120xi32, #tpu.memory_space<vmem>> -> memref<120xi32, #tpu.memory_space<vmem>>
        %dma_wait3A_251 = tpu.memref_slice %arg5[%add3A_128] : memref<960000xi32, #tpu.memory_space<hbm>> -> memref<120xi32, #tpu.memory_space<hbm>>
        %dma_wait3A_252 = arith.constant 0 : i32
        %dma_wait3A_253 = tpu.memref_slice %arg8[%run_scoped3A_129, %dma_wait3A_252] : memref<5x120xi32, #tpu.memory_space<vmem>> -> memref<1x120xi32, #tpu.memory_space<vmem>>
        %dma_wait3A_254 = tpu.memref_squeeze %dma_wait3A_253 : memref<1x120xi32, #tpu.memory_space<vmem>> -> memref<120xi32, #tpu.memory_space<vmem>>
        %dma_wait3A_255 = tpu.memref_slice %arg5[%add3A_128] : memref<960000xi32, #tpu.memory_space<hbm>> -> memref<120xi32, #tpu.memory_space<hbm>>
        tpu.wait_dma2 semaphore(%run_scoped3A_239 : memref<!tpu.dma_semaphore, #tpu.memory_space<semaphore_mem>>) src(%dma_wait3A_255 : memref<120xi32, #tpu.memory_space<hbm>>) dst(%dma_wait3A_254 : memref<120xi32, #tpu.memory_space<vmem>>)
        tpu.yield
      }) : () -> ()
      %add3A_130 = arith.constant 240 : i32
      %add3A_131 = arith.addi %add3A_11, %add3A_130 : i32
      %run_scoped3A_132 = arith.constant 2 : i32
      "tpu.region"() ({
        %run_scoped3A_239 = tpu.sem_alloc : memref<!tpu.dma_semaphore, #tpu.memory_space<semaphore_mem>>
        %dma_start3A_240 = arith.constant 0 : i32
        %dma_start3A_241 = tpu.memref_slice %arg8[%run_scoped3A_132, %dma_start3A_240] : memref<5x120xi32, #tpu.memory_space<vmem>> -> memref<1x120xi32, #tpu.memory_space<vmem>>
        %dma_start3A_242 = tpu.memref_squeeze %dma_start3A_241 : memref<1x120xi32, #tpu.memory_space<vmem>> -> memref<120xi32, #tpu.memory_space<vmem>>
        %dma_start3A_243 = tpu.memref_slice %arg5[%add3A_131] : memref<960000xi32, #tpu.memory_space<hbm>> -> memref<120xi32, #tpu.memory_space<hbm>>
        %dma_start3A_244 = arith.constant 0 : i32
        %dma_start3A_245 = tpu.memref_slice %arg8[%run_scoped3A_132, %dma_start3A_244] : memref<5x120xi32, #tpu.memory_space<vmem>> -> memref<1x120xi32, #tpu.memory_space<vmem>>
        %dma_start3A_246 = tpu.memref_squeeze %dma_start3A_245 : memref<1x120xi32, #tpu.memory_space<vmem>> -> memref<120xi32, #tpu.memory_space<vmem>>
        %dma_start3A_247 = tpu.memref_slice %arg5[%add3A_131] : memref<960000xi32, #tpu.memory_space<hbm>> -> memref<120xi32, #tpu.memory_space<hbm>>
        tpu.enqueue_dma source(%dma_start3A_247 : memref<120xi32, #tpu.memory_space<hbm>>) target(%dma_start3A_246 : memref<120xi32, #tpu.memory_space<vmem>>) target_semaphore(%run_scoped3A_239 : memref<!tpu.dma_semaphore, #tpu.memory_space<semaphore_mem>>)
        %dma_wait3A_248 = arith.constant 0 : i32
        %dma_wait3A_249 = tpu.memref_slice %arg8[%run_scoped3A_132, %dma_wait3A_248] : memref<5x120xi32, #tpu.memory_space<vmem>> -> memref<1x120xi32, #tpu.memory_space<vmem>>
        %dma_wait3A_250 = tpu.memref_squeeze %dma_wait3A_249 : memref<1x120xi32, #tpu.memory_space<vmem>> -> memref<120xi32, #tpu.memory_space<vmem>>
        %dma_wait3A_251 = tpu.memref_slice %arg5[%add3A_131] : memref<960000xi32, #tpu.memory_space<hbm>> -> memref<120xi32, #tpu.memory_space<hbm>>
        %dma_wait3A_252 = arith.constant 0 : i32
        %dma_wait3A_253 = tpu.memref_slice %arg8[%run_scoped3A_132, %dma_wait3A_252] : memref<5x120xi32, #tpu.memory_space<vmem>> -> memref<1x120xi32, #tpu.memory_space<vmem>>
        %dma_wait3A_254 = tpu.memref_squeeze %dma_wait3A_253 : memref<1x120xi32, #tpu.memory_space<vmem>> -> memref<120xi32, #tpu.memory_space<vmem>>
        %dma_wait3A_255 = tpu.memref_slice %arg5[%add3A_131] : memref<960000xi32, #tpu.memory_space<hbm>> -> memref<120xi32, #tpu.memory_space<hbm>>
        tpu.wait_dma2 semaphore(%run_scoped3A_239 : memref<!tpu.dma_semaphore, #tpu.memory_space<semaphore_mem>>) src(%dma_wait3A_255 : memref<120xi32, #tpu.memory_space<hbm>>) dst(%dma_wait3A_254 : memref<120xi32, #tpu.memory_space<vmem>>)
        tpu.yield
      }) : () -> ()
      %add3A_133 = arith.constant 360 : i32
      %add3A_134 = arith.addi %add3A_11, %add3A_133 : i32
      %run_scoped3A_135 = arith.constant 3 : i32
      "tpu.region"() ({
        %run_scoped3A_239 = tpu.sem_alloc : memref<!tpu.dma_semaphore, #tpu.memory_space<semaphore_mem>>
        %dma_start3A_240 = arith.constant 0 : i32
        %dma_start3A_241 = tpu.memref_slice %arg8[%run_scoped3A_135, %dma_start3A_240] : memref<5x120xi32, #tpu.memory_space<vmem>> -> memref<1x120xi32, #tpu.memory_space<vmem>>
        %dma_start3A_242 = tpu.memref_squeeze %dma_start3A_241 : memref<1x120xi32, #tpu.memory_space<vmem>> -> memref<120xi32, #tpu.memory_space<vmem>>
        %dma_start3A_243 = tpu.memref_slice %arg5[%add3A_134] : memref<960000xi32, #tpu.memory_space<hbm>> -> memref<120xi32, #tpu.memory_space<hbm>>
        %dma_start3A_244 = arith.constant 0 : i32
        %dma_start3A_245 = tpu.memref_slice %arg8[%run_scoped3A_135, %dma_start3A_244] : memref<5x120xi32, #tpu.memory_space<vmem>> -> memref<1x120xi32, #tpu.memory_space<vmem>>
        %dma_start3A_246 = tpu.memref_squeeze %dma_start3A_245 : memref<1x120xi32, #tpu.memory_space<vmem>> -> memref<120xi32, #tpu.memory_space<vmem>>
        %dma_start3A_247 = tpu.memref_slice %arg5[%add3A_134] : memref<960000xi32, #tpu.memory_space<hbm>> -> memref<120xi32, #tpu.memory_space<hbm>>
        tpu.enqueue_dma source(%dma_start3A_247 : memref<120xi32, #tpu.memory_space<hbm>>) target(%dma_start3A_246 : memref<120xi32, #tpu.memory_space<vmem>>) target_semaphore(%run_scoped3A_239 : memref<!tpu.dma_semaphore, #tpu.memory_space<semaphore_mem>>)
        %dma_wait3A_248 = arith.constant 0 : i32
        %dma_wait3A_249 = tpu.memref_slice %arg8[%run_scoped3A_135, %dma_wait3A_248] : memref<5x120xi32, #tpu.memory_space<vmem>> -> memref<1x120xi32, #tpu.memory_space<vmem>>
        %dma_wait3A_250 = tpu.memref_squeeze %dma_wait3A_249 : memref<1x120xi32, #tpu.memory_space<vmem>> -> memref<120xi32, #tpu.memory_space<vmem>>
        %dma_wait3A_251 = tpu.memref_slice %arg5[%add3A_134] : memref<960000xi32, #tpu.memory_space<hbm>> -> memref<120xi32, #tpu.memory_space<hbm>>
        %dma_wait3A_252 = arith.constant 0 : i32
        %dma_wait3A_253 = tpu.memref_slice %arg8[%run_scoped3A_135, %dma_wait3A_252] : memref<5x120xi32, #tpu.memory_space<vmem>> -> memref<1x120xi32, #tpu.memory_space<vmem>>
        %dma_wait3A_254 = tpu.memref_squeeze %dma_wait3A_253 : memref<1x120xi32, #tpu.memory_space<vmem>> -> memref<120xi32, #tpu.memory_space<vmem>>
        %dma_wait3A_255 = tpu.memref_slice %arg5[%add3A_134] : memref<960000xi32, #tpu.memory_space<hbm>> -> memref<120xi32, #tpu.memory_space<hbm>>
        tpu.wait_dma2 semaphore(%run_scoped3A_239 : memref<!tpu.dma_semaphore, #tpu.memory_space<semaphore_mem>>) src(%dma_wait3A_255 : memref<120xi32, #tpu.memory_space<hbm>>) dst(%dma_wait3A_254 : memref<120xi32, #tpu.memory_space<vmem>>)
        tpu.yield
      }) : () -> ()
      %add3A_136 = arith.constant 480 : i32
      %add3A_137 = arith.addi %add3A_11, %add3A_136 : i32
      %run_scoped3A_138 = arith.constant 4 : i32
      "tpu.region"() ({
        %run_scoped3A_239 = tpu.sem_alloc : memref<!tpu.dma_semaphore, #tpu.memory_space<semaphore_mem>>
        %dma_start3A_240 = arith.constant 0 : i32
        %dma_start3A_241 = tpu.memref_slice %arg8[%run_scoped3A_138, %dma_start3A_240] : memref<5x120xi32, #tpu.memory_space<vmem>> -> memref<1x120xi32, #tpu.memory_space<vmem>>
        %dma_start3A_242 = tpu.memref_squeeze %dma_start3A_241 : memref<1x120xi32, #tpu.memory_space<vmem>> -> memref<120xi32, #tpu.memory_space<vmem>>
        %dma_start3A_243 = tpu.memref_slice %arg5[%add3A_137] : memref<960000xi32, #tpu.memory_space<hbm>> -> memref<120xi32, #tpu.memory_space<hbm>>
        %dma_start3A_244 = arith.constant 0 : i32
        %dma_start3A_245 = tpu.memref_slice %arg8[%run_scoped3A_138, %dma_start3A_244] : memref<5x120xi32, #tpu.memory_space<vmem>> -> memref<1x120xi32, #tpu.memory_space<vmem>>
        %dma_start3A_246 = tpu.memref_squeeze %dma_start3A_245 : memref<1x120xi32, #tpu.memory_space<vmem>> -> memref<120xi32, #tpu.memory_space<vmem>>
        %dma_start3A_247 = tpu.memref_slice %arg5[%add3A_137] : memref<960000xi32, #tpu.memory_space<hbm>> -> memref<120xi32, #tpu.memory_space<hbm>>
        tpu.enqueue_dma source(%dma_start3A_247 : memref<120xi32, #tpu.memory_space<hbm>>) target(%dma_start3A_246 : memref<120xi32, #tpu.memory_space<vmem>>) target_semaphore(%run_scoped3A_239 : memref<!tpu.dma_semaphore, #tpu.memory_space<semaphore_mem>>)
        %dma_wait3A_248 = arith.constant 0 : i32
        %dma_wait3A_249 = tpu.memref_slice %arg8[%run_scoped3A_138, %dma_wait3A_248] : memref<5x120xi32, #tpu.memory_space<vmem>> -> memref<1x120xi32, #tpu.memory_space<vmem>>
        %dma_wait3A_250 = tpu.memref_squeeze %dma_wait3A_249 : memref<1x120xi32, #tpu.memory_space<vmem>> -> memref<120xi32, #tpu.memory_space<vmem>>
        %dma_wait3A_251 = tpu.memref_slice %arg5[%add3A_137] : memref<960000xi32, #tpu.memory_space<hbm>> -> memref<120xi32, #tpu.memory_space<hbm>>
        %dma_wait3A_252 = arith.constant 0 : i32
        %dma_wait3A_253 = tpu.memref_slice %arg8[%run_scoped3A_138, %dma_wait3A_252] : memref<5x120xi32, #tpu.memory_space<vmem>> -> memref<1x120xi32, #tpu.memory_space<vmem>>
        %dma_wait3A_254 = tpu.memref_squeeze %dma_wait3A_253 : memref<1x120xi32, #tpu.memory_space<vmem>> -> memref<120xi32, #tpu.memory_space<vmem>>
        %dma_wait3A_255 = tpu.memref_slice %arg5[%add3A_137] : memref<960000xi32, #tpu.memory_space<hbm>> -> memref<120xi32, #tpu.memory_space<hbm>>
        tpu.wait_dma2 semaphore(%run_scoped3A_239 : memref<!tpu.dma_semaphore, #tpu.memory_space<semaphore_mem>>) src(%dma_wait3A_255 : memref<120xi32, #tpu.memory_space<hbm>>) dst(%dma_wait3A_254 : memref<120xi32, #tpu.memory_space<vmem>>)
        tpu.yield
      }) : () -> ()
      %dma_start3A_139 = arith.constant 0 : i32
      %dma_start3A_140 = arith.constant 0 : i32
      %dma_start3A_141 = arith.constant 0 : i32
      %dma_start3A_142 = tpu.memref_slice %arg9[%dma_start3A_140, %dma_start3A_141] : memref<600x128xf32, #tpu.memory_space<vmem>> -> memref<120x128xf32, #tpu.memory_space<vmem>>
      %dma_start3A_143 = arith.constant 0 : i32
      %dma_start3A_144 = tpu.memref_slice %arg8[%dma_start3A_139, %dma_start3A_143] : memref<5x120xi32, #tpu.memory_space<vmem>> -> memref<1x120xi32, #tpu.memory_space<vmem>>
      %dma_start3A_145 = tpu.memref_squeeze %dma_start3A_144 : memref<1x120xi32, #tpu.memory_space<vmem>> -> memref<120xi32, #tpu.memory_space<vmem>>
      %dma_start3A_146 = arith.constant 0 : i32
      %dma_start3A_147 = arith.constant 0 : i32
      %dma_start3A_148 = tpu.memref_slice %arg3[%dma_start3A_146, %dma_start3A_147] : memref<320000x128xf32, #tpu.memory_space<hbm>> -> memref<320000x128xf32, #tpu.memory_space<hbm>>
      tpu.enqueue_indirect_dma source(%dma_start3A_148 : memref<320000x128xf32, #tpu.memory_space<hbm>>) target(%dma_start3A_142 : memref<120x128xf32, #tpu.memory_space<vmem>>) offsets(%dma_start3A_145 : memref<120xi32, #tpu.memory_space<vmem>>) semaphore(%arg10 : memref<!tpu.dma_semaphore, #tpu.memory_space<semaphore_mem>>)
      %dma_start3A_149 = arith.constant 1 : i32
      %dma_start3A_150 = arith.constant 120 : i32
      %dma_start3A_151 = arith.constant 0 : i32
      %dma_start3A_152 = tpu.memref_slice %arg9[%dma_start3A_150, %dma_start3A_151] : memref<600x128xf32, #tpu.memory_space<vmem>> -> memref<120x128xf32, #tpu.memory_space<vmem>>
      %dma_start3A_153 = arith.constant 0 : i32
      %dma_start3A_154 = tpu.memref_slice %arg8[%dma_start3A_149, %dma_start3A_153] : memref<5x120xi32, #tpu.memory_space<vmem>> -> memref<1x120xi32, #tpu.memory_space<vmem>>
      %dma_start3A_155 = tpu.memref_squeeze %dma_start3A_154 : memref<1x120xi32, #tpu.memory_space<vmem>> -> memref<120xi32, #tpu.memory_space<vmem>>
      %dma_start3A_156 = arith.constant 0 : i32
      %dma_start3A_157 = arith.constant 0 : i32
      %dma_start3A_158 = tpu.memref_slice %arg3[%dma_start3A_156, %dma_start3A_157] : memref<320000x128xf32, #tpu.memory_space<hbm>> -> memref<320000x128xf32, #tpu.memory_space<hbm>>
      tpu.enqueue_indirect_dma source(%dma_start3A_158 : memref<320000x128xf32, #tpu.memory_space<hbm>>) target(%dma_start3A_152 : memref<120x128xf32, #tpu.memory_space<vmem>>) offsets(%dma_start3A_155 : memref<120xi32, #tpu.memory_space<vmem>>) semaphore(%arg10 : memref<!tpu.dma_semaphore, #tpu.memory_space<semaphore_mem>>)
      %dma_start3A_159 = arith.constant 2 : i32
      %dma_start3A_160 = arith.constant 240 : i32
      %dma_start3A_161 = arith.constant 0 : i32
      %dma_start3A_162 = tpu.memref_slice %arg9[%dma_start3A_160, %dma_start3A_161] : memref<600x128xf32, #tpu.memory_space<vmem>> -> memref<120x128xf32, #tpu.memory_space<vmem>>
      %dma_start3A_163 = arith.constant 0 : i32
      %dma_start3A_164 = tpu.memref_slice %arg8[%dma_start3A_159, %dma_start3A_163] : memref<5x120xi32, #tpu.memory_space<vmem>> -> memref<1x120xi32, #tpu.memory_space<vmem>>
      %dma_start3A_165 = tpu.memref_squeeze %dma_start3A_164 : memref<1x120xi32, #tpu.memory_space<vmem>> -> memref<120xi32, #tpu.memory_space<vmem>>
      %dma_start3A_166 = arith.constant 0 : i32
      %dma_start3A_167 = arith.constant 0 : i32
      %dma_start3A_168 = tpu.memref_slice %arg3[%dma_start3A_166, %dma_start3A_167] : memref<320000x128xf32, #tpu.memory_space<hbm>> -> memref<320000x128xf32, #tpu.memory_space<hbm>>
      tpu.enqueue_indirect_dma source(%dma_start3A_168 : memref<320000x128xf32, #tpu.memory_space<hbm>>) target(%dma_start3A_162 : memref<120x128xf32, #tpu.memory_space<vmem>>) offsets(%dma_start3A_165 : memref<120xi32, #tpu.memory_space<vmem>>) semaphore(%arg10 : memref<!tpu.dma_semaphore, #tpu.memory_space<semaphore_mem>>)
      %dma_start3A_169 = arith.constant 3 : i32
      %dma_start3A_170 = arith.constant 360 : i32
      %dma_start3A_171 = arith.constant 0 : i32
      %dma_start3A_172 = tpu.memref_slice %arg9[%dma_start3A_170, %dma_start3A_171] : memref<600x128xf32, #tpu.memory_space<vmem>> -> memref<120x128xf32, #tpu.memory_space<vmem>>
      %dma_start3A_173 = arith.constant 0 : i32
      %dma_start3A_174 = tpu.memref_slice %arg8[%dma_start3A_169, %dma_start3A_173] : memref<5x120xi32, #tpu.memory_space<vmem>> -> memref<1x120xi32, #tpu.memory_space<vmem>>
      %dma_start3A_175 = tpu.memref_squeeze %dma_start3A_174 : memref<1x120xi32, #tpu.memory_space<vmem>> -> memref<120xi32, #tpu.memory_space<vmem>>
      %dma_start3A_176 = arith.constant 0 : i32
      %dma_start3A_177 = arith.constant 0 : i32
      %dma_start3A_178 = tpu.memref_slice %arg3[%dma_start3A_176, %dma_start3A_177] : memref<320000x128xf32, #tpu.memory_space<hbm>> -> memref<320000x128xf32, #tpu.memory_space<hbm>>
      tpu.enqueue_indirect_dma source(%dma_start3A_178 : memref<320000x128xf32, #tpu.memory_space<hbm>>) target(%dma_start3A_172 : memref<120x128xf32, #tpu.memory_space<vmem>>) offsets(%dma_start3A_175 : memref<120xi32, #tpu.memory_space<vmem>>) semaphore(%arg10 : memref<!tpu.dma_semaphore, #tpu.memory_space<semaphore_mem>>)
      %dma_start3A_179 = arith.constant 4 : i32
      %dma_start3A_180 = arith.constant 480 : i32
      %dma_start3A_181 = arith.constant 0 : i32
      %dma_start3A_182 = tpu.memref_slice %arg9[%dma_start3A_180, %dma_start3A_181] : memref<600x128xf32, #tpu.memory_space<vmem>> -> memref<120x128xf32, #tpu.memory_space<vmem>>
      %dma_start3A_183 = arith.constant 0 : i32
      %dma_start3A_184 = tpu.memref_slice %arg8[%dma_start3A_179, %dma_start3A_183] : memref<5x120xi32, #tpu.memory_space<vmem>> -> memref<1x120xi32, #tpu.memory_space<vmem>>
      %dma_start3A_185 = tpu.memref_squeeze %dma_start3A_184 : memref<1x120xi32, #tpu.memory_space<vmem>> -> memref<120xi32, #tpu.memory_space<vmem>>
      %dma_start3A_186 = arith.constant 0 : i32
      %dma_start3A_187 = arith.constant 0 : i32
      %dma_start3A_188 = tpu.memref_slice %arg3[%dma_start3A_186, %dma_start3A_187] : memref<320000x128xf32, #tpu.memory_space<hbm>> -> memref<320000x128xf32, #tpu.memory_space<hbm>>
      tpu.enqueue_indirect_dma source(%dma_start3A_188 : memref<320000x128xf32, #tpu.memory_space<hbm>>) target(%dma_start3A_182 : memref<120x128xf32, #tpu.memory_space<vmem>>) offsets(%dma_start3A_185 : memref<120xi32, #tpu.memory_space<vmem>>) semaphore(%arg10 : memref<!tpu.dma_semaphore, #tpu.memory_space<semaphore_mem>>)
      %dma_wait3A_189 = arith.constant 0 : i32
      %dma_wait3A_190 = arith.constant 0 : i32
      %dma_wait3A_191 = arith.constant 0 : i32
      %dma_wait3A_192 = tpu.memref_slice %arg9[%dma_wait3A_190, %dma_wait3A_191] : memref<600x128xf32, #tpu.memory_space<vmem>> -> memref<120x128xf32, #tpu.memory_space<vmem>>
      %dma_wait3A_193 = arith.constant 0 : i32
      %dma_wait3A_194 = tpu.memref_slice %arg8[%dma_wait3A_189, %dma_wait3A_193] : memref<5x120xi32, #tpu.memory_space<vmem>> -> memref<1x120xi32, #tpu.memory_space<vmem>>
      %dma_wait3A_195 = tpu.memref_squeeze %dma_wait3A_194 : memref<1x120xi32, #tpu.memory_space<vmem>> -> memref<120xi32, #tpu.memory_space<vmem>>
      %dma_wait3A_196 = arith.constant 0 : i32
      %dma_wait3A_197 = arith.constant 0 : i32
      %dma_wait3A_198 = tpu.memref_slice %arg3[%dma_wait3A_196, %dma_wait3A_197] : memref<320000x128xf32, #tpu.memory_space<hbm>> -> memref<320000x128xf32, #tpu.memory_space<hbm>>
      tpu.wait_indirect_dma semaphore(%arg10 : memref<!tpu.dma_semaphore, #tpu.memory_space<semaphore_mem>>) src(%dma_wait3A_198 : memref<320000x128xf32, #tpu.memory_space<hbm>>) dst(%dma_wait3A_192 : memref<120x128xf32, #tpu.memory_space<vmem>>)
      %dma_wait3A_199 = arith.constant 1 : i32
      %dma_wait3A_200 = arith.constant 120 : i32
      %dma_wait3A_201 = arith.constant 0 : i32
      %dma_wait3A_202 = tpu.memref_slice %arg9[%dma_wait3A_200, %dma_wait3A_201] : memref<600x128xf32, #tpu.memory_space<vmem>> -> memref<120x128xf32, #tpu.memory_space<vmem>>
      %dma_wait3A_203 = arith.constant 0 : i32
      %dma_wait3A_204 = tpu.memref_slice %arg8[%dma_wait3A_199, %dma_wait3A_203] : memref<5x120xi32, #tpu.memory_space<vmem>> -> memref<1x120xi32, #tpu.memory_space<vmem>>
      %dma_wait3A_205 = tpu.memref_squeeze %dma_wait3A_204 : memref<1x120xi32, #tpu.memory_space<vmem>> -> memref<120xi32, #tpu.memory_space<vmem>>
      %dma_wait3A_206 = arith.constant 0 : i32
      %dma_wait3A_207 = arith.constant 0 : i32
      %dma_wait3A_208 = tpu.memref_slice %arg3[%dma_wait3A_206, %dma_wait3A_207] : memref<320000x128xf32, #tpu.memory_space<hbm>> -> memref<320000x128xf32, #tpu.memory_space<hbm>>
      tpu.wait_indirect_dma semaphore(%arg10 : memref<!tpu.dma_semaphore, #tpu.memory_space<semaphore_mem>>) src(%dma_wait3A_208 : memref<320000x128xf32, #tpu.memory_space<hbm>>) dst(%dma_wait3A_202 : memref<120x128xf32, #tpu.memory_space<vmem>>)
      %dma_wait3A_209 = arith.constant 2 : i32
      %dma_wait3A_210 = arith.constant 240 : i32
      %dma_wait3A_211 = arith.constant 0 : i32
      %dma_wait3A_212 = tpu.memref_slice %arg9[%dma_wait3A_210, %dma_wait3A_211] : memref<600x128xf32, #tpu.memory_space<vmem>> -> memref<120x128xf32, #tpu.memory_space<vmem>>
      %dma_wait3A_213 = arith.constant 0 : i32
      %dma_wait3A_214 = tpu.memref_slice %arg8[%dma_wait3A_209, %dma_wait3A_213] : memref<5x120xi32, #tpu.memory_space<vmem>> -> memref<1x120xi32, #tpu.memory_space<vmem>>
      %dma_wait3A_215 = tpu.memref_squeeze %dma_wait3A_214 : memref<1x120xi32, #tpu.memory_space<vmem>> -> memref<120xi32, #tpu.memory_space<vmem>>
      %dma_wait3A_216 = arith.constant 0 : i32
      %dma_wait3A_217 = arith.constant 0 : i32
      %dma_wait3A_218 = tpu.memref_slice %arg3[%dma_wait3A_216, %dma_wait3A_217] : memref<320000x128xf32, #tpu.memory_space<hbm>> -> memref<320000x128xf32, #tpu.memory_space<hbm>>
      tpu.wait_indirect_dma semaphore(%arg10 : memref<!tpu.dma_semaphore, #tpu.memory_space<semaphore_mem>>) src(%dma_wait3A_218 : memref<320000x128xf32, #tpu.memory_space<hbm>>) dst(%dma_wait3A_212 : memref<120x128xf32, #tpu.memory_space<vmem>>)
      %dma_wait3A_219 = arith.constant 3 : i32
      %dma_wait3A_220 = arith.constant 360 : i32
      %dma_wait3A_221 = arith.constant 0 : i32
      %dma_wait3A_222 = tpu.memref_slice %arg9[%dma_wait3A_220, %dma_wait3A_221] : memref<600x128xf32, #tpu.memory_space<vmem>> -> memref<120x128xf32, #tpu.memory_space<vmem>>
      %dma_wait3A_223 = arith.constant 0 : i32
      %dma_wait3A_224 = tpu.memref_slice %arg8[%dma_wait3A_219, %dma_wait3A_223] : memref<5x120xi32, #tpu.memory_space<vmem>> -> memref<1x120xi32, #tpu.memory_space<vmem>>
      %dma_wait3A_225 = tpu.memref_squeeze %dma_wait3A_224 : memref<1x120xi32, #tpu.memory_space<vmem>> -> memref<120xi32, #tpu.memory_space<vmem>>
      %dma_wait3A_226 = arith.constant 0 : i32
      %dma_wait3A_227 = arith.constant 0 : i32
      %dma_wait3A_228 = tpu.memref_slice %arg3[%dma_wait3A_226, %dma_wait3A_227] : memref<320000x128xf32, #tpu.memory_space<hbm>> -> memref<320000x128xf32, #tpu.memory_space<hbm>>
      tpu.wait_indirect_dma semaphore(%arg10 : memref<!tpu.dma_semaphore, #tpu.memory_space<semaphore_mem>>) src(%dma_wait3A_228 : memref<320000x128xf32, #tpu.memory_space<hbm>>) dst(%dma_wait3A_222 : memref<120x128xf32, #tpu.memory_space<vmem>>)
      %dma_wait3A_229 = arith.constant 4 : i32
      %dma_wait3A_230 = arith.constant 480 : i32
      %dma_wait3A_231 = arith.constant 0 : i32
      %dma_wait3A_232 = tpu.memref_slice %arg9[%dma_wait3A_230, %dma_wait3A_231] : memref<600x128xf32, #tpu.memory_space<vmem>> -> memref<120x128xf32, #tpu.memory_space<vmem>>
      %dma_wait3A_233 = arith.constant 0 : i32
      %dma_wait3A_234 = tpu.memref_slice %arg8[%dma_wait3A_229, %dma_wait3A_233] : memref<5x120xi32, #tpu.memory_space<vmem>> -> memref<1x120xi32, #tpu.memory_space<vmem>>
      %dma_wait3A_235 = tpu.memref_squeeze %dma_wait3A_234 : memref<1x120xi32, #tpu.memory_space<vmem>> -> memref<120xi32, #tpu.memory_space<vmem>>
      %dma_wait3A_236 = arith.constant 0 : i32
      %dma_wait3A_237 = arith.constant 0 : i32
      %dma_wait3A_238 = tpu.memref_slice %arg3[%dma_wait3A_236, %dma_wait3A_237] : memref<320000x128xf32, #tpu.memory_space<hbm>> -> memref<320000x128xf32, #tpu.memory_space<hbm>>
      tpu.wait_indirect_dma semaphore(%arg10 : memref<!tpu.dma_semaphore, #tpu.memory_space<semaphore_mem>>) src(%dma_wait3A_238 : memref<320000x128xf32, #tpu.memory_space<hbm>>) dst(%dma_wait3A_232 : memref<120x128xf32, #tpu.memory_space<vmem>>)
      "tpu.region"() ({
        %run_scoped3A_239 = tpu.sem_alloc : memref<!tpu.dma_semaphore, #tpu.memory_space<semaphore_mem>>
        %dma_start3A_240 = arith.constant 0 : i32
        %dma_start3A_241 = tpu.memref_slice %arg7[%add3A_11, %dma_start3A_240] : memref<960000x128xf32, #tpu.memory_space<hbm>> -> memref<600x128xf32, #tpu.memory_space<hbm>>
        %dma_start3A_242 = arith.constant 0 : i32
        %dma_start3A_243 = tpu.memref_slice %arg7[%add3A_11, %dma_start3A_242] : memref<960000x128xf32, #tpu.memory_space<hbm>> -> memref<600x128xf32, #tpu.memory_space<hbm>>
        tpu.enqueue_dma source(%arg9 : memref<600x128xf32, #tpu.memory_space<vmem>>) target(%dma_start3A_243 : memref<600x128xf32, #tpu.memory_space<hbm>>) target_semaphore(%run_scoped3A_239 : memref<!tpu.dma_semaphore, #tpu.memory_space<semaphore_mem>>)
        %dma_wait3A_244 = arith.constant 0 : i32
        %dma_wait3A_245 = tpu.memref_slice %arg7[%add3A_11, %dma_wait3A_244] : memref<960000x128xf32, #tpu.memory_space<hbm>> -> memref<600x128xf32, #tpu.memory_space<hbm>>
        %dma_wait3A_246 = arith.constant 0 : i32
        %dma_wait3A_247 = tpu.memref_slice %arg7[%add3A_11, %dma_wait3A_246] : memref<960000x128xf32, #tpu.memory_space<hbm>> -> memref<600x128xf32, #tpu.memory_space<hbm>>
        tpu.wait_dma2 semaphore(%run_scoped3A_239 : memref<!tpu.dma_semaphore, #tpu.memory_space<semaphore_mem>>) src(%arg9 : memref<600x128xf32, #tpu.memory_space<vmem>>) dst(%dma_wait3A_247 : memref<600x128xf32, #tpu.memory_space<hbm>>)
        tpu.yield
      }) : () -> ()
    }
    %scan3A_7 = arith.constant 50 : i32
    return
  }
}

module attributes {stable_mosaic.version = 14 : i64} {
  func.func @_prep_body(%arg0: i32, %arg1: memref<2000x128xf32, #tpu.memory_space<vmem>>, %arg2: memref<2000x6xf32, #tpu.memory_space<vmem>>, %arg3: memref<128x128xf32, #tpu.memory_space<vmem>>, %arg4: memref<1x128xf32, #tpu.memory_space<vmem>>, %arg5: memref<6x8xf32, #tpu.memory_space<vmem>>, %arg6: memref<8x128xf32, #tpu.memory_space<vmem>>, %arg7: memref<2000x128xf32, #tpu.memory_space<vmem>>, %arg8: memref<2000x128xf32, #tpu.memory_space<vmem>>) attributes {dimension_semantics = [#tpu.dimension_semantics<parallel>], iteration_bounds = array<i64: 160>, scalar_prefetch = 0 : i64, scratch_operands = 0 : i64, tpu.core_type = #tpu.core_type<tc>, window_params = [{transform_indices = @transform_0, window_bounds = array<i64: 2000, 128>}, {transform_indices = @transform_1, window_bounds = array<i64: 2000, 6>}, {pipeline_mode = #tpu.pipeline_mode<synchronous>, transform_indices = @transform_2, window_bounds = array<i64: 128, 128>}, {pipeline_mode = #tpu.pipeline_mode<synchronous>, transform_indices = @transform_3, window_bounds = array<i64: 1, 128>}, {pipeline_mode = #tpu.pipeline_mode<synchronous>, transform_indices = @transform_4, window_bounds = array<i64: 6, 8>}, {pipeline_mode = #tpu.pipeline_mode<synchronous>, transform_indices = @transform_5, window_bounds = array<i64: 8, 128>}, {transform_indices = @transform_6, window_bounds = array<i64: 2000, 128>}, {transform_indices = @transform_7, window_bounds = array<i64: 2000, 128>}]} {
    %get3A = arith.constant 0 : index
    %get3A_0 = arith.constant 0 : index
    %get3A_1 = vector.load %arg1[%get3A, %get3A_0] : memref<2000x128xf32, #tpu.memory_space<vmem>>, vector<2000x128xf32>
    %get3A_2 = arith.constant 0 : index
    %get3A_3 = arith.constant 0 : index
    %get3A_4 = vector.load %arg3[%get3A_2, %get3A_3] : memref<128x128xf32, #tpu.memory_space<vmem>>, vector<128x128xf32>
    %dot_general3A = arith.constant dense<0.000000e+00> : vector<2000x128xf32>
    %dot_general3A_5 = tpu.matmul %get3A_1, %get3A_4, %dot_general3A {dimension_numbers = #tpu.dot_dimension_numbers<[1], [0], [0], [1], [0, 0, 1, 1], [], []>, transpose_lhs_hint = false} : vector<2000x128xf32>, vector<128x128xf32>, vector<2000x128xf32> -> vector<2000x128xf32>
    %get3A_6 = arith.constant 0 : index
    %get3A_7 = arith.constant 0 : index
    %get3A_8 = vector.load %arg4[%get3A_6, %get3A_7] : memref<1x128xf32, #tpu.memory_space<vmem>>, vector<1x128xf32>
    %add3A = vector.broadcast %get3A_8 : vector<1x128xf32> to vector<2000x128xf32>
    %add3A_9 = arith.addf %dot_general3A_5, %add3A : vector<2000x128xf32>
    %logistic3A = arith.negf %add3A_9 : vector<2000x128xf32>
    %logistic3A_10 = math.exp %logistic3A : vector<2000x128xf32>
    %logistic3A_11 = arith.constant 1.000000e+00 : f32
    %logistic3A_12 = vector.broadcast %logistic3A_11 : f32 to vector<2000x128xf32>
    %logistic3A_13 = arith.addf %logistic3A_12, %logistic3A_10 : vector<2000x128xf32>
    %logistic3A_14 = arith.divf %logistic3A_12, %logistic3A_13 : vector<2000x128xf32>
    %mul3A = arith.mulf %add3A_9, %logistic3A_14 : vector<2000x128xf32>
    %swap3A = arith.constant 0 : index
    %swap3A_15 = arith.constant 0 : index
    %swap3A_16 = vector.load %arg7[%swap3A, %swap3A_15] : memref<2000x128xf32, #tpu.memory_space<vmem>>, vector<2000x128xf32>
    tpu.vector_store %arg7[%swap3A, %swap3A_15], %mul3A {strides = array<i32>} : memref<2000x128xf32, #tpu.memory_space<vmem>>, vector<2000x128xf32>,
    %get3A_17 = arith.constant 0 : index
    %get3A_18 = arith.constant 0 : index
    %get3A_19 = vector.load %arg5[%get3A_17, %get3A_18] : memref<6x8xf32, #tpu.memory_space<vmem>>, vector<6x8xf32>
    %get3A_20 = arith.constant 0 : index
    %get3A_21 = arith.constant 0 : index
    %get3A_22 = vector.load %arg6[%get3A_20, %get3A_21] : memref<8x128xf32, #tpu.memory_space<vmem>>, vector<8x128xf32>
    %dot_general3A_23 = arith.constant dense<0.000000e+00> : vector<6x128xf32>
    %dot_general3A_24 = tpu.matmul %get3A_19, %get3A_22, %dot_general3A_23 {dimension_numbers = #tpu.dot_dimension_numbers<[1], [0], [0], [1], [0, 0, 1, 1], [], []>, transpose_lhs_hint = false} : vector<6x8xf32>, vector<8x128xf32>, vector<6x128xf32> -> vector<6x128xf32>
    %get3A_25 = arith.constant 0 : index
    %get3A_26 = arith.constant 0 : index
    %get3A_27 = vector.load %arg2[%get3A_25, %get3A_26] : memref<2000x6xf32, #tpu.memory_space<vmem>>, vector<2000x6xf32>
    %dot_general3A_28 = arith.constant dense<0.000000e+00> : vector<2000x128xf32>
    %dot_general3A_29 = tpu.matmul %get3A_27, %dot_general3A_24, %dot_general3A_28 {dimension_numbers = #tpu.dot_dimension_numbers<[1], [0], [0], [1], [0, 0, 1, 1], [], []>, transpose_lhs_hint = false} : vector<2000x6xf32>, vector<6x128xf32>, vector<2000x128xf32> -> vector<2000x128xf32>
    %swap3A_30 = arith.constant 0 : index
    %swap3A_31 = arith.constant 0 : index
    %swap3A_32 = vector.load %arg8[%swap3A_30, %swap3A_31] : memref<2000x128xf32, #tpu.memory_space<vmem>>, vector<2000x128xf32>
    tpu.vector_store %arg8[%swap3A_30, %swap3A_31], %dot_general3A_29 {strides = array<i32>} : memref<2000x128xf32, #tpu.memory_space<vmem>>, vector<2000x128xf32>,
    return
  }
  func.func @transform_0(%arg0: i32) -> (i32, i32) {
    %c0_i32 = arith.constant 0 : i32
    %c0_i32_0 = arith.constant 0 : i32
    return %arg0, %c0_i32 : i32, i32
  }
  func.func @transform_1(%arg0: i32) -> (i32, i32) {
    %c0_i32 = arith.constant 0 : i32
    %c0_i32_0 = arith.constant 0 : i32
    return %arg0, %c0_i32 : i32, i32
  }
  func.func @transform_2(%arg0: i32) -> (i32, i32) {
    %c0_i32 = arith.constant 0 : i32
    %c0_i32_0 = arith.constant 0 : i32
    %c0_i32_1 = arith.constant 0 : i32
    return %c0_i32, %c0_i32_0 : i32, i32
  }
  func.func @transform_3(%arg0: i32) -> (i32, i32) {
    %c0_i32 = arith.constant 0 : i32
    %c0_i32_0 = arith.constant 0 : i32
    %c0_i32_1 = arith.constant 0 : i32
    return %c0_i32, %c0_i32_0 : i32, i32
  }
  func.func @transform_4(%arg0: i32) -> (i32, i32) {
    %c0_i32 = arith.constant 0 : i32
    %c0_i32_0 = arith.constant 0 : i32
    %c0_i32_1 = arith.constant 0 : i32
    return %c0_i32, %c0_i32_0 : i32, i32
  }
  func.func @transform_5(%arg0: i32) -> (i32, i32) {
    %c0_i32 = arith.constant 0 : i32
    %c0_i32_0 = arith.constant 0 : i32
    %c0_i32_1 = arith.constant 0 : i32
    return %c0_i32, %c0_i32_0 : i32, i32
  }
  func.func @transform_6(%arg0: i32) -> (i32, i32) {
    %c0_i32 = arith.constant 0 : i32
    %c0_i32_0 = arith.constant 0 : i32
    return %arg0, %c0_i32 : i32, i32
  }
  func.func @transform_7(%arg0: i32) -> (i32, i32) {
    %c0_i32 = arith.constant 0 : i32
    %c0_i32_0 = arith.constant 0 : i32
    return %arg0, %c0_i32 : i32, i32
  }
}

module attributes {stable_mosaic.version = 14 : i64} {
  func.func @_mid_body(%arg0: i32, %arg1: memref<3000x128xf32, #tpu.memory_space<vmem>>, %arg2: memref<3000x128xf32, #tpu.memory_space<vmem>>, %arg3: memref<3000x49xf32, #tpu.memory_space<vmem>>, %arg4: memref<49x8xf32, #tpu.memory_space<vmem>>, %arg5: memref<8x64xf32, #tpu.memory_space<vmem>>, %arg6: memref<128x64xf32, #tpu.memory_space<vmem>>, %arg7: memref<3000x64xf32, #tpu.memory_space<vmem>>) attributes {dimension_semantics = [#tpu.dimension_semantics<parallel>], iteration_bounds = array<i64: 320>, scalar_prefetch = 0 : i64, scratch_operands = 0 : i64, tpu.core_type = #tpu.core_type<tc>, window_params = [{transform_indices = @transform_0, window_bounds = array<i64: 3000, 128>}, {transform_indices = @transform_1, window_bounds = array<i64: 3000, 128>}, {transform_indices = @transform_2, window_bounds = array<i64: 3000, 49>}, {pipeline_mode = #tpu.pipeline_mode<synchronous>, transform_indices = @transform_3, window_bounds = array<i64: 49, 8>}, {pipeline_mode = #tpu.pipeline_mode<synchronous>, transform_indices = @transform_4, window_bounds = array<i64: 8, 64>}, {pipeline_mode = #tpu.pipeline_mode<synchronous>, transform_indices = @transform_5, window_bounds = array<i64: 128, 64>}, {transform_indices = @transform_6, window_bounds = array<i64: 3000, 64>}]} {
    %get3A = arith.constant 0 : index
    %get3A_0 = arith.constant 0 : index
    %get3A_1 = vector.load %arg1[%get3A, %get3A_0] : memref<3000x128xf32, #tpu.memory_space<vmem>>, vector<3000x128xf32>
    %get3A_2 = arith.constant 0 : index
    %get3A_3 = arith.constant 0 : index
    %get3A_4 = vector.load %arg2[%get3A_2, %get3A_3] : memref<3000x128xf32, #tpu.memory_space<vmem>>, vector<3000x128xf32>
    %mul3A = arith.mulf %get3A_1, %get3A_4 : vector<3000x128xf32>
    %get3A_5 = arith.constant 0 : index
    %get3A_6 = arith.constant 0 : index
    %get3A_7 = vector.load %arg6[%get3A_5, %get3A_6] : memref<128x64xf32, #tpu.memory_space<vmem>>, vector<128x64xf32>
    %dot_general3A = arith.constant dense<0.000000e+00> : vector<3000x64xf32>
    %dot_general3A_8 = tpu.matmul %mul3A, %get3A_7, %dot_general3A {dimension_numbers = #tpu.dot_dimension_numbers<[1], [0], [0], [1], [0, 0, 1, 1], [], []>, transpose_lhs_hint = false} : vector<3000x128xf32>, vector<128x64xf32>, vector<3000x64xf32> -> vector<3000x64xf32>
    %logistic3A = arith.negf %dot_general3A_8 : vector<3000x64xf32>
    %logistic3A_9 = math.exp %logistic3A : vector<3000x64xf32>
    %logistic3A_10 = arith.constant 1.000000e+00 : f32
    %logistic3A_11 = vector.broadcast %logistic3A_10 : f32 to vector<3000x64xf32>
    %logistic3A_12 = arith.addf %logistic3A_11, %logistic3A_9 : vector<3000x64xf32>
    %logistic3A_13 = arith.divf %logistic3A_11, %logistic3A_12 : vector<3000x64xf32>
    %mul3A_14 = arith.mulf %dot_general3A_8, %logistic3A_13 : vector<3000x64xf32>
    %get3A_15 = arith.constant 0 : index
    %get3A_16 = arith.constant 0 : index
    %get3A_17 = vector.load %arg3[%get3A_15, %get3A_16] : memref<3000x49xf32, #tpu.memory_space<vmem>>, vector<3000x49xf32>
    %get3A_18 = arith.constant 0 : index
    %get3A_19 = arith.constant 0 : index
    %get3A_20 = vector.load %arg4[%get3A_18, %get3A_19] : memref<49x8xf32, #tpu.memory_space<vmem>>, vector<49x8xf32>
    %dot_general3A_21 = arith.constant dense<0.000000e+00> : vector<3000x8xf32>
    %dot_general3A_22 = tpu.matmul %get3A_17, %get3A_20, %dot_general3A_21 {dimension_numbers = #tpu.dot_dimension_numbers<[1], [0], [0], [1], [0, 0, 1, 1], [], []>, transpose_lhs_hint = false} : vector<3000x49xf32>, vector<49x8xf32>, vector<3000x8xf32> -> vector<3000x8xf32>
    %get3A_23 = arith.constant 0 : index
    %get3A_24 = arith.constant 0 : index
    %get3A_25 = vector.load %arg5[%get3A_23, %get3A_24] : memref<8x64xf32, #tpu.memory_space<vmem>>, vector<8x64xf32>
    %dot_general3A_26 = arith.constant dense<0.000000e+00> : vector<3000x64xf32>
    %dot_general3A_27 = tpu.matmul %dot_general3A_22, %get3A_25, %dot_general3A_26 {dimension_numbers = #tpu.dot_dimension_numbers<[1], [0], [0], [1], [0, 0, 1, 1], [], []>, transpose_lhs_hint = false} : vector<3000x8xf32>, vector<8x64xf32>, vector<3000x64xf32> -> vector<3000x64xf32>
    %mul3A_28 = arith.mulf %mul3A_14, %dot_general3A_27 : vector<3000x64xf32>
    %swap3A = arith.constant 0 : index
    %swap3A_29 = arith.constant 0 : index
    %swap3A_30 = vector.load %arg7[%swap3A, %swap3A_29] : memref<3000x64xf32, #tpu.memory_space<vmem>>, vector<3000x64xf32>
    tpu.vector_store %arg7[%swap3A, %swap3A_29], %mul3A_28 {strides = array<i32>} : memref<3000x64xf32, #tpu.memory_space<vmem>>, vector<3000x64xf32>,
    return
  }
  func.func @transform_0(%arg0: i32) -> (i32, i32) {
    %c0_i32 = arith.constant 0 : i32
    %c0_i32_0 = arith.constant 0 : i32
    return %arg0, %c0_i32 : i32, i32
  }
  func.func @transform_1(%arg0: i32) -> (i32, i32) {
    %c0_i32 = arith.constant 0 : i32
    %c0_i32_0 = arith.constant 0 : i32
    return %arg0, %c0_i32 : i32, i32
  }
  func.func @transform_2(%arg0: i32) -> (i32, i32) {
    %c0_i32 = arith.constant 0 : i32
    %c0_i32_0 = arith.constant 0 : i32
    return %arg0, %c0_i32 : i32, i32
  }
  func.func @transform_3(%arg0: i32) -> (i32, i32) {
    %c0_i32 = arith.constant 0 : i32
    %c0_i32_0 = arith.constant 0 : i32
    %c0_i32_1 = arith.constant 0 : i32
    return %c0_i32, %c0_i32_0 : i32, i32
  }
  func.func @transform_4(%arg0: i32) -> (i32, i32) {
    %c0_i32 = arith.constant 0 : i32
    %c0_i32_0 = arith.constant 0 : i32
    %c0_i32_1 = arith.constant 0 : i32
    return %c0_i32, %c0_i32_0 : i32, i32
  }
  func.func @transform_5(%arg0: i32) -> (i32, i32) {
    %c0_i32 = arith.constant 0 : i32
    %c0_i32_0 = arith.constant 0 : i32
    %c0_i32_1 = arith.constant 0 : i32
    return %c0_i32, %c0_i32_0 : i32, i32
  }
  func.func @transform_6(%arg0: i32) -> (i32, i32) {
    %c0_i32 = arith.constant 0 : i32
    %c0_i32_0 = arith.constant 0 : i32
    return %arg0, %c0_i32 : i32, i32
  }
}

module attributes {stable_mosaic.version = 14 : i64} {
  func.func @_final_body(%arg0: i32, %arg1: memref<2000x64xf32, #tpu.memory_space<vmem>>, %arg2: memref<2000x128xf32, #tpu.memory_space<vmem>>, %arg3: memref<64x128xf32, #tpu.memory_space<vmem>>, %arg4: memref<128x128xf32, #tpu.memory_space<vmem>>, %arg5: memref<1x128xf32, #tpu.memory_space<vmem>>, %arg6: memref<128x128xf32, #tpu.memory_space<vmem>>, %arg7: memref<1x128xf32, #tpu.memory_space<vmem>>, %arg8: memref<128x128xf32, #tpu.memory_space<vmem>>, %arg9: memref<1x128xf32, #tpu.memory_space<vmem>>, %arg10: memref<128x128xf32, #tpu.memory_space<vmem>>, %arg11: memref<1x128xf32, #tpu.memory_space<vmem>>, %arg12: memref<128x128xf32, #tpu.memory_space<vmem>>, %arg13: memref<1x128xf32, #tpu.memory_space<vmem>>, %arg14: memref<128x128xf32, #tpu.memory_space<vmem>>, %arg15: memref<1x128xf32, #tpu.memory_space<vmem>>, %arg16: memref<128x128xf32, #tpu.memory_space<vmem>>, %arg17: memref<1x128xf32, #tpu.memory_space<vmem>>, %arg18: memref<128x128xf32, #tpu.memory_space<vmem>>, %arg19: memref<1x128xf32, #tpu.memory_space<vmem>>, %arg20: memref<2000x128xf32, #tpu.memory_space<vmem>>) attributes {dimension_semantics = [#tpu.dimension_semantics<parallel>], iteration_bounds = array<i64: 160>, scalar_prefetch = 0 : i64, scratch_operands = 0 : i64, tpu.core_type = #tpu.core_type<tc>, window_params = [{transform_indices = @transform_0, window_bounds = array<i64: 2000, 64>}, {transform_indices = @transform_1, window_bounds = array<i64: 2000, 128>}, {pipeline_mode = #tpu.pipeline_mode<synchronous>, transform_indices = @transform_2, window_bounds = array<i64: 64, 128>}, {pipeline_mode = #tpu.pipeline_mode<synchronous>, transform_indices = @transform_3, window_bounds = array<i64: 128, 128>}, {pipeline_mode = #tpu.pipeline_mode<synchronous>, transform_indices = @transform_4, window_bounds = array<i64: 1, 128>}, {pipeline_mode = #tpu.pipeline_mode<synchronous>, transform_indices = @transform_5, window_bounds = array<i64: 128, 128>}, {pipeline_mode = #tpu.pipeline_mode<synchronous>, transform_indices = @transform_6, window_bounds = array<i64: 1, 128>}, {pipeline_mode = #tpu.pipeline_mode<synchronous>, transform_indices = @transform_7, window_bounds = array<i64: 128, 128>}, {pipeline_mode = #tpu.pipeline_mode<synchronous>, transform_indices = @transform_8, window_bounds = array<i64: 1, 128>}, {pipeline_mode = #tpu.pipeline_mode<synchronous>, transform_indices = @transform_9, window_bounds = array<i64: 128, 128>}, {pipeline_mode = #tpu.pipeline_mode<synchronous>, transform_indices = @transform_10, window_bounds = array<i64: 1, 128>}, {pipeline_mode = #tpu.pipeline_mode<synchronous>, transform_indices = @transform_11, window_bounds = array<i64: 128, 128>}, {pipeline_mode = #tpu.pipeline_mode<synchronous>, transform_indices = @transform_12, window_bounds = array<i64: 1, 128>}, {pipeline_mode = #tpu.pipeline_mode<synchronous>, transform_indices = @transform_13, window_bounds = array<i64: 128, 128>}, {pipeline_mode = #tpu.pipeline_mode<synchronous>, transform_indices = @transform_14, window_bounds = array<i64: 1, 128>}, {pipeline_mode = #tpu.pipeline_mode<synchronous>, transform_indices = @transform_15, window_bounds = array<i64: 128, 128>}, {pipeline_mode = #tpu.pipeline_mode<synchronous>, transform_indices = @transform_16, window_bounds = array<i64: 1, 128>}, {pipeline_mode = #tpu.pipeline_mode<synchronous>, transform_indices = @transform_17, window_bounds = array<i64: 128, 128>}, {pipeline_mode = #tpu.pipeline_mode<synchronous>, transform_indices = @transform_18, window_bounds = array<i64: 1, 128>}, {transform_indices = @transform_19, window_bounds = array<i64: 2000, 128>}]} {
    %get3A = arith.constant 0 : index
    %get3A_0 = arith.constant 0 : index
    %get3A_1 = vector.load %arg2[%get3A, %get3A_0] : memref<2000x128xf32, #tpu.memory_space<vmem>>, vector<2000x128xf32>
    %get3A_2 = arith.constant 0 : index
    %get3A_3 = arith.constant 0 : index
    %get3A_4 = vector.load %arg1[%get3A_2, %get3A_3] : memref<2000x64xf32, #tpu.memory_space<vmem>>, vector<2000x64xf32>
    %get3A_5 = arith.constant 0 : index
    %get3A_6 = arith.constant 0 : index
    %get3A_7 = vector.load %arg3[%get3A_5, %get3A_6] : memref<64x128xf32, #tpu.memory_space<vmem>>, vector<64x128xf32>
    %dot_general3A = arith.constant dense<0.000000e+00> : vector<2000x128xf32>
    %dot_general3A_8 = tpu.matmul %get3A_4, %get3A_7, %dot_general3A {dimension_numbers = #tpu.dot_dimension_numbers<[1], [0], [0], [1], [0, 0, 1, 1], [], []>, transpose_lhs_hint = false} : vector<2000x64xf32>, vector<64x128xf32>, vector<2000x128xf32> -> vector<2000x128xf32>
    %logistic3A = arith.negf %dot_general3A_8 : vector<2000x128xf32>
    %logistic3A_9 = math.exp %logistic3A : vector<2000x128xf32>
    %logistic3A_10 = arith.constant 1.000000e+00 : f32
    %logistic3A_11 = vector.broadcast %logistic3A_10 : f32 to vector<2000x128xf32>
    %logistic3A_12 = arith.addf %logistic3A_11, %logistic3A_9 : vector<2000x128xf32>
    %logistic3A_13 = arith.divf %logistic3A_11, %logistic3A_12 : vector<2000x128xf32>
    %mul3A = arith.mulf %dot_general3A_8, %logistic3A_13 : vector<2000x128xf32>
    %get3A_14 = arith.constant 0 : index
    %get3A_15 = arith.constant 0 : index
    %get3A_16 = vector.load %arg4[%get3A_14, %get3A_15] : memref<128x128xf32, #tpu.memory_space<vmem>>, vector<128x128xf32>
    %dot_general3A_17 = arith.constant dense<0.000000e+00> : vector<2000x128xf32>
    %dot_general3A_18 = tpu.matmul %get3A_1, %get3A_16, %dot_general3A_17 {dimension_numbers = #tpu.dot_dimension_numbers<[1], [0], [0], [1], [0, 0, 1, 1], [], []>, transpose_lhs_hint = false} : vector<2000x128xf32>, vector<128x128xf32>, vector<2000x128xf32> -> vector<2000x128xf32>
    %get3A_19 = arith.constant 0 : index
    %get3A_20 = arith.constant 0 : index
    %get3A_21 = vector.load %arg5[%get3A_19, %get3A_20] : memref<1x128xf32, #tpu.memory_space<vmem>>, vector<1x128xf32>
    %add3A = vector.broadcast %get3A_21 : vector<1x128xf32> to vector<2000x128xf32>
    %add3A_22 = arith.addf %dot_general3A_18, %add3A : vector<2000x128xf32>
    %logistic3A_23 = arith.negf %add3A_22 : vector<2000x128xf32>
    %logistic3A_24 = math.exp %logistic3A_23 : vector<2000x128xf32>
    %logistic3A_25 = arith.constant 1.000000e+00 : f32
    %logistic3A_26 = vector.broadcast %logistic3A_25 : f32 to vector<2000x128xf32>
    %logistic3A_27 = arith.addf %logistic3A_26, %logistic3A_24 : vector<2000x128xf32>
    %logistic3A_28 = arith.divf %logistic3A_26, %logistic3A_27 : vector<2000x128xf32>
    %mul3A_29 = arith.mulf %add3A_22, %logistic3A_28 : vector<2000x128xf32>
    %add3A_30 = arith.addf %mul3A, %mul3A_29 : vector<2000x128xf32>
    %get3A_31 = arith.constant 0 : index
    %get3A_32 = arith.constant 0 : index
    %get3A_33 = vector.load %arg8[%get3A_31, %get3A_32] : memref<128x128xf32, #tpu.memory_space<vmem>>, vector<128x128xf32>
    %dot_general3A_34 = arith.constant dense<0.000000e+00> : vector<2000x128xf32>
    %dot_general3A_35 = tpu.matmul %add3A_30, %get3A_33, %dot_general3A_34 {dimension_numbers = #tpu.dot_dimension_numbers<[1], [0], [0], [1], [0, 0, 1, 1], [], []>, transpose_lhs_hint = false} : vector<2000x128xf32>, vector<128x128xf32>, vector<2000x128xf32> -> vector<2000x128xf32>
    %get3A_36 = arith.constant 0 : index
    %get3A_37 = arith.constant 0 : index
    %get3A_38 = vector.load %arg9[%get3A_36, %get3A_37] : memref<1x128xf32, #tpu.memory_space<vmem>>, vector<1x128xf32>
    %add3A_39 = vector.broadcast %get3A_38 : vector<1x128xf32> to vector<2000x128xf32>
    %add3A_40 = arith.addf %dot_general3A_35, %add3A_39 : vector<2000x128xf32>
    %logistic3A_41 = arith.negf %add3A_40 : vector<2000x128xf32>
    %logistic3A_42 = math.exp %logistic3A_41 : vector<2000x128xf32>
    %logistic3A_43 = arith.constant 1.000000e+00 : f32
    %logistic3A_44 = vector.broadcast %logistic3A_43 : f32 to vector<2000x128xf32>
    %logistic3A_45 = arith.addf %logistic3A_44, %logistic3A_42 : vector<2000x128xf32>
    %logistic3A_46 = arith.divf %logistic3A_44, %logistic3A_45 : vector<2000x128xf32>
    %mul3A_47 = arith.mulf %add3A_40, %logistic3A_46 : vector<2000x128xf32>
    %get3A_48 = arith.constant 0 : index
    %get3A_49 = arith.constant 0 : index
    %get3A_50 = vector.load %arg10[%get3A_48, %get3A_49] : memref<128x128xf32, #tpu.memory_space<vmem>>, vector<128x128xf32>
    %dot_general3A_51 = arith.constant dense<0.000000e+00> : vector<2000x128xf32>
    %dot_general3A_52 = tpu.matmul %mul3A_47, %get3A_50, %dot_general3A_51 {dimension_numbers = #tpu.dot_dimension_numbers<[1], [0], [0], [1], [0, 0, 1, 1], [], []>, transpose_lhs_hint = false} : vector<2000x128xf32>, vector<128x128xf32>, vector<2000x128xf32> -> vector<2000x128xf32>
    %get3A_53 = arith.constant 0 : index
    %get3A_54 = arith.constant 0 : index
    %get3A_55 = vector.load %arg11[%get3A_53, %get3A_54] : memref<1x128xf32, #tpu.memory_space<vmem>>, vector<1x128xf32>
    %add3A_56 = vector.broadcast %get3A_55 : vector<1x128xf32> to vector<2000x128xf32>
    %add3A_57 = arith.addf %dot_general3A_52, %add3A_56 : vector<2000x128xf32>
    %logistic3A_58 = arith.negf %add3A_57 : vector<2000x128xf32>
    %logistic3A_59 = math.exp %logistic3A_58 : vector<2000x128xf32>
    %logistic3A_60 = arith.constant 1.000000e+00 : f32
    %logistic3A_61 = vector.broadcast %logistic3A_60 : f32 to vector<2000x128xf32>
    %logistic3A_62 = arith.addf %logistic3A_61, %logistic3A_59 : vector<2000x128xf32>
    %logistic3A_63 = arith.divf %logistic3A_61, %logistic3A_62 : vector<2000x128xf32>
    %mul3A_64 = arith.mulf %add3A_57, %logistic3A_63 : vector<2000x128xf32>
    %add3A_65 = arith.addf %mul3A_64, %add3A_30 : vector<2000x128xf32>
    %get3A_66 = arith.constant 0 : index
    %get3A_67 = arith.constant 0 : index
    %get3A_68 = vector.load %arg6[%get3A_66, %get3A_67] : memref<128x128xf32, #tpu.memory_space<vmem>>, vector<128x128xf32>
    %dot_general3A_69 = arith.constant dense<0.000000e+00> : vector<2000x128xf32>
    %dot_general3A_70 = tpu.matmul %add3A_65, %get3A_68, %dot_general3A_69 {dimension_numbers = #tpu.dot_dimension_numbers<[1], [0], [0], [1], [0, 0, 1, 1], [], []>, transpose_lhs_hint = false} : vector<2000x128xf32>, vector<128x128xf32>, vector<2000x128xf32> -> vector<2000x128xf32>
    %get3A_71 = arith.constant 0 : index
    %get3A_72 = arith.constant 0 : index
    %get3A_73 = vector.load %arg7[%get3A_71, %get3A_72] : memref<1x128xf32, #tpu.memory_space<vmem>>, vector<1x128xf32>
    %add3A_74 = vector.broadcast %get3A_73 : vector<1x128xf32> to vector<2000x128xf32>
    %add3A_75 = arith.addf %dot_general3A_70, %add3A_74 : vector<2000x128xf32>
    %logistic3A_76 = arith.negf %add3A_75 : vector<2000x128xf32>
    %logistic3A_77 = math.exp %logistic3A_76 : vector<2000x128xf32>
    %logistic3A_78 = arith.constant 1.000000e+00 : f32
    %logistic3A_79 = vector.broadcast %logistic3A_78 : f32 to vector<2000x128xf32>
    %logistic3A_80 = arith.addf %logistic3A_79, %logistic3A_77 : vector<2000x128xf32>
    %logistic3A_81 = arith.divf %logistic3A_79, %logistic3A_80 : vector<2000x128xf32>
    %mul3A_82 = arith.mulf %add3A_75, %logistic3A_81 : vector<2000x128xf32>
    %add3A_83 = arith.addf %mul3A_82, %get3A_1 : vector<2000x128xf32>
    %get3A_84 = arith.constant 0 : index
    %get3A_85 = arith.constant 0 : index
    %get3A_86 = vector.load %arg12[%get3A_84, %get3A_85] : memref<128x128xf32, #tpu.memory_space<vmem>>, vector<128x128xf32>
    %dot_general3A_87 = arith.constant dense<0.000000e+00> : vector<2000x128xf32>
    %dot_general3A_88 = tpu.matmul %add3A_83, %get3A_86, %dot_general3A_87 {dimension_numbers = #tpu.dot_dimension_numbers<[1], [0], [0], [1], [0, 0, 1, 1], [], []>, transpose_lhs_hint = false} : vector<2000x128xf32>, vector<128x128xf32>, vector<2000x128xf32> -> vector<2000x128xf32>
    %get3A_89 = arith.constant 0 : index
    %get3A_90 = arith.constant 0 : index
    %get3A_91 = vector.load %arg13[%get3A_89, %get3A_90] : memref<1x128xf32, #tpu.memory_space<vmem>>, vector<1x128xf32>
    %add3A_92 = vector.broadcast %get3A_91 : vector<1x128xf32> to vector<2000x128xf32>
    %add3A_93 = arith.addf %dot_general3A_88, %add3A_92 : vector<2000x128xf32>
    %logistic3A_94 = arith.negf %add3A_93 : vector<2000x128xf32>
    %logistic3A_95 = math.exp %logistic3A_94 : vector<2000x128xf32>
    %logistic3A_96 = arith.constant 1.000000e+00 : f32
    %logistic3A_97 = vector.broadcast %logistic3A_96 : f32 to vector<2000x128xf32>
    %logistic3A_98 = arith.addf %logistic3A_97, %logistic3A_95 : vector<2000x128xf32>
    %logistic3A_99 = arith.divf %logistic3A_97, %logistic3A_98 : vector<2000x128xf32>
    %mul3A_100 = arith.mulf %add3A_93, %logistic3A_99 : vector<2000x128xf32>
    %get3A_101 = arith.constant 0 : index
    %get3A_102 = arith.constant 0 : index
    %get3A_103 = vector.load %arg14[%get3A_101, %get3A_102] : memref<128x128xf32, #tpu.memory_space<vmem>>, vector<128x128xf32>
    %dot_general3A_104 = arith.constant dense<0.000000e+00> : vector<2000x128xf32>
    %dot_general3A_105 = tpu.matmul %mul3A_100, %get3A_103, %dot_general3A_104 {dimension_numbers = #tpu.dot_dimension_numbers<[1], [0], [0], [1], [0, 0, 1, 1], [], []>, transpose_lhs_hint = false} : vector<2000x128xf32>, vector<128x128xf32>, vector<2000x128xf32> -> vector<2000x128xf32>
    %get3A_106 = arith.constant 0 : index
    %get3A_107 = arith.constant 0 : index
    %get3A_108 = vector.load %arg15[%get3A_106, %get3A_107] : memref<1x128xf32, #tpu.memory_space<vmem>>, vector<1x128xf32>
    %add3A_109 = vector.broadcast %get3A_108 : vector<1x128xf32> to vector<2000x128xf32>
    %add3A_110 = arith.addf %dot_general3A_105, %add3A_109 : vector<2000x128xf32>
    %logistic3A_111 = arith.negf %add3A_110 : vector<2000x128xf32>
    %logistic3A_112 = math.exp %logistic3A_111 : vector<2000x128xf32>
    %logistic3A_113 = arith.constant 1.000000e+00 : f32
    %logistic3A_114 = vector.broadcast %logistic3A_113 : f32 to vector<2000x128xf32>
    %logistic3A_115 = arith.addf %logistic3A_114, %logistic3A_112 : vector<2000x128xf32>
    %logistic3A_116 = arith.divf %logistic3A_114, %logistic3A_115 : vector<2000x128xf32>
    %mul3A_117 = arith.mulf %add3A_110, %logistic3A_116 : vector<2000x128xf32>
    %add3A_118 = arith.addf %mul3A_117, %add3A_83 : vector<2000x128xf32>
    %get3A_119 = arith.constant 0 : index
    %get3A_120 = arith.constant 0 : index
    %get3A_121 = vector.load %arg16[%get3A_119, %get3A_120] : memref<128x128xf32, #tpu.memory_space<vmem>>, vector<128x128xf32>
    %dot_general3A_122 = arith.constant dense<0.000000e+00> : vector<2000x128xf32>
    %dot_general3A_123 = tpu.matmul %add3A_118, %get3A_121, %dot_general3A_122 {dimension_numbers = #tpu.dot_dimension_numbers<[1], [0], [0], [1], [0, 0, 1, 1], [], []>, transpose_lhs_hint = false} : vector<2000x128xf32>, vector<128x128xf32>, vector<2000x128xf32> -> vector<2000x128xf32>
    %get3A_124 = arith.constant 0 : index
    %get3A_125 = arith.constant 0 : index
    %get3A_126 = vector.load %arg17[%get3A_124, %get3A_125] : memref<1x128xf32, #tpu.memory_space<vmem>>, vector<1x128xf32>
    %add3A_127 = vector.broadcast %get3A_126 : vector<1x128xf32> to vector<2000x128xf32>
    %add3A_128 = arith.addf %dot_general3A_123, %add3A_127 : vector<2000x128xf32>
    %logistic3A_129 = arith.negf %add3A_128 : vector<2000x128xf32>
    %logistic3A_130 = math.exp %logistic3A_129 : vector<2000x128xf32>
    %logistic3A_131 = arith.constant 1.000000e+00 : f32
    %logistic3A_132 = vector.broadcast %logistic3A_131 : f32 to vector<2000x128xf32>
    %logistic3A_133 = arith.addf %logistic3A_132, %logistic3A_130 : vector<2000x128xf32>
    %logistic3A_134 = arith.divf %logistic3A_132, %logistic3A_133 : vector<2000x128xf32>
    %mul3A_135 = arith.mulf %add3A_128, %logistic3A_134 : vector<2000x128xf32>
    %get3A_136 = arith.constant 0 : index
    %get3A_137 = arith.constant 0 : index
    %get3A_138 = vector.load %arg18[%get3A_136, %get3A_137] : memref<128x128xf32, #tpu.memory_space<vmem>>, vector<128x128xf32>
    %dot_general3A_139 = arith.constant dense<0.000000e+00> : vector<2000x128xf32>
    %dot_general3A_140 = tpu.matmul %mul3A_135, %get3A_138, %dot_general3A_139 {dimension_numbers = #tpu.dot_dimension_numbers<[1], [0], [0], [1], [0, 0, 1, 1], [], []>, transpose_lhs_hint = false} : vector<2000x128xf32>, vector<128x128xf32>, vector<2000x128xf32> -> vector<2000x128xf32>
    %get3A_141 = arith.constant 0 : index
    %get3A_142 = arith.constant 0 : index
    %get3A_143 = vector.load %arg19[%get3A_141, %get3A_142] : memref<1x128xf32, #tpu.memory_space<vmem>>, vector<1x128xf32>
    %add3A_144 = vector.broadcast %get3A_143 : vector<1x128xf32> to vector<2000x128xf32>
    %add3A_145 = arith.addf %dot_general3A_140, %add3A_144 : vector<2000x128xf32>
    %logistic3A_146 = arith.negf %add3A_145 : vector<2000x128xf32>
    %logistic3A_147 = math.exp %logistic3A_146 : vector<2000x128xf32>
    %logistic3A_148 = arith.constant 1.000000e+00 : f32
    %logistic3A_149 = vector.broadcast %logistic3A_148 : f32 to vector<2000x128xf32>
    %logistic3A_150 = arith.addf %logistic3A_149, %logistic3A_147 : vector<2000x128xf32>
    %logistic3A_151 = arith.divf %logistic3A_149, %logistic3A_150 : vector<2000x128xf32>
    %mul3A_152 = arith.mulf %add3A_145, %logistic3A_151 : vector<2000x128xf32>
    %add3A_153 = arith.addf %mul3A_152, %add3A_118 : vector<2000x128xf32>
    %swap3A = arith.constant 0 : index
    %swap3A_154 = arith.constant 0 : index
    %swap3A_155 = vector.load %arg20[%swap3A, %swap3A_154] : memref<2000x128xf32, #tpu.memory_space<vmem>>, vector<2000x128xf32>
    tpu.vector_store %arg20[%swap3A, %swap3A_154], %add3A_153 {strides = array<i32>} : memref<2000x128xf32, #tpu.memory_space<vmem>>, vector<2000x128xf32>,
    return
  }
  func.func @transform_0(%arg0: i32) -> (i32, i32) {
    %c0_i32 = arith.constant 0 : i32
    %c0_i32_0 = arith.constant 0 : i32
    return %arg0, %c0_i32 : i32, i32
  }
  func.func @transform_1(%arg0: i32) -> (i32, i32) {
    %c0_i32 = arith.constant 0 : i32
    %c0_i32_0 = arith.constant 0 : i32
    return %arg0, %c0_i32 : i32, i32
  }
  func.func @transform_2(%arg0: i32) -> (i32, i32) {
    %c0_i32 = arith.constant 0 : i32
    %c0_i32_0 = arith.constant 0 : i32
    %c0_i32_1 = arith.constant 0 : i32
    return %c0_i32, %c0_i32_0 : i32, i32
  }
  func.func @transform_3(%arg0: i32) -> (i32, i32) {
    %c0_i32 = arith.constant 0 : i32
    %c0_i32_0 = arith.constant 0 : i32
    %c0_i32_1 = arith.constant 0 : i32
    return %c0_i32, %c0_i32_0 : i32, i32
  }
  func.func @transform_4(%arg0: i32) -> (i32, i32) {
    %c0_i32 = arith.constant 0 : i32
    %c0_i32_0 = arith.constant 0 : i32
    %c0_i32_1 = arith.constant 0 : i32
    return %c0_i32, %c0_i32_0 : i32, i32
  }
  func.func @transform_5(%arg0: i32) -> (i32, i32) {
    %c0_i32 = arith.constant 0 : i32
    %c0_i32_0 = arith.constant 0 : i32
    %c0_i32_1 = arith.constant 0 : i32
    return %c0_i32, %c0_i32_0 : i32, i32
  }
  func.func @transform_6(%arg0: i32) -> (i32, i32) {
    %c0_i32 = arith.constant 0 : i32
    %c0_i32_0 = arith.constant 0 : i32
    %c0_i32_1 = arith.constant 0 : i32
    return %c0_i32, %c0_i32_0 : i32, i32
  }
  func.func @transform_7(%arg0: i32) -> (i32, i32) {
    %c0_i32 = arith.constant 0 : i32
    %c0_i32_0 = arith.constant 0 : i32
    %c0_i32_1 = arith.constant 0 : i32
    return %c0_i32, %c0_i32_0 : i32, i32
  }
  func.func @transform_8(%arg0: i32) -> (i32, i32) {
    %c0_i32 = arith.constant 0 : i32
    %c0_i32_0 = arith.constant 0 : i32
    %c0_i32_1 = arith.constant 0 : i32
    return %c0_i32, %c0_i32_0 : i32, i32
  }
  func.func @transform_9(%arg0: i32) -> (i32, i32) {
    %c0_i32 = arith.constant 0 : i32
    %c0_i32_0 = arith.constant 0 : i32
    %c0_i32_1 = arith.constant 0 : i32
    return %c0_i32, %c0_i32_0 : i32, i32
  }
  func.func @transform_10(%arg0: i32) -> (i32, i32) {
    %c0_i32 = arith.constant 0 : i32
    %c0_i32_0 = arith.constant 0 : i32
    %c0_i32_1 = arith.constant 0 : i32
    return %c0_i32, %c0_i32_0 : i32, i32
  }
  func.func @transform_11(%arg0: i32) -> (i32, i32) {
    %c0_i32 = arith.constant 0 : i32
    %c0_i32_0 = arith.constant 0 : i32
    %c0_i32_1 = arith.constant 0 : i32
    return %c0_i32, %c0_i32_0 : i32, i32
  }
  func.func @transform_12(%arg0: i32) -> (i32, i32) {
    %c0_i32 = arith.constant 0 : i32
    %c0_i32_0 = arith.constant 0 : i32
    %c0_i32_1 = arith.constant 0 : i32
    return %c0_i32, %c0_i32_0 : i32, i32
  }
  func.func @transform_13(%arg0: i32) -> (i32, i32) {
    %c0_i32 = arith.constant 0 : i32
    %c0_i32_0 = arith.constant 0 : i32
    %c0_i32_1 = arith.constant 0 : i32
    return %c0_i32, %c0_i32_0 : i32, i32
  }
  func.func @transform_14(%arg0: i32) -> (i32, i32) {
    %c0_i32 = arith.constant 0 : i32
    %c0_i32_0 = arith.constant 0 : i32
    %c0_i32_1 = arith.constant 0 : i32
    return %c0_i32, %c0_i32_0 : i32, i32
  }
  func.func @transform_15(%arg0: i32) -> (i32, i32) {
    %c0_i32 = arith.constant 0 : i32
    %c0_i32_0 = arith.constant 0 : i32
    %c0_i32_1 = arith.constant 0 : i32
    return %c0_i32, %c0_i32_0 : i32, i32
  }
  func.func @transform_16(%arg0: i32) -> (i32, i32) {
    %c0_i32 = arith.constant 0 : i32
    %c0_i32_0 = arith.constant 0 : i32
    %c0_i32_1 = arith.constant 0 : i32
    return %c0_i32, %c0_i32_0 : i32, i32
  }
  func.func @transform_17(%arg0: i32) -> (i32, i32) {
    %c0_i32 = arith.constant 0 : i32
    %c0_i32_0 = arith.constant 0 : i32
    %c0_i32_1 = arith.constant 0 : i32
    return %c0_i32, %c0_i32_0 : i32, i32
  }
  func.func @transform_18(%arg0: i32) -> (i32, i32) {
    %c0_i32 = arith.constant 0 : i32
    %c0_i32_0 = arith.constant 0 : i32
    %c0_i32_1 = arith.constant 0 : i32
    return %c0_i32, %c0_i32_0 : i32, i32
  }
  func.func @transform_19(%arg0: i32) -> (i32, i32) {
    %c0_i32 = arith.constant 0 : i32
    %c0_i32_0 = arith.constant 0 : i32
    return %arg0, %c0_i32 : i32, i32
  }
}

</mosaic_0001>

<sc_bundles>
// kernel: kernel.6.cloned.1.call-start
scs
__scs_entry_jumppad:
0x0: {  	(pc) =	sbr.rel $0x88, $3  }
0x1: {  	(tag) =	ssettag $0x0;
	lr =	simm.s32 $0x1  }
0x2: {  	[smem:$0x3F84] =	sst lr;
	_ =	strace $0xD0000000  }
0x3: {  	_ = 	snop  }
0x4: {  	_ = 	snop  }
0x5: {  	_ = 	snop  }
0x6: {  	_ = 	snop  }
0x7: {  	_ = 	snop  }
__scs_overlays_trampoline_lowered:
0x8: {  	[smem:$0x3F93] =	sst s0  }
0x9: {  	[smem:$0x3F94] =	sst s1  }
0xa: {  	[smem:$0x3F95] =	sst s2  }
0xb: {  	[smem:$0x3F96] =	sst s3  }
0xc: {  	[smem:$0x3F97] =	sst s4  }
0xd: {  	[smem:$0x3F98] =	sst s5  }
0xe: {  	[smem:$0x3F99] =	sst s6  }
0xf: {  	[smem:$0x3F9A] =	sst s7  }
0x10: {  	[smem:$0x3F9B] =	sst s8  }
0x11: {  	[smem:$0x3F9C] =	sst s9;
	s0 =	simm.s32 @!p0 $0x0  }
0x12: {  	s1 =	sld [smem:$0x3F82];
	s0 =	simm.s32 @p0 $0x1  }
0x13: {  	[smem:$0x3F9D] =	sst s0;
	s0 =	simm.s32 @!p1 $0x0  }
0x14: {  	s2 =	sld [smem:$0x3F81];
	s0 =	simm.s32 @p1 $0x1  }
0x15: {  	[smem:$0x3F9E] =	sst s0;
	s0 =	simm.s32 @!p2 $0x0  }
0x16: {  	s3 =	sld [smem:$0x3FDB];
	s0 =	simm.s32 @p2 $0x1  }
0x17: {  	s4 =	simm.s32 $0x1BF5;
	[smem:$0x3FA0] =	sst s0  }
0x18: {  	s0 =	sld [smem:$0x3F83];
	_ =	swait.ge [sflag:s4], $0x0  }
0x19: {  	s7 =	sld [smem:$0x3F84]  }
0x1a: {  	s8 =	sadd.s32 $0xFFFFE003, lr  }
0x1b: {  	s9 =	sadd.s32 $0xFFFFFEF7, lr;
	s5 =	simm.s32 $0xFFFFFFFF;
	p2 =	slt.u32 s8, $0xFFFFF086  }
0x1c: {  	p1 =	slt.u32 s9, $0xF7A;
	s5 =	simm.s32 @!p2 $0x0  }
0x1d: {  	s5 =	simm.s32 @p1 $0x1;
	p0 =	seq.s32 s7, s2  }
0x1e: {  	s7 =	smul.u32 @!p0 $0xF7A, s2;
	p2 =	seq.s32 @!p0 s5, $0x0  }
0x1f: {  	s9 =	smul.u32 $0xF7A, s1;
	s8 =	simm.s32 @!p0 $0x1BF5;
	p2 =	por !p2, p0  }
0x20: {  	[sflag:s8] =	ssyncset.s32 @!p0 $0xFFFFF086;
	s6 =	sadd.s32 @!p0 s3, s7;
	s7 =	simm.s32 @!p0 $0x108  }
0x21: {  	s3 =	sadd.s32 s3, s9;
	s6 =	sadd.s32 @!p0 $0x88, s6;
	s7 =	simm.s32 @p2 $0x1082  }
0x22: {  	[simem:s7], [sflag:s8] =	dma.local @!p0 [hbm:s6], $0xF7A  }
0x23: {  	s9 =	sor.u32 $0xD0000000, s2;
	s6 =	simm.s32 $0x108;
	_ =	swait.ge @!p0 [sflag:s8], $0x0  }
0x24: {  	s3 =	sadd.s32 $0x88, s3;
	s6 =	simm.s32 @!p1 $0x1082;
	[sflag:s4] =	ssyncset.s32 $0xFFFFF086  }
0x25: {  	[simem:s6], [sflag:s4] =	dma.local [hbm:s3], $0xF7A  }
0x26: {  	[smem:$0x3F84] =	sst s1;
	(tag) =	ssettag s2;
	_ =	strace s9  }
0x27: {  	s1 =	sld [smem:$0x3F94]  }
0x28: {  	s2 =	sld [smem:$0x3F95]  }
0x29: {  	s4 =	sld [smem:$0x3F97]  }
0x2a: {  	p0 =	seq.s32 s5, $0x0;
	s5 =	sld [smem:$0x3F98]  }
0x2b: {  	s6 =	sld [smem:$0x3F99]  }
0x2c: {  	s7 =	sld [smem:$0x3F9A]  }
0x2d: {  	s3 =	simm.s32 $0x108;
	s8 =	sld [smem:$0x3F9B]  }
0x2e: {  	s3 =	simm.s32 @!p0 $0x1082;
	s9 =	sld [smem:$0x3F9C]  }
0x2f: {  	lr =	sadd.s32 s0, s3;
	s0 =	sld [smem:$0x3F93]  }
0x30: {  	s3 =	sld [smem:$0x3F96]  }
0x31: {  	[smem:$0x3F9F] =	sst s10  }
0x32: {  	s10 =	sld [smem:$0x3F9D];
	_ =	sdelay $0x3  }
0x33: {  	p0 =	seq.s32 s10, $0x1;
	s10 =	sld [smem:$0x3F9F];
	_ =	sdelay $0x3  }
0x34: {  	[smem:$0x3F9F] =	sst s10  }
0x35: {  	s10 =	sld [smem:$0x3F9E];
	_ =	sdelay $0x3  }
0x36: {  	p1 =	seq.s32 s10, $0x1;
	s10 =	sld [smem:$0x3F9F];
	_ =	sdelay $0x3  }
0x37: {  	[smem:$0x3F9F] =	sst s10  }
0x38: {  	s10 =	sld [smem:$0x3FA0]  }
0x39: {  	_ = 	snop;
	(pc) =	sbr.ind lr, $3  }
0x3a: {  	_ = 	snop  }
0x3b: {  	_ = 	snop  }
0x3c: {  	p2 =	seq.s32 s10, $0x1;
	s10 =	sld [smem:$0x3F9F]  }
0x3d: {  	_ =	shalt  }
0x3e: {  	_ =	shalt  }
0x3f: {  	_ =	shalt  }
0x40: {  	_ =	shalt  }
0x41: {  	_ =	shalt  }
0x42: {  	_ =	shalt  }
0x43: {  	_ =	shalt  }
0x44: {  	_ =	shalt  }
0x45: {  	_ =	shalt  }
0x46: {  	_ =	shalt  }
0x47: {  	_ =	shalt  }
0x48: {  	_ =	shalt  }
0x49: {  	_ =	shalt  }
0x4a: {  	_ =	shalt  }
0x4b: {  	_ =	shalt  }
0x4c: {  	_ =	shalt  }
0x4d: {  	_ =	shalt  }
0x4e: {  	_ =	shalt  }
0x4f: {  	_ =	shalt  }
0x50: {  	_ =	shalt  }
0x51: {  	_ =	shalt  }
0x52: {  	_ =	shalt  }
0x53: {  	_ =	shalt  }
0x54: {  	_ =	shalt  }
0x55: {  	_ =	shalt  }
0x56: {  	_ =	shalt  }
0x57: {  	_ =	shalt  }
0x58: {  	_ =	shalt  }
0x59: {  	_ =	shalt  }
0x5a: {  	_ =	shalt  }
0x5b: {  	_ =	shalt  }
0x5c: {  	_ =	shalt  }
0x5d: {  	_ =	shalt  }
0x5e: {  	_ =	shalt  }
0x5f: {  	_ =	shalt  }
0x60: {  	_ =	shalt  }
0x61: {  	_ =	shalt  }
0x62: {  	_ =	shalt  }
0x63: {  	_ =	shalt  }
0x64: {  	_ =	shalt  }
0x65: {  	_ =	shalt  }
0x66: {  	_ =	shalt  }
0x67: {  	_ =	shalt  }
0x68: {  	_ =	shalt  }
0x69: {  	_ =	shalt  }
0x6a: {  	_ =	shalt  }
0x6b: {  	_ =	shalt  }
0x6c: {  	_ =	shalt  }
0x6d: {  	_ =	shalt  }
0x6e: {  	_ =	shalt  }
0x6f: {  	_ =	shalt  }
0x70: {  	_ =	shalt  }
0x71: {  	_ =	shalt  }
0x72: {  	_ =	shalt  }
0x73: {  	_ =	shalt  }
0x74: {  	_ =	shalt  }
0x75: {  	_ =	shalt  }
0x76: {  	_ =	shalt  }
0x77: {  	_ =	shalt  }
0x78: {  	_ =	shalt  }
0x79: {  	_ =	shalt  }
0x7a: {  	_ =	shalt  }
0x7b: {  	_ =	shalt  }
0x7c: {  	_ =	shalt  }
0x7d: {  	_ =	shalt  }
0x7e: {  	_ =	shalt  }
0x7f: {  	_ =	shalt  }
0x80: {  	_ =	shalt  }
0x81: {  	_ =	shalt  }
0x82: {  	_ =	shalt  }
0x83: {  	_ =	shalt  }
0x84: {  	_ =	shalt  }
0x85: {  	_ =	shalt  }
0x86: {  	_ =	shalt  }
0x87: {  	_ =	shalt  }
.Lfunc_end0:
.L_simem_size_0:
called_computation.1_lowered:
.L_overlay_start_0:
0x88: {  	s2 =	sld [smem:$0x3FD9]  }
0x89: {  	s3 =	sld [smem:$0x3FFE];
	_ =	sdelay $0x1  }
0x8a: {  	s1 =	srdreg.scid  }
0x8b: {  	s0 =	sand.u32 $0x1, s1  }
0x8c: {  	s17 =	sshll.u32 s0, $0xA;
	s2 =	sadd.s32 s3, s2  }
0x8d: {  	s2 =	sadd.s32 s2, s17  }
0x8e: {  	[smem:$0x3FAB] =	sst s2  }
0x8f: {  	_ = 	snop  }
0x90: {  	s2 =	sld [smem:$0x3FC6]  }
0x91: {  	s18 =	sld [smem:$0x3FC5];
	(tm) =	ssettm $0x1  }
0x92: {  	s4 =	sld [smem:$0x3FFB];
	_ =	sdelay $0x3  }
0x93: {  	_ =	strace s4  }
0x94: {  	s4 =	sld [smem:$0x3FFC];
	_ =	sdelay $0x3  }
0x95: {  	_ =	strace s4  }
0x96: {  	s4 =	sld [smem:$0x3FFD];
	_ =	sdelay $0x3  }
0x97: {  	_ =	strace s4  }
0x98: {  	_ =	strace $0x8FFFFFFF  }
0x99: {  	s19 =	sld [smem:$0x3FDB];
	_ =	sdelay $0x1  }
0x9a: {  	s5 =	simm.s32 $_scs_section_size  }
0x9b: {  	s6 =	simm.s32 $_size__tile_overlayer_lowered;
	s7 =	simm.s32 $_tile_overlayer_lowered  }
0x9c: {  	s22 =	simm.s32 $0x1BFF;
	s21 =	sshll.u32 s7, $0x1;
	s4 =	sadd.s32 s5, s19  }
0x9d: {  	s8 =	simm.s32 $0x0;
	s20 =	sshll.u32 s6, $0x1;
	s6 =	sadd.s32 s21, s4  }
0x9e: {  	[timem:s8], [sflag:s22] =	dma.local [hbm:s6], s20  }
0x9f: {  	_ =	swait.ge [sflag:s22], s20  }
0xa0: {  	s5 =	ssub.s32 $0x0, s20;
	[sflag:s22] =	ssyncset.done $0x0  }
0xa1: {  	[sflag:s22] =	ssyncadd.s32 s5;
	_ =	sdelay $0x1  }
0xa2: {  	s23 =	simm.s32 $0x1B8B  }
0xa3: {  	_ =	swait.ge [sflag:s23], $0x1  }
0xa4: {  	[sflag:s23] =	ssyncset.done $0x0  }
0xa5: {  	s25 =	simm.s32 $0x1B8E;
	s24 =	sld [smem:$0x3FFE];
	[sflag:s23] =	ssyncadd.s32 $0xFFFFFFFF  }
0xa6: {  	s26 =	simm.s32 $execute0_lowered;
	[smem:$0x3FD2] =	sst s25  }
0xa7: {  	s6 =	sshll.u32 s26, $0x1;
	_ =	strace $0x80000046;
	[dreg:$0x1] =	wrdreg $0xFFFFFFFF  }
0xa8: {  	s28 =	simm.s32 $_size_execute0_lowered;
	s4 =	sadd.s32 s4, s6;
	[dreg:$0x0] =	wrdreg $0x0  }
0xa9: {  	s6 =	sshll.u32 s28, $0x1;
	[dreg:$0x2] =	wrdreg s4  }
0xaa: {  	[dreg:$0x3] =	wrdreg s6  }
0xab: {  	[dreg:$0x4] =	wrdreg $0xC0  }
0xac: {  	_ =	task [dreg:s8], $0x5FFFF  }
0xad: {  	[dreg:$0x1] =	wrdreg $0xFFFFFFFF  }
0xae: {  	[dreg:$0x0] =	wrdreg $0x60  }
0xaf: {  	[dreg:$0x2] =	wrdreg s24  }
0xb0: {  	[dreg:$0x3] =	wrdreg s2  }
0xb1: {  	[dreg:$0x4] =	wrdreg s18  }
0xb2: {  	[dreg:$0x5] =	wrdreg $0x9  }
0xb3: {  	_ =	task.clear_ibuf [dreg:s8], $0x6FFFF;
	_ =	strace $0x90000046  }
0xb4: {  	s29 =	simm.s32 $0x9;
	_ =	strace $0x80000048  }
0xb5: {  	_ =	swait.ge [sflag:s29], $0x1  }
0xb6: {  	[sflag:s29] =	ssyncadd.s32 $0xFFFFFFFF  }
0xb7: {  	_ =	strace $0x90000048  }
0xb8: {  	_ =	sfence  }
0xb9: {  	s30 =	sld [smem:$0x0];
	_ =	sdelay $0x2  }
0xba: {  	s31 =	sshll.u32 s1, $0xD;
	s1 =	sshrl.u32 s1, $0x2  }
0xbb: {  	s3 =	sand.u32 $0x4000, s31;
	s1 =	sadd.s32 s1, s30  }
0xbc: {  	s0 =	sor.u32 s3, s0;
	s1 =	sshll.u32 s1, $0x11  }
0xbd: {  	s0 =	sor.u32 s1, s0  }
0xbe: {  	s0 =	sadd.s32 $0x8F2B, s0  }
0xbf: {  	[sflag:s0] =	ssyncadd.remote.s32 $0x1  }
0xc0: {  	_ =	sfence.sel $0xFFFF  }
0xc1: {  	[dreg:$0x0] =	wrdreg $0xFFFFFFFF;
	(pc) =	sbr.abs _section_cstart, $3  }
0xc2: {  	[dreg:$0x1] =	wrdreg $0xFFFFFFFF  }
0xc3: {  	_ =	task.clear_ibuf [dreg:s8], $0x2FFFF;
	_ =	strace $0x9FFFFFFF  }
0xc4: {  	(tm) =	ssettm $0x7FFFFFFF  }
0xc5: {  	_ =	shalt  }
tec
execute0_lowered:
.L_overlay_start_1:
0x0: {  	(tag) =	ssettag $0x1  }
0x1: {  	s5 =	rddreg [dreg:$0x0]  }
0x2: {  	s9 =	rddreg [dreg:$0x1]  }
0x3: {  	s8 =	rddreg [dreg:$0x2]  }
0x4: {  	s0 =	rddreg [dreg:$0x3];
	s1 =	stileid.u32  }
0x5: {  	s2 =	simm.s32 $0x0;
	s3 =	srdreg.scid;
	s7 =	smul.u32 $0xEA60, s1  }
0x6: {  	s14 =	simm.s32 $0x200;
	s6 =	sand.u32 $0x1, s3;
	s12 =	smul.u32 $0xEA600, s1  }
0x7: {  	[smem:$0x7FF] =	sst s2;
	s3 =	sadd.s32 $0x2E00, s5;
	s11 =	smul.u32 $0x7530, s6  }
0x8: {  	s4 =	sadd.s32 $0x4E4E00, s5;
	s10 =	ssub.s32 $0x2, s6;
	s6 =	smul.u32 $0x75300, s6  }
0x9: {  	_ =	strace $0x80000047;
	s13 =	sshrl.u32 s10, $0x1;
	s15 =	sadd.s32 s12, s5  }
0xa: {  	s10 =	ssub.s32 s10, s13;
	s7 =	sadd.s32 s11, s7;
	s11 =	sadd.s32 s6, s15  }
0xb: {  	s13 =	simm.s32 $0x180;
	s15 =	simm.s32 $0x78;
	s5 =	smax.u32 s10, $0x1  }
0xc: {  	s16 =	sshrl.u32 s7, $0x3;
	s18 =	sadd.s32 $0x1E0, s7;
	s22 =	sadd.s32 $0x168, s7  }
0xd: {  	s26 =	sadd.s32 $0xF0, s7;
	s6 =	sadd.s32 $0x9C6E00, s11;
	s30 =	sadd.s32 $0x78, s7  }
0xe: {  	s7 =	sadd.s32 $0x186CE00, s11;
	s11 =	simm.s32 $0x80;
	s17 =	sadd.s32 s16, s8  }
0xf: {  	s19 =	sadd.s32 s16, s9;
	s20 =	sshrl.u32 s18, $0x3;
	s24 =	sshrl.u32 s22, $0x3  }
0x10: {  	s12 =	sshrl.u32 s26, $0x3;
	s31 =	sshrl.u32 s30, $0x3;
	s16 =	simm.s32 $0x400  }
0x11: {  	s18 =	simm.s32 $0x7C00;
	s22 =	simm.s32 $0x0;
	[dreg:$0x4] =	wrdreg s17  }
0x12: {  	[dreg:$0x5] =	wrdreg s19;
	s21 =	sadd.s32 s20, s8;
	s23 =	sadd.s32 s20, s9  }
0x13: {  	s25 =	sadd.s32 s24, s8;
	s10 =	sadd.s32 s24, s9;
	[dreg:$0x6] =	wrdreg s21  }
0x14: {  	s28 =	sadd.s32 s12, s8;
	s29 =	sadd.s32 s12, s9;
	[dreg:$0x7] =	wrdreg s23  }
0x15: {  	s8 =	sadd.s32 s31, s8;
	s9 =	sadd.s32 s31, s9;
	[dreg:$0x8] =	wrdreg s25  }
0x16: {  	s12 =	simm.s32 $0x100;
	s17 =	simm.s32 $0x4000;
	[dreg:$0x9] =	wrdreg s10  }
0x17: {  	s19 =	simm.s32 $0xB800;
	s20 =	simm.s32 $0xF400;
	[dreg:$0xa] =	wrdreg s28  }
0x18: {  	[dreg:$0xb] =	wrdreg s29;
	s10 =	simm.s32 $0x2;
	s21 =	simm.s32 $0x1  }
.LBB2_1:
0x19: {  	s23 =	rddreg [dreg:$0x5]  }
0x1a: {  	s23 =	sadd.s32 $0x0, s23  }
0x1b: {  	[tilespmem:s2], [sflag:$0x2] =	stream.linear.gather [hbm4b:s23+s2], $0x78, $0x38;
	[tilespmem:$0x13000] =	vst v63  }
0x1c: {  	_ =	swait.ge [sflag:s10], $0x78  }
0x1d: {  	[sflag:s10] =	ssyncset.done $0x0  }
0x1e: {  	s28 =	sadd.s32 $0x0, s9;
	[sflag:s10] =	ssyncadd.s32 $0xFFFFFF88  }
0x1f: {  	[tilespmem:s11], [sflag:$0x2] =	stream.linear.gather [hbm4b:s28+s2], $0x78, $0x38;
	[tilespmem:$0x13000] =	vst v63  }
0x20: {  	_ =	swait.ge [sflag:s10], $0x78  }
0x21: {  	s30 =	rddreg [dreg:$0xb];
	[sflag:s10] =	ssyncset.done $0x0  }
0x22: {  	[sflag:s10] =	ssyncadd.s32 $0xFFFFFF88;
	s23 =	sadd.s32 $0x0, s30  }
0x23: {  	[tilespmem:s12], [sflag:$0x2] =	stream.linear.gather [hbm4b:s23+s2], $0x78, $0x38;
	[tilespmem:$0x13000] =	vst v63  }
0x24: {  	_ =	swait.ge [sflag:s10], $0x78  }
0x25: {  	s31 =	rddreg [dreg:$0x9];
	[sflag:s10] =	ssyncset.done $0x0  }
0x26: {  	[sflag:s10] =	ssyncadd.s32 $0xFFFFFF88;
	s23 =	sadd.s32 $0x0, s31  }
0x27: {  	[tilespmem:s13], [sflag:$0x2] =	stream.linear.gather [hbm4b:s23+s2], $0x78, $0x38;
	[tilespmem:$0x13000] =	vst v63  }
0x28: {  	_ =	swait.ge [sflag:s10], $0x78  }
0x29: {  	s24 =	rddreg [dreg:$0x7];
	[sflag:s10] =	ssyncset.done $0x0  }
0x2a: {  	[sflag:s10] =	ssyncadd.s32 $0xFFFFFF88;
	s23 =	sadd.s32 $0x0, s24  }
0x2b: {  	[tilespmem:s14], [sflag:$0x2] =	stream.linear.gather [hbm4b:s23+s2], $0x78, $0x38;
	[tilespmem:$0x13000] =	vst v63  }
0x2c: {  	_ =	swait.ge [sflag:s10], $0x78  }
0x2d: {  	[sflag:s10] =	ssyncset.done $0x0  }
0x2e: {  	[sflag:s10] =	ssyncadd.s32 $0xFFFFFF88  }
0x2f: {  	[tilespmem:s16], [sflag:$0x1] =	stream.indirect.gather [hbm4b:s3+s15], $0x80, s2, s15, $0xb8;
	[tilespmem:$0x13000] =	vst v63  }
0x30: {  	_ = 	snop  }
0x31: {  	[tilespmem:s17], [sflag:$0x1] =	stream.indirect.gather [hbm4b:s3+s15], $0x80, s11, s15, $0xb8;
	[tilespmem:$0x13000] =	vst v63  }
0x32: {  	_ = 	snop  }
0x33: {  	[tilespmem:s18], [sflag:$0x1] =	stream.indirect.gather [hbm4b:s3+s15], $0x80, s12, s15, $0xb8;
	[tilespmem:$0x13000] =	vst v63  }
0x34: {  	_ = 	snop  }
0x35: {  	[tilespmem:s19], [sflag:$0x1] =	stream.indirect.gather [hbm4b:s3+s15], $0x80, s13, s15, $0xb8;
	[tilespmem:$0x13000] =	vst v63  }
0x36: {  	_ = 	snop  }
0x37: {  	[tilespmem:s20], [sflag:$0x1] =	stream.indirect.gather [hbm4b:s3+s15], $0x80, s14, s15, $0xb8;
	[tilespmem:$0x13000] =	vst v63  }
0x38: {  	_ =	swait.ge [sflag:s21], $0x3C00  }
0x39: {  	[sflag:s21] =	ssyncset.done $0x0  }
0x3a: {  	[sflag:s21] =	ssyncadd.s32 $0xFFFFC400  }
0x3b: {  	_ =	swait.ge [sflag:s21], $0x3C00  }
0x3c: {  	[sflag:s21] =	ssyncset.done $0x0  }
0x3d: {  	[sflag:s21] =	ssyncadd.s32 $0xFFFFC400  }
0x3e: {  	_ =	swait.ge [sflag:s21], $0x3C00  }
0x3f: {  	[sflag:s21] =	ssyncset.done $0x0  }
0x40: {  	[sflag:s21] =	ssyncadd.s32 $0xFFFFC400  }
0x41: {  	_ =	swait.ge [sflag:s21], $0x3C00  }
0x42: {  	[sflag:s21] =	ssyncset.done $0x0  }
0x43: {  	[sflag:s21] =	ssyncadd.s32 $0xFFFFC400  }
0x44: {  	_ =	swait.ge [sflag:s21], $0x3C00  }
0x45: {  	[sflag:s21] =	ssyncset.done $0x0  }
0x46: {  	[sflag:s21] =	ssyncadd.s32 $0xFFFFC400  }
0x47: {  	[hbm4b:s6+s2] =	stream.linear.scatter [tilespmem:s16], [sflag:$0x2], $0x12C00, $0x38;
	[tilespmem:$0x13000] =	vst v63  }
0x48: {  	_ =	swait.ge [sflag:s10], $0x12C00  }
0x49: {  	s25 =	rddreg [dreg:$0x4];
	[sflag:s10] =	ssyncset.done $0x0  }
0x4a: {  	[sflag:s10] =	ssyncadd.s32 $0xFFFED400;
	s23 =	sadd.s32 $0x0, s25  }
0x4b: {  	[tilespmem:s2], [sflag:$0x2] =	stream.linear.gather [hbm4b:s23+s2], $0x78, $0x38;
	[tilespmem:$0x13000] =	vst v63  }
0x4c: {  	_ =	swait.ge [sflag:s10], $0x78  }
0x4d: {  	[sflag:s10] =	ssyncset.done $0x0  }
0x4e: {  	s26 =	sadd.s32 $0x0, s8;
	[sflag:s10] =	ssyncadd.s32 $0xFFFFFF88  }
0x4f: {  	[tilespmem:s11], [sflag:$0x2] =	stream.linear.gather [hbm4b:s26+s2], $0x78, $0x38;
	[tilespmem:$0x13000] =	vst v63  }
0x50: {  	_ =	swait.ge [sflag:s10], $0x78  }
0x51: {  	s28 =	rddreg [dreg:$0xa];
	[sflag:s10] =	ssyncset.done $0x0  }
0x52: {  	[sflag:s10] =	ssyncadd.s32 $0xFFFFFF88;
	s23 =	sadd.s32 $0x0, s28  }
0x53: {  	[tilespmem:s12], [sflag:$0x2] =	stream.linear.gather [hbm4b:s23+s2], $0x78, $0x38;
	[tilespmem:$0x13000] =	vst v63  }
0x54: {  	_ =	swait.ge [sflag:s10], $0x78  }
0x55: {  	s30 =	rddreg [dreg:$0x8];
	[sflag:s10] =	ssyncset.done $0x0  }
0x56: {  	[sflag:s10] =	ssyncadd.s32 $0xFFFFFF88;
	s23 =	sadd.s32 $0x0, s30  }
0x57: {  	[tilespmem:s13], [sflag:$0x2] =	stream.linear.gather [hbm4b:s23+s2], $0x78, $0x38;
	[tilespmem:$0x13000] =	vst v63  }
0x58: {  	_ =	swait.ge [sflag:s10], $0x78  }
0x59: {  	s31 =	rddreg [dreg:$0x6];
	[sflag:s10] =	ssyncset.done $0x0  }
0x5a: {  	[sflag:s10] =	ssyncadd.s32 $0xFFFFFF88;
	s23 =	sadd.s32 $0x0, s31  }
0x5b: {  	[tilespmem:s14], [sflag:$0x2] =	stream.linear.gather [hbm4b:s23+s2], $0x78, $0x38;
	[tilespmem:$0x13000] =	vst v63  }
0x5c: {  	_ =	swait.ge [sflag:s10], $0x78  }
0x5d: {  	[sflag:s10] =	ssyncset.done $0x0  }
0x5e: {  	[sflag:s10] =	ssyncadd.s32 $0xFFFFFF88  }
0x5f: {  	[tilespmem:s16], [sflag:$0x1] =	stream.indirect.gather [hbm4b:s4+s15], $0x80, s2, s15, $0xb8;
	[tilespmem:$0x13000] =	vst v63  }
0x60: {  	_ = 	snop  }
0x61: {  	[tilespmem:s17], [sflag:$0x1] =	stream.indirect.gather [hbm4b:s4+s15], $0x80, s11, s15, $0xb8;
	[tilespmem:$0x13000] =	vst v63  }
0x62: {  	_ = 	snop  }
0x63: {  	[tilespmem:s18], [sflag:$0x1] =	stream.indirect.gather [hbm4b:s4+s15], $0x80, s12, s15, $0xb8;
	[tilespmem:$0x13000] =	vst v63  }
0x64: {  	_ = 	snop  }
0x65: {  	[tilespmem:s19], [sflag:$0x1] =	stream.indirect.gather [hbm4b:s4+s15], $0x80, s13, s15, $0xb8;
	[tilespmem:$0x13000] =	vst v63  }
0x66: {  	_ = 	snop  }
0x67: {  	[tilespmem:s20], [sflag:$0x1] =	stream.indirect.gather [hbm4b:s4+s15], $0x80, s14, s15, $0xb8;
	[tilespmem:$0x13000] =	vst v63  }
0x68: {  	_ =	swait.ge [sflag:s21], $0x3C00  }
0x69: {  	[sflag:s21] =	ssyncset.done $0x0  }
0x6a: {  	[sflag:s21] =	ssyncadd.s32 $0xFFFFC400  }
0x6b: {  	_ =	swait.ge [sflag:s21], $0x3C00  }
0x6c: {  	[sflag:s21] =	ssyncset.done $0x0  }
0x6d: {  	[sflag:s21] =	ssyncadd.s32 $0xFFFFC400  }
0x6e: {  	_ =	swait.ge [sflag:s21], $0x3C00  }
0x6f: {  	[sflag:s21] =	ssyncset.done $0x0  }
0x70: {  	[sflag:s21] =	ssyncadd.s32 $0xFFFFC400  }
0x71: {  	_ =	swait.ge [sflag:s21], $0x3C00  }
0x72: {  	[sflag:s21] =	ssyncset.done $0x0  }
0x73: {  	[sflag:s21] =	ssyncadd.s32 $0xFFFFC400  }
0x74: {  	_ =	swait.ge [sflag:s21], $0x3C00  }
0x75: {  	[sflag:s21] =	ssyncset.done $0x0  }
0x76: {  	s24 =	simm.s32 $0x4B;
	[sflag:s21] =	ssyncadd.s32 $0xFFFFC400  }
0x77: {  	[hbm4b:s7+s2] =	stream.linear.scatter [tilespmem:s16], [sflag:$0x2], $0x12C00, $0x38;
	[tilespmem:$0x13000] =	vst v63  }
0x78: {  	s25 =	smov.u32 s6;
	s26 =	simm.s32 $0x96;
	_ =	swait.ge [sflag:s10], $0x12C00  }
0x79: {  	s23 =	smov.u32 s7;
	s29 =	rddreg [dreg:$0x5];
	[sflag:s10] =	ssyncset.done $0x0  }
.LBB2_2:
0x7a: {  	[sflag:s10] =	ssyncadd.s32 $0xFFFED400;
	s29 =	sadd.s32 s24, s29  }
0x7b: {  	[tilespmem:s2], [sflag:$0x2] =	stream.linear.gather [hbm4b:s29+s2], $0x78, $0x38;
	[tilespmem:$0x13000] =	vst v63  }
0x7c: {  	_ =	swait.ge [sflag:s10], $0x78  }
0x7d: {  	[sflag:s10] =	ssyncset.done $0x0  }
0x7e: {  	s29 =	sadd.s32 s24, s9;
	[sflag:s10] =	ssyncadd.s32 $0xFFFFFF88  }
0x7f: {  	[tilespmem:s11], [sflag:$0x2] =	stream.linear.gather [hbm4b:s29+s2], $0x78, $0x38;
	[tilespmem:$0x13000] =	vst v63  }
0x80: {  	_ =	swait.ge [sflag:s10], $0x78  }
0x81: {  	s29 =	rddreg [dreg:$0xb];
	[sflag:s10] =	ssyncset.done $0x0  }
0x82: {  	[sflag:s10] =	ssyncadd.s32 $0xFFFFFF88;
	s29 =	sadd.s32 s24, s29  }
0x83: {  	[tilespmem:s12], [sflag:$0x2] =	stream.linear.gather [hbm4b:s29+s2], $0x78, $0x38;
	[tilespmem:$0x13000] =	vst v63  }
0x84: {  	_ =	swait.ge [sflag:s10], $0x78  }
0x85: {  	s29 =	rddreg [dreg:$0x9];
	[sflag:s10] =	ssyncset.done $0x0  }
0x86: {  	[sflag:s10] =	ssyncadd.s32 $0xFFFFFF88;
	s29 =	sadd.s32 s24, s29  }
0x87: {  	[tilespmem:s13], [sflag:$0x2] =	stream.linear.gather [hbm4b:s29+s2], $0x78, $0x38;
	[tilespmem:$0x13000] =	vst v63  }
0x88: {  	_ =	swait.ge [sflag:s10], $0x78  }
0x89: {  	s29 =	rddreg [dreg:$0x7];
	[sflag:s10] =	ssyncset.done $0x0  }
0x8a: {  	[sflag:s10] =	ssyncadd.s32 $0xFFFFFF88;
	s29 =	sadd.s32 s24, s29  }
0x8b: {  	[tilespmem:s14], [sflag:$0x2] =	stream.linear.gather [hbm4b:s29+s2], $0x78, $0x38;
	[tilespmem:$0x13000] =	vst v63  }
0x8c: {  	_ =	swait.ge [sflag:s10], $0x78  }
0x8d: {  	[sflag:s10] =	ssyncset.done $0x0  }
0x8e: {  	[sflag:s10] =	ssyncadd.s32 $0xFFFFFF88  }
0x8f: {  	[tilespmem:s16], [sflag:$0x1] =	stream.indirect.gather [hbm4b:s3+s15], $0x80, s2, s15, $0xb8;
	[tilespmem:$0x13000] =	vst v63  }
0x90: {  	_ = 	snop  }
0x91: {  	[tilespmem:s17], [sflag:$0x1] =	stream.indirect.gather [hbm4b:s3+s15], $0x80, s11, s15, $0xb8;
	[tilespmem:$0x13000] =	vst v63  }
0x92: {  	_ = 	snop  }
0x93: {  	[tilespmem:s18], [sflag:$0x1] =	stream.indirect.gather [hbm4b:s3+s15], $0x80, s12, s15, $0xb8;
	[tilespmem:$0x13000] =	vst v63  }
0x94: {  	_ = 	snop  }
0x95: {  	[tilespmem:s19], [sflag:$0x1] =	stream.indirect.gather [hbm4b:s3+s15], $0x80, s13, s15, $0xb8;
	[tilespmem:$0x13000] =	vst v63  }
0x96: {  	_ = 	snop  }
0x97: {  	[tilespmem:s20], [sflag:$0x1] =	stream.indirect.gather [hbm4b:s3+s15], $0x80, s14, s15, $0xb8;
	[tilespmem:$0x13000] =	vst v63  }
0x98: {  	_ =	swait.ge [sflag:s21], $0x3C00  }
0x99: {  	[sflag:s21] =	ssyncset.done $0x0  }
0x9a: {  	[sflag:s21] =	ssyncadd.s32 $0xFFFFC400  }
0x9b: {  	_ =	swait.ge [sflag:s21], $0x3C00  }
0x9c: {  	[sflag:s21] =	ssyncset.done $0x0  }
0x9d: {  	[sflag:s21] =	ssyncadd.s32 $0xFFFFC400  }
0x9e: {  	_ =	swait.ge [sflag:s21], $0x3C00  }
0x9f: {  	[sflag:s21] =	ssyncset.done $0x0  }
0xa0: {  	[sflag:s21] =	ssyncadd.s32 $0xFFFFC400  }
0xa1: {  	_ =	swait.ge [sflag:s21], $0x3C00  }
0xa2: {  	[sflag:s21] =	ssyncset.done $0x0  }
0xa3: {  	[sflag:s21] =	ssyncadd.s32 $0xFFFFC400  }
0xa4: {  	_ =	swait.ge [sflag:s21], $0x3C00  }
0xa5: {  	[sflag:s21] =	ssyncset.done $0x0  }
0xa6: {  	s25 =	sadd.s32 $0x2580, s25;
	[sflag:s21] =	ssyncadd.s32 $0xFFFFC400  }
0xa7: {  	[hbm4b:s25+s2] =	stream.linear.scatter [tilespmem:s16], [sflag:$0x2], $0x12C00, $0x38;
	[tilespmem:$0x13000] =	vst v63  }
0xa8: {  	_ =	swait.ge [sflag:s10], $0x12C00  }
0xa9: {  	s29 =	rddreg [dreg:$0x4];
	[sflag:s10] =	ssyncset.done $0x0  }
0xaa: {  	[sflag:s10] =	ssyncadd.s32 $0xFFFED400;
	s29 =	sadd.s32 s24, s29  }
0xab: {  	[tilespmem:s2], [sflag:$0x2] =	stream.linear.gather [hbm4b:s29+s2], $0x78, $0x38;
	[tilespmem:$0x13000] =	vst v63  }
0xac: {  	_ =	swait.ge [sflag:s10], $0x78  }
0xad: {  	[sflag:s10] =	ssyncset.done $0x0  }
0xae: {  	s29 =	sadd.s32 s24, s8;
	[sflag:s10] =	ssyncadd.s32 $0xFFFFFF88  }
0xaf: {  	[tilespmem:s11], [sflag:$0x2] =	stream.linear.gather [hbm4b:s29+s2], $0x78, $0x38;
	[tilespmem:$0x13000] =	vst v63  }
0xb0: {  	_ =	swait.ge [sflag:s10], $0x78  }
0xb1: {  	s29 =	rddreg [dreg:$0xa];
	[sflag:s10] =	ssyncset.done $0x0  }
0xb2: {  	[sflag:s10] =	ssyncadd.s32 $0xFFFFFF88;
	s29 =	sadd.s32 s24, s29  }
0xb3: {  	[tilespmem:s12], [sflag:$0x2] =	stream.linear.gather [hbm4b:s29+s2], $0x78, $0x38;
	[tilespmem:$0x13000] =	vst v63  }
0xb4: {  	_ =	swait.ge [sflag:s10], $0x78  }
0xb5: {  	s29 =	rddreg [dreg:$0x8];
	[sflag:s10] =	ssyncset.done $0x0  }
0xb6: {  	[sflag:s10] =	ssyncadd.s32 $0xFFFFFF88;
	s29 =	sadd.s32 s24, s29  }
0xb7: {  	[tilespmem:s13], [sflag:$0x2] =	stream.linear.gather [hbm4b:s29+s2], $0x78, $0x38;
	[tilespmem:$0x13000] =	vst v63  }
0xb8: {  	_ =	swait.ge [sflag:s10], $0x78  }
0xb9: {  	s29 =	rddreg [dreg:$0x6];
	[sflag:s10] =	ssyncset.done $0x0  }
0xba: {  	[sflag:s10] =	ssyncadd.s32 $0xFFFFFF88;
	s29 =	sadd.s32 s24, s29  }
0xbb: {  	[tilespmem:s14], [sflag:$0x2] =	stream.linear.gather [hbm4b:s29+s2], $0x78, $0x38;
	[tilespmem:$0x13000] =	vst v63  }
0xbc: {  	_ =	swait.ge [sflag:s10], $0x78  }
0xbd: {  	[sflag:s10] =	ssyncset.done $0x0  }
0xbe: {  	[sflag:s10] =	ssyncadd.s32 $0xFFFFFF88  }
0xbf: {  	[tilespmem:s16], [sflag:$0x1] =	stream.indirect.gather [hbm4b:s4+s15], $0x80, s2, s15, $0xb8;
	[tilespmem:$0x13000] =	vst v63  }
0xc0: {  	_ = 	snop  }
0xc1: {  	[tilespmem:s17], [sflag:$0x1] =	stream.indirect.gather [hbm4b:s4+s15], $0x80, s11, s15, $0xb8;
	[tilespmem:$0x13000] =	vst v63  }
0xc2: {  	_ = 	snop  }
0xc3: {  	[tilespmem:s18], [sflag:$0x1] =	stream.indirect.gather [hbm4b:s4+s15], $0x80, s12, s15, $0xb8;
	[tilespmem:$0x13000] =	vst v63  }
0xc4: {  	_ = 	snop  }
0xc5: {  	[tilespmem:s19], [sflag:$0x1] =	stream.indirect.gather [hbm4b:s4+s15], $0x80, s13, s15, $0xb8;
	[tilespmem:$0x13000] =	vst v63  }
0xc6: {  	_ = 	snop  }
0xc7: {  	[tilespmem:s20], [sflag:$0x1] =	stream.indirect.gather [hbm4b:s4+s15], $0x80, s14, s15, $0xb8;
	[tilespmem:$0x13000] =	vst v63  }
0xc8: {  	_ =	swait.ge [sflag:s21], $0x3C00  }
0xc9: {  	[sflag:s21] =	ssyncset.done $0x0  }
0xca: {  	[sflag:s21] =	ssyncadd.s32 $0xFFFFC400  }
0xcb: {  	_ =	swait.ge [sflag:s21], $0x3C00  }
0xcc: {  	[sflag:s21] =	ssyncset.done $0x0  }
0xcd: {  	[sflag:s21] =	ssyncadd.s32 $0xFFFFC400  }
0xce: {  	_ =	swait.ge [sflag:s21], $0x3C00  }
0xcf: {  	[sflag:s21] =	ssyncset.done $0x0  }
0xd0: {  	[sflag:s21] =	ssyncadd.s32 $0xFFFFC400  }
0xd1: {  	_ =	swait.ge [sflag:s21], $0x3C00  }
0xd2: {  	[sflag:s21] =	ssyncset.done $0x0  }
0xd3: {  	[sflag:s21] =	ssyncadd.s32 $0xFFFFC400  }
0xd4: {  	p0 =	sne.s32 s26, $0xE5B;
	_ =	swait.ge [sflag:s21], $0x3C00  }
.Ltmp0:
0xd5: {  	[sflag:s21] =	ssyncset.done $0x0;
	(pc) =	sbr.rel @p0 .LBB2_2-.Ltmp0, $4  }
0xd6: {  	s23 =	sadd.s32 $0x2580, s23;
	[sflag:s21] =	ssyncadd.s32 $0xFFFFC400  }
0xd7: {  	[hbm4b:s23+s2] =	stream.linear.scatter [tilespmem:s16], [sflag:$0x2], $0x12C00, $0x38;
	[tilespmem:$0x13000] =	vst v63  }
0xd8: {  	s28 =	smov.u32 s26;
	s26 =	sadd.s32 $0x4B, s26;
	_ =	swait.ge [sflag:s10], $0x12C00  }
0xd9: {  	s24 =	smov.u32 s28;
	s29 =	rddreg [dreg:$0x5];
	[sflag:s10] =	ssyncset.done $0x0  }
0xda: {  	[sflag:s10] =	ssyncadd.s32 $0xFFFED400;
	s26 =	sadd.s32 s24, s29  }
0xdb: {  	[tilespmem:s2], [sflag:$0x2] =	stream.linear.gather [hbm4b:s26+s2], $0x78, $0x38;
	[tilespmem:$0x13000] =	vst v63  }
0xdc: {  	_ =	swait.ge [sflag:s10], $0x78  }
0xdd: {  	[sflag:s10] =	ssyncset.done $0x0  }
0xde: {  	s31 =	sadd.s32 s24, s9;
	[sflag:s10] =	ssyncadd.s32 $0xFFFFFF88  }
0xdf: {  	[tilespmem:s11], [sflag:$0x2] =	stream.linear.gather [hbm4b:s31+s2], $0x78, $0x38;
	[tilespmem:$0x13000] =	vst v63  }
0xe0: {  	_ =	swait.ge [sflag:s10], $0x78  }
0xe1: {  	s28 =	rddreg [dreg:$0xb];
	[sflag:s10] =	ssyncset.done $0x0  }
0xe2: {  	[sflag:s10] =	ssyncadd.s32 $0xFFFFFF88;
	s26 =	sadd.s32 s24, s28  }
0xe3: {  	[tilespmem:s12], [sflag:$0x2] =	stream.linear.gather [hbm4b:s26+s2], $0x78, $0x38;
	[tilespmem:$0x13000] =	vst v63  }
0xe4: {  	_ =	swait.ge [sflag:s10], $0x78  }
0xe5: {  	s29 =	rddreg [dreg:$0x9];
	[sflag:s10] =	ssyncset.done $0x0  }
0xe6: {  	[sflag:s10] =	ssyncadd.s32 $0xFFFFFF88;
	s26 =	sadd.s32 s24, s29  }
0xe7: {  	[tilespmem:s13], [sflag:$0x2] =	stream.linear.gather [hbm4b:s26+s2], $0x78, $0x38;
	[tilespmem:$0x13000] =	vst v63  }
0xe8: {  	_ =	swait.ge [sflag:s10], $0x78  }
0xe9: {  	s30 =	rddreg [dreg:$0x7];
	[sflag:s10] =	ssyncset.done $0x0  }
0xea: {  	[sflag:s10] =	ssyncadd.s32 $0xFFFFFF88;
	s26 =	sadd.s32 s24, s30  }
0xeb: {  	[tilespmem:s14], [sflag:$0x2] =	stream.linear.gather [hbm4b:s26+s2], $0x78, $0x38;
	[tilespmem:$0x13000] =	vst v63  }
0xec: {  	_ =	swait.ge [sflag:s10], $0x78  }
0xed: {  	[sflag:s10] =	ssyncset.done $0x0  }
0xee: {  	[sflag:s10] =	ssyncadd.s32 $0xFFFFFF88  }
0xef: {  	[tilespmem:s16], [sflag:$0x1] =	stream.indirect.gather [hbm4b:s3+s15], $0x80, s2, s15, $0xb8;
	[tilespmem:$0x13000] =	vst v63  }
0xf0: {  	_ = 	snop  }
0xf1: {  	[tilespmem:s17], [sflag:$0x1] =	stream.indirect.gather [hbm4b:s3+s15], $0x80, s11, s15, $0xb8;
	[tilespmem:$0x13000] =	vst v63  }
0xf2: {  	_ = 	snop  }
0xf3: {  	[tilespmem:s18], [sflag:$0x1] =	stream.indirect.gather [hbm4b:s3+s15], $0x80, s12, s15, $0xb8;
	[tilespmem:$0x13000] =	vst v63  }
0xf4: {  	_ = 	snop  }
0xf5: {  	[tilespmem:s19], [sflag:$0x1] =	stream.indirect.gather [hbm4b:s3+s15], $0x80, s13, s15, $0xb8;
	[tilespmem:$0x13000] =	vst v63  }
0xf6: {  	_ = 	snop  }
0xf7: {  	[tilespmem:s20], [sflag:$0x1] =	stream.indirect.gather [hbm4b:s3+s15], $0x80, s14, s15, $0xb8;
	[tilespmem:$0x13000] =	vst v63  }
0xf8: {  	_ =	swait.ge [sflag:s21], $0x3C00  }
0xf9: {  	[sflag:s21] =	ssyncset.done $0x0  }
0xfa: {  	[sflag:s21] =	ssyncadd.s32 $0xFFFFC400  }
0xfb: {  	_ =	swait.ge [sflag:s21], $0x3C00  }
0xfc: {  	[sflag:s21] =	ssyncset.done $0x0  }
0xfd: {  	[sflag:s21] =	ssyncadd.s32 $0xFFFFC400  }
0xfe: {  	_ =	swait.ge [sflag:s21], $0x3C00  }
0xff: {  	[sflag:s21] =	ssyncset.done $0x0  }
0x100: {  	[sflag:s21] =	ssyncadd.s32 $0xFFFFC400  }
0x101: {  	_ =	swait.ge [sflag:s21], $0x3C00  }
0x102: {  	[sflag:s21] =	ssyncset.done $0x0  }
0x103: {  	[sflag:s21] =	ssyncadd.s32 $0xFFFFC400  }
0x104: {  	_ =	swait.ge [sflag:s21], $0x3C00  }
0x105: {  	[sflag:s21] =	ssyncset.done $0x0  }
0x106: {  	s25 =	sadd.s32 $0x2580, s25;
	[sflag:s21] =	ssyncadd.s32 $0xFFFFC400  }
0x107: {  	[hbm4b:s25+s2] =	stream.linear.scatter [tilespmem:s16], [sflag:$0x2], $0x12C00, $0x38;
	[tilespmem:$0x13000] =	vst v63  }
0x108: {  	_ =	swait.ge [sflag:s10], $0x12C00  }
0x109: {  	s31 =	rddreg [dreg:$0x4];
	[sflag:s10] =	ssyncset.done $0x0  }
0x10a: {  	[sflag:s10] =	ssyncadd.s32 $0xFFFED400;
	s25 =	sadd.s32 s24, s31  }
0x10b: {  	[tilespmem:s2], [sflag:$0x2] =	stream.linear.gather [hbm4b:s25+s2], $0x78, $0x38;
	[tilespmem:$0x13000] =	vst v63  }
0x10c: {  	_ =	swait.ge [sflag:s10], $0x78  }
0x10d: {  	[sflag:s10] =	ssyncset.done $0x0  }
0x10e: {  	s26 =	sadd.s32 s24, s8;
	[sflag:s10] =	ssyncadd.s32 $0xFFFFFF88  }
0x10f: {  	[tilespmem:s11], [sflag:$0x2] =	stream.linear.gather [hbm4b:s26+s2], $0x78, $0x38;
	[tilespmem:$0x13000] =	vst v63  }
0x110: {  	_ =	swait.ge [sflag:s10], $0x78  }
0x111: {  	s28 =	rddreg [dreg:$0xa];
	[sflag:s10] =	ssyncset.done $0x0  }
0x112: {  	[sflag:s10] =	ssyncadd.s32 $0xFFFFFF88;
	s25 =	sadd.s32 s24, s28  }
0x113: {  	[tilespmem:s12], [sflag:$0x2] =	stream.linear.gather [hbm4b:s25+s2], $0x78, $0x38;
	[tilespmem:$0x13000] =	vst v63  }
0x114: {  	_ =	swait.ge [sflag:s10], $0x78  }
0x115: {  	s29 =	rddreg [dreg:$0x8];
	[sflag:s10] =	ssyncset.done $0x0  }
0x116: {  	[sflag:s10] =	ssyncadd.s32 $0xFFFFFF88;
	s25 =	sadd.s32 s24, s29  }
0x117: {  	[tilespmem:s13], [sflag:$0x2] =	stream.linear.gather [hbm4b:s25+s2], $0x78, $0x38;
	[tilespmem:$0x13000] =	vst v63  }
0x118: {  	_ =	swait.ge [sflag:s10], $0x78  }
0x119: {  	s30 =	rddreg [dreg:$0x6];
	[sflag:s10] =	ssyncset.done $0x0  }
0x11a: {  	[sflag:s10] =	ssyncadd.s32 $0xFFFFFF88;
	s31 =	sadd.s32 s24, s30  }
0x11b: {  	[tilespmem:s14], [sflag:$0x2] =	stream.linear.gather [hbm4b:s31+s2], $0x78, $0x38;
	[tilespmem:$0x13000] =	vst v63  }
0x11c: {  	_ =	swait.ge [sflag:s10], $0x78  }
0x11d: {  	[sflag:s10] =	ssyncset.done $0x0  }
0x11e: {  	[sflag:s10] =	ssyncadd.s32 $0xFFFFFF88  }
0x11f: {  	[tilespmem:s16], [sflag:$0x1] =	stream.indirect.gather [hbm4b:s4+s15], $0x80, s2, s15, $0xb8;
	[tilespmem:$0x13000] =	vst v63  }
0x120: {  	_ = 	snop  }
0x121: {  	[tilespmem:s17], [sflag:$0x1] =	stream.indirect.gather [hbm4b:s4+s15], $0x80, s11, s15, $0xb8;
	[tilespmem:$0x13000] =	vst v63  }
0x122: {  	_ = 	snop  }
0x123: {  	[tilespmem:s18], [sflag:$0x1] =	stream.indirect.gather [hbm4b:s4+s15], $0x80, s12, s15, $0xb8;
	[tilespmem:$0x13000] =	vst v63  }
0x124: {  	_ = 	snop  }
0x125: {  	[tilespmem:s19], [sflag:$0x1] =	stream.indirect.gather [hbm4b:s4+s15], $0x80, s13, s15, $0xb8;
	[tilespmem:$0x13000] =	vst v63  }
0x126: {  	_ = 	snop  }
0x127: {  	[tilespmem:s20], [sflag:$0x1] =	stream.indirect.gather [hbm4b:s4+s15], $0x80, s14, s15, $0xb8;
	[tilespmem:$0x13000] =	vst v63  }
0x128: {  	_ =	swait.ge [sflag:s21], $0x3C00  }
0x129: {  	[sflag:s21] =	ssyncset.done $0x0  }
0x12a: {  	[sflag:s21] =	ssyncadd.s32 $0xFFFFC400  }
0x12b: {  	_ =	swait.ge [sflag:s21], $0x3C00  }
0x12c: {  	[sflag:s21] =	ssyncset.done $0x0  }
0x12d: {  	[sflag:s21] =	ssyncadd.s32 $0xFFFFC400  }
0x12e: {  	_ =	swait.ge [sflag:s21], $0x3C00  }
0x12f: {  	[sflag:s21] =	ssyncset.done $0x0  }
0x130: {  	[sflag:s21] =	ssyncadd.s32 $0xFFFFC400  }
0x131: {  	_ =	swait.ge [sflag:s21], $0x3C00  }
0x132: {  	[sflag:s21] =	ssyncset.done $0x0  }
0x133: {  	[sflag:s21] =	ssyncadd.s32 $0xFFFFC400  }
0x134: {  	s22 =	sadd.s32 $0x1, s22;
	_ =	swait.ge [sflag:s21], $0x3C00  }
0x135: {  	p0 =	sne.s32 s22, s5;
	[sflag:s21] =	ssyncset.done $0x0  }
.Ltmp1:
0x136: {  	s23 =	sadd.s32 $0x2580, s23;
	[sflag:s21] =	ssyncadd.s32 $0xFFFFC400;
	(pc) =	sbr.rel @p0 .LBB2_1-.Ltmp1, $4  }
0x137: {  	[hbm4b:s23+s2] =	stream.linear.scatter [tilespmem:s16], [sflag:$0x2], $0x12C00, $0x38;
	[tilespmem:$0x13000] =	vst v63  }
0x138: {  	_ =	swait.ge [sflag:s10], $0x12C00  }
0x139: {  	[sflag:s10] =	ssyncset.done $0x0  }
0x13a: {  	[sflag:s10] =	ssyncadd.s32 $0xFFFED400  }
0x13b: {  	_ =	sfence.sel $0x180000  }
0x13c: {  	[bflag:$0x0] =	sbarrier.arrive $0xFFFF  }
0x13d: {  	p0 =	sne.s32 s1, $0x0;
	_ =	strace $0x90000047  }
0x13e: {  	s0 =	sadd.s32 @!p0 $0x100000, s0;
	[bflag:$0x2] =	sbarrier.arrive $0xFFFF  }
0x13f: {  	[sflag:s0] =	ssyncadd.tile.s32 @!p0 $0x1;
	_ =	shalt  }
.Lfunc_end2:
_tile_overlayer_lowered:
.L_overlay_start_2:
0x140: {  	(tag) =	ssettag $0x2  }
0x141: {  	s0 =	rddreg [dreg:$0x0];
	s2 =	stileid.u32  }
0x142: {  	s1 =	rddreg [dreg:$0x1];
	p0 =	sne.s32 s2, $0x0  }
0x143: {  	s3 =	rddreg [dreg:$0x2];
	[bflag:$0x3] =	sbarrier.arrive $0xFFFF;
	s2 =	simm.s32 @!p0 $0x1C02  }
0x144: {  	[timem:s3], [sflag:s2] =	dma.local @!p0 [hbm:s0], s1  }
0x145: {  	s0 =	simm.s32 @!p0 $0x2  }
0x146: {  	_ =	swait.ge @!p0 [sflag:s0], s1  }
0x147: {  	s1 =	ssub.s32 @!p0 $0x0, s1;
	[sflag:s0] =	ssyncset.done @!p0 $0x0  }
0x148: {  	[sflag:s0] =	ssyncadd.s32 @!p0 s1  }
0x149: {  	[bflag:$0x3] =	sbarrier.arrive $0xFFFF  }
0x14a: {  	_ =	shalt  }

// kernel: scatter_offload_async_start
scs
__scs_entry_jumppad:
0x0: {  	(pc) =	sbr.rel $0x88, $3  }
0x1: {  	(tag) =	ssettag $0x0;
	lr =	simm.s32 $0x1  }
0x2: {  	[smem:$0x3F84] =	sst lr;
	_ =	strace $0xD0000000  }
0x3: {  	_ = 	snop  }
0x4: {  	_ = 	snop  }
0x5: {  	_ = 	snop  }
0x6: {  	_ = 	snop  }
0x7: {  	_ = 	snop  }
__scs_overlays_trampoline_lowered:
0x8: {  	[smem:$0x3F93] =	sst s0  }
0x9: {  	[smem:$0x3F94] =	sst s1  }
0xa: {  	[smem:$0x3F95] =	sst s2  }
0xb: {  	[smem:$0x3F96] =	sst s3  }
0xc: {  	[smem:$0x3F97] =	sst s4  }
0xd: {  	[smem:$0x3F98] =	sst s5  }
0xe: {  	[smem:$0x3F99] =	sst s6  }
0xf: {  	[smem:$0x3F9A] =	sst s7  }
0x10: {  	[smem:$0x3F9B] =	sst s8  }
0x11: {  	[smem:$0x3F9C] =	sst s9;
	s0 =	simm.s32 @!p0 $0x0  }
0x12: {  	s1 =	sld [smem:$0x3F82];
	s0 =	simm.s32 @p0 $0x1  }
0x13: {  	[smem:$0x3F9D] =	sst s0;
	s0 =	simm.s32 @!p1 $0x0  }
0x14: {  	s2 =	sld [smem:$0x3F81];
	s0 =	simm.s32 @p1 $0x1  }
0x15: {  	[smem:$0x3F9E] =	sst s0;
	s0 =	simm.s32 @!p2 $0x0  }
0x16: {  	s3 =	sld [smem:$0x3FDB];
	s0 =	simm.s32 @p2 $0x1  }
0x17: {  	s4 =	simm.s32 $0x1BF5;
	[smem:$0x3FA0] =	sst s0  }
0x18: {  	s0 =	sld [smem:$0x3F83];
	_ =	swait.ge [sflag:s4], $0x0  }
0x19: {  	s7 =	sld [smem:$0x3F84]  }
0x1a: {  	s8 =	sadd.s32 $0xFFFFE003, lr  }
0x1b: {  	s9 =	sadd.s32 $0xFFFFFEF7, lr;
	s5 =	simm.s32 $0xFFFFFFFF;
	p2 =	slt.u32 s8, $0xFFFFF086  }
0x1c: {  	p1 =	slt.u32 s9, $0xF7A;
	s5 =	simm.s32 @!p2 $0x0  }
0x1d: {  	s5 =	simm.s32 @p1 $0x1;
	p0 =	seq.s32 s7, s2  }
0x1e: {  	s7 =	smul.u32 @!p0 $0xF7A, s2;
	p2 =	seq.s32 @!p0 s5, $0x0  }
0x1f: {  	s9 =	smul.u32 $0xF7A, s1;
	s8 =	simm.s32 @!p0 $0x1BF5;
	p2 =	por !p2, p0  }
0x20: {  	[sflag:s8] =	ssyncset.s32 @!p0 $0xFFFFF086;
	s6 =	sadd.s32 @!p0 s3, s7;
	s7 =	simm.s32 @!p0 $0x108  }
0x21: {  	s3 =	sadd.s32 s3, s9;
	s6 =	sadd.s32 @!p0 $0x88, s6;
	s7 =	simm.s32 @p2 $0x1082  }
0x22: {  	[simem:s7], [sflag:s8] =	dma.local @!p0 [hbm:s6], $0xF7A  }
0x23: {  	s9 =	sor.u32 $0xD0000000, s2;
	s6 =	simm.s32 $0x108;
	_ =	swait.ge @!p0 [sflag:s8], $0x0  }
0x24: {  	s3 =	sadd.s32 $0x88, s3;
	s6 =	simm.s32 @!p1 $0x1082;
	[sflag:s4] =	ssyncset.s32 $0xFFFFF086  }
0x25: {  	[simem:s6], [sflag:s4] =	dma.local [hbm:s3], $0xF7A  }
0x26: {  	[smem:$0x3F84] =	sst s1;
	(tag) =	ssettag s2;
	_ =	strace s9  }
0x27: {  	s1 =	sld [smem:$0x3F94]  }
0x28: {  	s2 =	sld [smem:$0x3F95]  }
0x29: {  	s4 =	sld [smem:$0x3F97]  }
0x2a: {  	p0 =	seq.s32 s5, $0x0;
	s5 =	sld [smem:$0x3F98]  }
0x2b: {  	s6 =	sld [smem:$0x3F99]  }
0x2c: {  	s7 =	sld [smem:$0x3F9A]  }
0x2d: {  	s3 =	simm.s32 $0x108;
	s8 =	sld [smem:$0x3F9B]  }
0x2e: {  	s3 =	simm.s32 @!p0 $0x1082;
	s9 =	sld [smem:$0x3F9C]  }
0x2f: {  	lr =	sadd.s32 s0, s3;
	s0 =	sld [smem:$0x3F93]  }
0x30: {  	s3 =	sld [smem:$0x3F96]  }
0x31: {  	[smem:$0x3F9F] =	sst s10  }
0x32: {  	s10 =	sld [smem:$0x3F9D];
	_ =	sdelay $0x3  }
0x33: {  	p0 =	seq.s32 s10, $0x1;
	s10 =	sld [smem:$0x3F9F];
	_ =	sdelay $0x3  }
0x34: {  	[smem:$0x3F9F] =	sst s10  }
0x35: {  	s10 =	sld [smem:$0x3F9E];
	_ =	sdelay $0x3  }
0x36: {  	p1 =	seq.s32 s10, $0x1;
	s10 =	sld [smem:$0x3F9F];
	_ =	sdelay $0x3  }
0x37: {  	[smem:$0x3F9F] =	sst s10  }
0x38: {  	s10 =	sld [smem:$0x3FA0]  }
0x39: {  	_ = 	snop;
	(pc) =	sbr.ind lr, $3  }
0x3a: {  	_ = 	snop  }
0x3b: {  	_ = 	snop  }
0x3c: {  	p2 =	seq.s32 s10, $0x1;
	s10 =	sld [smem:$0x3F9F]  }
0x3d: {  	_ =	shalt  }
0x3e: {  	_ =	shalt  }
0x3f: {  	_ =	shalt  }
0x40: {  	_ =	shalt  }
0x41: {  	_ =	shalt  }
0x42: {  	_ =	shalt  }
0x43: {  	_ =	shalt  }
0x44: {  	_ =	shalt  }
0x45: {  	_ =	shalt  }
0x46: {  	_ =	shalt  }
0x47: {  	_ =	shalt  }
0x48: {  	_ =	shalt  }
0x49: {  	_ =	shalt  }
0x4a: {  	_ =	shalt  }
0x4b: {  	_ =	shalt  }
0x4c: {  	_ =	shalt  }
0x4d: {  	_ =	shalt  }
0x4e: {  	_ =	shalt  }
0x4f: {  	_ =	shalt  }
0x50: {  	_ =	shalt  }
0x51: {  	_ =	shalt  }
0x52: {  	_ =	shalt  }
0x53: {  	_ =	shalt  }
0x54: {  	_ =	shalt  }
0x55: {  	_ =	shalt  }
0x56: {  	_ =	shalt  }
0x57: {  	_ =	shalt  }
0x58: {  	_ =	shalt  }
0x59: {  	_ =	shalt  }
0x5a: {  	_ =	shalt  }
0x5b: {  	_ =	shalt  }
0x5c: {  	_ =	shalt  }
0x5d: {  	_ =	shalt  }
0x5e: {  	_ =	shalt  }
0x5f: {  	_ =	shalt  }
0x60: {  	_ =	shalt  }
0x61: {  	_ =	shalt  }
0x62: {  	_ =	shalt  }
0x63: {  	_ =	shalt  }
0x64: {  	_ =	shalt  }
0x65: {  	_ =	shalt  }
0x66: {  	_ =	shalt  }
0x67: {  	_ =	shalt  }
0x68: {  	_ =	shalt  }
0x69: {  	_ =	shalt  }
0x6a: {  	_ =	shalt  }
0x6b: {  	_ =	shalt  }
0x6c: {  	_ =	shalt  }
0x6d: {  	_ =	shalt  }
0x6e: {  	_ =	shalt  }
0x6f: {  	_ =	shalt  }
0x70: {  	_ =	shalt  }
0x71: {  	_ =	shalt  }
0x72: {  	_ =	shalt  }
0x73: {  	_ =	shalt  }
0x74: {  	_ =	shalt  }
0x75: {  	_ =	shalt  }
0x76: {  	_ =	shalt  }
0x77: {  	_ =	shalt  }
0x78: {  	_ =	shalt  }
0x79: {  	_ =	shalt  }
0x7a: {  	_ =	shalt  }
0x7b: {  	_ =	shalt  }
0x7c: {  	_ =	shalt  }
0x7d: {  	_ =	shalt  }
0x7e: {  	_ =	shalt  }
0x7f: {  	_ =	shalt  }
0x80: {  	_ =	shalt  }
0x81: {  	_ =	shalt  }
0x82: {  	_ =	shalt  }
0x83: {  	_ =	shalt  }
0x84: {  	_ =	shalt  }
0x85: {  	_ =	shalt  }
0x86: {  	_ =	shalt  }
0x87: {  	_ =	shalt  }
.Lfunc_end0:
.L_simem_size_0:
called_computation_lowered:
.L_overlay_start_0:
0x88: {  	s2 =	sld [smem:$0x3FD9]  }
0x89: {  	s3 =	sld [smem:$0x3FFE];
	_ =	sdelay $0x1  }
0x8a: {  	s1 =	srdreg.scid  }
0x8b: {  	s0 =	sand.u32 $0x1, s1  }
0x8c: {  	s16 =	sshll.u32 s0, $0xA;
	s2 =	sadd.s32 s3, s2  }
0x8d: {  	s2 =	sadd.s32 s2, s16  }
0x8e: {  	[smem:$0x3FAB] =	sst s2  }
0x8f: {  	_ = 	snop  }
0x90: {  	s2 =	sld [smem:$0x3FD0];
	(tm) =	ssettm $0x1  }
0x91: {  	s17 =	sld [smem:$0x3FFB];
	_ =	sdelay $0x3  }
0x92: {  	_ =	strace s17  }
0x93: {  	s3 =	sld [smem:$0x3FFC];
	_ =	sdelay $0x3  }
0x94: {  	_ =	strace s3  }
0x95: {  	s3 =	sld [smem:$0x3FFD];
	_ =	sdelay $0x3  }
0x96: {  	_ =	strace s3  }
0x97: {  	_ =	strace $0x8FFFFFFF  }
0x98: {  	s18 =	sld [smem:$0x3FDB];
	_ =	sdelay $0x1  }
0x99: {  	s4 =	simm.s32 $_scs_section_size  }
0x9a: {  	s5 =	simm.s32 $_size__tile_overlayer_lowered;
	s6 =	simm.s32 $_tile_overlayer_lowered  }
0x9b: {  	s21 =	simm.s32 $0x1BFF;
	s20 =	sshll.u32 s6, $0x1;
	s3 =	sadd.s32 s4, s18  }
0x9c: {  	s7 =	simm.s32 $0x0;
	s19 =	sshll.u32 s5, $0x1;
	s5 =	sadd.s32 s20, s3  }
0x9d: {  	[timem:s7], [sflag:s21] =	dma.local [hbm:s5], s19  }
0x9e: {  	_ =	swait.ge [sflag:s21], s19  }
0x9f: {  	s4 =	ssub.s32 $0x0, s19;
	[sflag:s21] =	ssyncset.done $0x0  }
0xa0: {  	[sflag:s21] =	ssyncadd.s32 s4;
	_ =	sdelay $0x1  }
0xa1: {  	s22 =	simm.s32 $0x1B8B  }
0xa2: {  	_ =	swait.ge [sflag:s22], $0x1  }
0xa3: {  	[sflag:s22] =	ssyncset.done $0x0  }
0xa4: {  	s23 =	sld [smem:$0x3FFE];
	[sflag:s22] =	ssyncadd.s32 $0xFFFFFFFF  }
0xa5: {  	s25 =	simm.s32 $0x1B8E;
	s24 =	sld [smem:$0x0]  }
0xa6: {  	s26 =	simm.s32 $execute0_lowered;
	[smem:$0x3FD2] =	sst s25  }
0xa7: {  	s6 =	sshll.u32 s26, $0x1;
	_ =	strace $0x80000049;
	[dreg:$0x1] =	wrdreg $0xFFFFFFFF  }
0xa8: {  	s28 =	simm.s32 $_size_execute0_lowered;
	s3 =	sadd.s32 s3, s6;
	[dreg:$0x0] =	wrdreg $0x0  }
0xa9: {  	s6 =	sshll.u32 s28, $0x1;
	[dreg:$0x2] =	wrdreg s3  }
0xaa: {  	[dreg:$0x3] =	wrdreg s6  }
0xab: {  	[dreg:$0x4] =	wrdreg $0xC0  }
0xac: {  	_ =	task [dreg:s7], $0x5FFFF  }
0xad: {  	[dreg:$0x1] =	wrdreg $0xFFFFFFFF  }
0xae: {  	[dreg:$0x0] =	wrdreg $0x60  }
0xaf: {  	[dreg:$0x2] =	wrdreg s23  }
0xb0: {  	[dreg:$0x3] =	wrdreg s2  }
0xb1: {  	[dreg:$0x4] =	wrdreg s1  }
0xb2: {  	[dreg:$0x5] =	wrdreg s24  }
0xb3: {  	[dreg:$0x6] =	wrdreg $0x9  }
0xb4: {  	_ =	task.clear_ibuf [dreg:s7], $0x7FFFF;
	_ =	strace $0x90000049  }
0xb5: {  	s29 =	simm.s32 $0x9;
	_ =	strace $0x8000004B  }
0xb6: {  	_ =	swait.ge [sflag:s29], $0x1  }
0xb7: {  	[sflag:s29] =	ssyncadd.s32 $0xFFFFFFFF  }
0xb8: {  	_ =	strace $0x9000004B  }
0xb9: {  	_ =	sfence  }
0xba: {  	s30 =	sld [smem:$0x0];
	_ =	sdelay $0x2  }
0xbb: {  	s31 =	sshll.u32 s1, $0xD;
	s1 =	sshrl.u32 s1, $0x2  }
0xbc: {  	s3 =	sand.u32 $0x4000, s31;
	s1 =	sadd.s32 s1, s30  }
0xbd: {  	s0 =	sor.u32 s3, s0;
	s1 =	sshll.u32 s1, $0x11  }
0xbe: {  	s0 =	sor.u32 s1, s0  }
0xbf: {  	s0 =	sadd.s32 $0x8F2B, s0  }
0xc0: {  	[sflag:s0] =	ssyncadd.remote.s32 $0x1  }
0xc1: {  	_ =	sfence.sel $0xFFFF  }
0xc2: {  	[dreg:$0x0] =	wrdreg $0xFFFFFFFF;
	(pc) =	sbr.abs _section_cstart, $3  }
0xc3: {  	[dreg:$0x1] =	wrdreg $0xFFFFFFFF  }
0xc4: {  	_ =	task.clear_ibuf [dreg:s7], $0x2FFFF;
	_ =	strace $0x9FFFFFFF  }
0xc5: {  	(tm) =	ssettm $0x7FFFFFFF  }
tec
execute0_lowered:
.L_overlay_start_1:
0x0: {  	(tag) =	ssettag $0x1  }
0x1: {  	s2 =	rddreg [dreg:$0x0]  }
0x2: {  	s0 =	rddreg [dreg:$0x1]  }
0x3: {  	s4 =	rddreg [dreg:$0x2];
	_ =	strace $0x8000004A;
	s1 =	simm.s32 $0x1  }
0x4: {  	s3 =	simm.s32 $0x88;
	v0 =	vimm.s32 $0x0;
	[sflag:s1] =	ssyncpa.u1 $0x0  }
0x5: {  	[tilespmem:s3+$0x30] =	vst v0  }
0x6: {  	s1 =	sadd.s32 $0x2E00, s2;
	s6 =	sadd.s32 $0x35D6400, s2;
	[tilespmem:s3+$0x20] =	vst v0  }
0x7: {  	s2 =	sadd.s32 $0x35B8E00, s2;
	s7 =	sand.u32 $0x1, s4;
	s4 =	simm.s32 $0x40;
	[tilespmem:s3+$0x10] =	vst v0  }
.LBB2_1:
0x8: {  	s4 =	sadd.s32 $0x40, s4  }
0x9: {  	[tilespmem:s3+$0x0] =	vst v0;
	s3 =	sadd.s32 $0x40, s3;
	p0 =	slt.u32 s4, $0x5040  }
.Ltmp0:
0xa: {  	(pc) =	sbr.rel @p0 .LBB2_1-.Ltmp0, $4  }
0xb: {  	_ = 	snop  }
0xc: {  	[tilespmem:s3+$0x30] =	vst v0  }
0xd: {  	[tilespmem:s3+$0x20] =	vst v0  }
0xe: {  	[tilespmem:s3+$0x10] =	vst v0  }
0xf: {  	s8 =	stileid.u32  }
0x10: {  	s4 =	smul.u32 $0x5D, s8  }
0x11: {  	s5 =	smin.u32 s8, $0xC  }
0x12: {  	s4 =	sadd.s32 s5, s4  }
0x13: {  	p0 =	slt.u32 s8, $0xC;
	s12 =	smul.u32 $0x140, s4;
	s4 =	simm.s32 $0x7580  }
0x14: {  	s4 =	simm.s32 @!p0 $0x7440  }
0x15: {  	s25 =	simm.s32 $0x2;
	s4 =	sadd.s32 s4, s12  }
0x16: {  	s28 =	simm.s32 $0x9;
	s9 =	simm.s32 $0xA;
	s14 =	smin.u32 s4, $0x75300  }
0x17: {  	s30 =	simm.s32 $0xB;
	[dreg:$0x5] =	wrdreg s7;
	s4 =	ssub.s32 s14, s12  }
0x18: {  	s31 =	smul.u32 $0xEA60, s7;
	s13 =	simm.s32 $0x1;
	p0 =	sgt.s32 s4, $0x0  }
0x19: {  	s19 =	simm.s32 $0x0;
	s20 =	simm.s32 $0xA808;
	s4 =	simm.s32 @!p0 $0x0  }
0x1a: {  	s21 =	simm.s32 $0xFFFFFFFF;
	p1 =	por $0x0, $0x0;
	s26 =	smulhi.u32 $0x66666667, s4  }
0x1b: {  	[tilespmem:s3+$0x0] =	vst v0;
	s23 =	simm.s32 $0x0;
	[sflag:s25] =	ssyncpa.u1 $0x0;
	s18 =	sshll.u32 s8, $0x7  }
0x1c: {  	s0 =	sadd.s32 s31, s0;
	[dreg:$0xb] =	wrdreg s18;
	s3 =	sshrl.u32 s26, $0x7  }
0x1d: {  	v0 =	vimm.s32 $0xFFFFFFFF;
	s17 =	sadd.s32 s31, s2;
	[dreg:$0xa] =	wrdreg s0;
	s29 =	smul.u32 $0x140, s3  }
0x1e: {  	s25 =	simm.s32 $0x0;
	[tilespmem:$0xA108] =	vst v0;
	[sflag:s28] =	ssyncpa.u1 $0x0;
	[dreg:$0x9] =	wrdreg s17  }
.Ltmp1:
0x1f: {  	p0 =	sne.s32 s4, s29;
	s4 =	simm.s32 $0x1;
	(pc) =	sbr.rel .LBB2_3-.Ltmp1, $4  }
0x20: {  	[sflag:s9] =	ssyncpa.u1 $0x0;
	[dreg:$0x6] =	wrdreg s12;
	s4 =	simm.s32 @!p0 $0x0  }
0x21: {  	[sflag:s30] =	ssyncpa.u1 $0x0;
	[dreg:$0x7] =	wrdreg s14;
	s15 =	sadd.s32 s4, s3  }
0x22: {  	s24 =	smov.u32 s12;
	s22 =	sadd.s32 $0x1, s15;
	[dreg:$0x8] =	wrdreg s15  }
0x23: {  	v0 =	vlaneseq.u32;
	s26 =	simm.s32 $0x0;
	p0 =	por $0x1, $0x1;
	[dreg:$0xc] =	wrdreg s22  }
.LBB2_22:
0x24: {  	s0 =	sshrl.u32 s3, $0x2  }
.LBB2_24:
0x25: {  	s3 =	simm.s32 $0xC  }
0x26: {  	_ =	swait.ge [sflag:s3], s0  }
0x27: {  	s31 =	ssub.s32 $0x0, s0;
	v1 =	vmov s4;
	vm0 =	veq.s32 v0, $0x0;
	[sflag:s3] =	ssyncset.done $0x0  }
0x28: {  	vm15 =	veq.s32 v0, $0x2;
	v1 =	vsel vm0, s2, v1;
	[sflag:s3] =	ssyncadd.s32 s31  }
0x29: {  	v1 =	vsel vm15, s26, v1;
	[sflag:s3] =	ssyncpa.u1 $0x1  }
0x2a: {  	[tilespmem:$0xA108] =	vst v1  }
.LBB2_25:
0x2b: {  	s0 =	sadd.s32 $0x140, s24  }
0x2c: {  	s2 =	smov.u32 s12;
	p2 =	slt.s32 s0, s14  }
0x2d: {  	s2 =	smov.u32 @p2 s0;
	p2 =	sne.s32 s25, s22  }
.Ltmp2:
0x2e: {  	_ = 	snop;
	(pc) =	sbr.rel @!p2 .LBB2_26-.Ltmp2, $4  }
0x2f: {  	_ = 	snop  }
0x30: {  	s26 =	smov.u32 s23;
	s31 =	sadd.s32 $0x1, s25;
	p0 =	por !p0, !p0  }
0x31: {  	s23 =	smov.u32 s24;
	s20 =	sadd.s32 $0x140, s20;
	s21 =	sadd.s32 $0x1, s21  }
0x32: {  	p1 =	por !p1, !p1;
	s25 =	smov.u32 s31;
	s24 =	smov.u32 s2  }
.LBB2_3:
0x33: {  	p2 =	sge.u32 s25, s15  }
0x34: {  	s0 =	smulhi.u32 @!p2 $0xAAAAAAAB, s25  }
0x35: {  	s2 =	smov.u32 s24;
	p3 =	sgt.s32 @!p2 s24, $0x751C0  }
0x36: {  	s3 =	sshra.s32 @!p2 s24, $0x1F;
	p3 =	por !p3, p2;
	s0 =	sshrl.u32 @!p2 s0, $0x1  }
0x37: {  	s3 =	sand.u32 @!p2 s3, s24;
	s2 =	simm.s32 @p3 $0x751C0;
	s0 =	smul.u32 @!p2 $0x3, s0  }
0x38: {  	s2 =	ssub.s32 @!p2 s2, s3  }
0x39: {  	s2 =	sadd.s32 @!p2 $0xFFF8AE40, s2;
	s0 =	ssub.s32 @!p2 s25, s0  }
0x3a: {  	s3 =	sshll.u32 @!p2 s2, $0x2;
	p3 =	sgt.s32 @!p2 s2, $0x13F;
	s0 =	smul.u32 @!p2 $0x500, s0  }
0x3b: {  	s4 =	sand.u32 @!p2 $0x7, s24;
	s2 =	ssub.s32 @!p2 $0x500, s3;
	p3 =	por !p3, p2  }
0x3c: {  	s3 =	sshrl.u32 @!p2 s24, $0x3;
	s2 =	sshrl.u32 @!p2 s2, $0x2;
	s0 =	sshrl.u32 @!p2 s0, $0x2  }
0x3d: {  	s3 =	sadd.s32 @!p2 s3, s17;
	s2 =	simm.s32 @!p3 $0x0;
	s0 =	sadd.s32 @!p2 $0xA948, s0  }
0x3e: {  	[tilespmem:s0], [sflag:$0xA] =	stream.linear.gather @!p2 [hbm4b:s3+s4], s2, $0x38;
	[tilespmem:$0x1EF88] =	vst v63  }
0x3f: {  	s0 =	sadd.s32 $0xFFFFFFFF, s25  }
0x40: {  	p2 =	sge.u32 s0, s15  }
.Ltmp3:
0x41: {  	_ = 	snop;
	(pc) =	sbr.rel @p2 .LBB2_7-.Ltmp3, $1  }
0x42: {  	_ =	sdelay $0x3  }
0x43: {  	p2 =	sgt.s32 s23, $0x751C0;
	s2 =	smov.u32 s23;
	s3 =	sshra.s32 s23, $0x1F  }
0x44: {  	s2 =	simm.s32 @!p2 $0x751C0;
	s3 =	sand.u32 s3, s23  }
0x45: {  	s17 =	smulhi.u32 $0xAAAAAAAB, s21;
	s2 =	ssub.s32 s2, s3  }
0x46: {  	s0 =	sand.u32 $0x1, s0;
	s2 =	sadd.s32 $0xFFF8AE40, s2  }
0x47: {  	s5 =	simm.s32 $0xA;
	s3 =	sshrl.u32 s17, $0x1;
	s4 =	sshll.u32 s2, $0x2  }
0x48: {  	s7 =	sshrl.u32 s23, $0x3;
	s3 =	smul.u32 $0xFFFFF100, s3;
	s4 =	ssub.s32 $0x500, s4  }
0x49: {  	s18 =	smul.u32 $0x500, s0;
	p2 =	sgt.s32 s2, $0x13F;
	s2 =	sshrl.u32 s4, $0x2  }
0x4a: {  	s9 =	sand.u32 $0x7, s23;
	s3 =	sshra.s32 s3, $0x2;
	s2 =	simm.s32 @p2 $0x0  }
0x4b: {  	s0 =	sadd.s32 s3, s20;
	s4 =	sshrl.u32 s18, $0x2;
	_ =	swait.ge [sflag:s5], s2  }
0x4c: {  	s22 =	ssub.s32 $0x0, s2;
	[sflag:s5] =	ssyncset.done $0x0;
	s8 =	rddreg [dreg:$0xa]  }
0x4d: {  	s4 =	sadd.s32 $0xAD08, s4;
	[sflag:s5] =	ssyncadd.s32 s22;
	s3 =	sadd.s32 s7, s8  }
0x4e: {  	[tilespmem:s4], [sflag:$0xB] =	stream.linear.gather [hbm4b:s3+s9], s2, $0x38;
	[tilespmem:$0x1EF88] =	vst v63  }
0x4f: {  	v1 =	vld.msk [tilespmem:s0+$0x0], $0xffff;
	_ =	sdelay $0x4  }
0x50: {  	v1 =	vshll.u32 v1, $0x4  }
0x51: {  	(v2sf) =	vpush v1, $0x0  }
0x52: {  	(v2sf) =	vpush v1, $0x1  }
0x53: {  	(v2sf) =	vpush v1, $0x2;
	_ =	sdelay $0x3  }
0x54: {  	(v2sf) =	vpush v1, $0x3;
	_ =	sdelay $0x1  }
0x55: {  	(v2sf) =	vpush v1, $0x4  }
0x56: {  	s2 =	simm.s32 $0x1;
	(v2sf) =	vpush v1, $0x5  }
0x57: {  	s2 =	simm.s32 @!p0 $0x0  }
0x58: {  	s2 =	smul.u32 $0x28000, s2;
	(v2sf) =	vpush v1, $0x6;
	_ =	sdelay $0x1  }
0x59: {  	s2 =	sshrl.u32 s2, $0x2  }
0x5a: {  	s28 =	sadd.s32 $0xB708, s2  }
0x5b: {  	s12 =	sadd.s32 $0xFFFFF880, s28;
	s17 =	sadd.s32 $0xFFFFF900, s28;
	s10 =	spop (v2sf);
	(v2sf) =	vpush v1, $0x7  }
0x5c: {  	s18 =	sadd.s32 $0xFFFFF980, s28;
	s11 =	sand.u32 $0x1FFFFFF0, s10;
	s14 =	spop (v2sf)  }
0x5d: {  	(v2sf) =	vpush v1, $0x8;
	s2 =	sadd.s32 s6, s11;
	s15 =	sand.u32 $0x1FFFFFF0, s14;
	s16 =	spop (v2sf)  }
0x5e: {  	[tilespmem:s12], [sflag:$0x9] =	stream.linear.gather [hbm4b:s2+s19], $0x40, $0x38;
	[tilespmem:$0x1EF88] =	vst v63  }
0x5f: {  	s5 =	sadd.s32 $0xFFFFFA00, s28;
	s2 =	sadd.s32 s6, s15;
	s3 =	sand.u32 $0x1FFFFFF0, s16  }
0x60: {  	(v2sf) =	vpush v1, $0x9;
	[tilespmem:s17], [sflag:$0x9] =	stream.linear.gather [hbm4b:s2+s19], $0x40, $0x38;
	[tilespmem:$0x1EF88] =	vst v63  }
0x61: {  	s7 =	sadd.s32 $0xFFFFFA80, s28;
	s22 =	spop (v2sf);
	s3 =	sadd.s32 s6, s3  }
0x62: {  	(v2sf) =	vpush v1, $0xA;
	[tilespmem:s18], [sflag:$0x9] =	stream.linear.gather [hbm4b:s3+s19], $0x40, $0x38;
	[tilespmem:$0x1EF88] =	vst v63  }
0x63: {  	s11 =	sadd.s32 $0xFFFFFB00, s28;
	s4 =	spop (v2sf);
	(v2sf) =	vpush v1, $0xB;
	s3 =	sand.u32 $0x1FFFFFF0, s22  }
0x64: {  	s8 =	spop (v2sf);
	s2 =	sadd.s32 s6, s3;
	s3 =	sand.u32 $0x1FFFFFF0, s4  }
0x65: {  	(v2sf) =	vpush v1, $0xC;
	[tilespmem:s5], [sflag:$0x9] =	stream.linear.gather [hbm4b:s2+s19], $0x40, $0x38;
	[tilespmem:$0x1EF88] =	vst v63  }
0x66: {  	s9 =	sand.u32 $0x1FFFFFF0, s8;
	s10 =	spop (v2sf);
	s3 =	sadd.s32 s6, s3  }
0x67: {  	(v2sf) =	vpush v1, $0xD;
	[tilespmem:s7], [sflag:$0x9] =	stream.linear.gather [hbm4b:s3+s19], $0x40, $0x38;
	[tilespmem:$0x1EF88] =	vst v63  }
0x68: {  	s12 =	sadd.s32 $0xFFFFFB80, s28;
	s2 =	sadd.s32 s6, s9;
	s3 =	sand.u32 $0x1FFFFFF0, s10  }
0x69: {  	[tilespmem:s11], [sflag:$0x9] =	stream.linear.gather [hbm4b:s2+s19], $0x40, $0x38;
	[tilespmem:$0x1EF88] =	vst v63  }
0x6a: {  	s17 =	sadd.s32 $0xFFFFFC00, s28;
	s3 =	sadd.s32 s6, s3;
	s14 =	spop (v2sf)  }
0x6b: {  	[tilespmem:s12], [sflag:$0x9] =	stream.linear.gather [hbm4b:s3+s19], $0x40, $0x38;
	(v2sf) =	vpush v1, $0xE;
	[tilespmem:$0x1EF88] =	vst v63  }
0x6c: {  	s18 =	sadd.s32 $0xFFFFFC80, s28;
	s15 =	sand.u32 $0x1FFFFFF0, s14;
	s16 =	spop (v2sf)  }
0x6d: {  	s5 =	sadd.s32 $0xFFFFFD00, s28;
	(v2sf) =	vpush v1, $0xF;
	s2 =	sadd.s32 s6, s15;
	s3 =	sand.u32 $0x1FFFFFF0, s16  }
0x6e: {  	[tilespmem:s17], [sflag:$0x9] =	stream.linear.gather [hbm4b:s2+s19], $0x40, $0x38;
	[tilespmem:$0x1EF88] =	vst v63  }
0x6f: {  	s7 =	sadd.s32 $0xFFFFFD80, s28;
	s22 =	spop (v2sf);
	s3 =	sadd.s32 s6, s3  }
0x70: {  	[tilespmem:s18], [sflag:$0x9] =	stream.linear.gather [hbm4b:s3+s19], $0x40, $0x38;
	[tilespmem:$0x1EF88] =	vst v63  }
0x71: {  	s11 =	sadd.s32 $0xFFFFFE00, s28;
	s4 =	spop (v2sf);
	s3 =	sand.u32 $0x1FFFFFF0, s22  }
0x72: {  	s8 =	spop (v2sf);
	s2 =	sadd.s32 s6, s3;
	s3 =	sand.u32 $0x1FFFFFF0, s4  }
0x73: {  	[tilespmem:s5], [sflag:$0x9] =	stream.linear.gather [hbm4b:s2+s19], $0x40, $0x38;
	[tilespmem:$0x1EF88] =	vst v63  }
0x74: {  	s9 =	sand.u32 $0x1FFFFFF0, s8;
	s10 =	spop (v2sf);
	s3 =	sadd.s32 s6, s3  }
0x75: {  	[tilespmem:s7], [sflag:$0x9] =	stream.linear.gather [hbm4b:s3+s19], $0x40, $0x38;
	[tilespmem:$0x1EF88] =	vst v63  }
0x76: {  	s14 =	spop (v2sf);
	s2 =	sadd.s32 s6, s9;
	s3 =	sand.u32 $0x1FFFFFF0, s10  }
0x77: {  	[tilespmem:s11], [sflag:$0x9] =	stream.linear.gather [hbm4b:s2+s19], $0x40, $0x38;
	[tilespmem:$0x1EF88] =	vst v63  }
0x78: {  	s12 =	sadd.s32 $0xFFFFFE80, s28;
	s15 =	sand.u32 $0x1FFFFFF0, s14;
	s3 =	sadd.s32 s6, s3  }
0x79: {  	[tilespmem:s12], [sflag:$0x9] =	stream.linear.gather [hbm4b:s3+s19], $0x40, $0x38;
	[tilespmem:$0x1EF88] =	vst v63  }
0x7a: {  	s17 =	sadd.s32 $0xFFFFFF00, s28;
	s2 =	sadd.s32 s6, s15;
	s16 =	spop (v2sf)  }
0x7b: {  	[tilespmem:s17], [sflag:$0x9] =	stream.linear.gather [hbm4b:s2+s19], $0x40, $0x38;
	[tilespmem:$0x1EF88] =	vst v63  }
0x7c: {  	s29 =	simm.s32 $0x0;
	s3 =	sand.u32 $0x1FFFFFF0, s16;
	s18 =	spop (v2sf)  }
0x7d: {  	s22 =	sadd.s32 $0xFFFFFF80, s28;
	s3 =	sadd.s32 s6, s3;
	s2 =	sand.u32 $0x1FFFFFF0, s18  }
0x7e: {  	[tilespmem:s22], [sflag:$0x9] =	stream.linear.gather [hbm4b:s3+s19], $0x40, $0x38;
	[tilespmem:$0x1EF88] =	vst v63  }
0x7f: {  	s31 =	sadd.s32 $0x10, s0;
	s30 =	sadd.s32 $0x800, s28;
	s2 =	sadd.s32 s6, s2  }
.LBB2_5:
0x80: {  	[tilespmem:s28], [sflag:$0x9] =	stream.linear.gather [hbm4b:s2+s19], $0x40, $0x38;
	[tilespmem:$0x1EF88] =	vst v63  }
0x81: {  	s29 =	sadd.s32 $0x10, s29;
	s28 =	smov.u32 s30  }
0x82: {  	p2 =	slt.u32 s29, $0x130;
	v1 =	vld.msk [tilespmem:s31+$0x0], $0xffff;
	_ =	sdelay $0x4  }
0x83: {  	v1 =	vshll.u32 v1, $0x4  }
0x84: {  	(v2sf) =	vpush v1, $0x0  }
0x85: {  	(v2sf) =	vpush v1, $0x1  }
0x86: {  	(v2sf) =	vpush v1, $0x2;
	_ =	sdelay $0x1  }
0x87: {  	(v2sf) =	vpush v1, $0x3;
	_ =	sdelay $0x1  }
0x88: {  	(v2sf) =	vpush v1, $0x4;
	_ =	sdelay $0x1  }
0x89: {  	(v2sf) =	vpush v1, $0x5;
	_ =	sdelay $0x1  }
0x8a: {  	(v2sf) =	vpush v1, $0x6  }
0x8b: {  	s4 =	sadd.s32 $0xFFFFFE80, s30;
	s0 =	sadd.s32 $0xFFFFFF00, s30  }
0x8c: {  	s3 =	sadd.s32 $0xFFFFFD00, s30;
	s2 =	sadd.s32 $0xFFFFFD80, s30;
	s5 =	sadd.s32 $0xFFFFFE00, s30;
	(v2sf) =	vpush v1, $0x7  }
0x8d: {  	s10 =	sadd.s32 $0xFFFFFB80, s30;
	s9 =	sadd.s32 $0xFFFFFC00, s30;
	s16 =	sadd.s32 $0xFFFFFC80, s30  }
0x8e: {  	s11 =	sadd.s32 $0xFFFFFA00, s30;
	s12 =	sadd.s32 $0xFFFFFA80, s30;
	s15 =	sadd.s32 $0xFFFFFB00, s30;
	(v2sf) =	vpush v1, $0x8  }
0x8f: {  	s18 =	sadd.s32 $0xFFFFF900, s30;
	s7 =	sadd.s32 $0xFFFFF980, s30;
	s22 =	spop (v2sf)  }
0x90: {  	s8 =	sadd.s32 $0xFFFFF880, s30;
	s22 =	sand.u32 $0x1FFFFFF0, s22;
	s14 =	spop (v2sf);
	(v2sf) =	vpush v1, $0x9  }
0x91: {  	s22 =	sadd.s32 s6, s22;
	s14 =	sand.u32 $0x1FFFFFF0, s14;
	s17 =	spop (v2sf)  }
0x92: {  	[tilespmem:s8], [sflag:$0x9] =	stream.linear.gather [hbm4b:s22+s19], $0x40, $0x38;
	(v2sf) =	vpush v1, $0xA;
	[tilespmem:$0x1EF88] =	vst v63  }
0x93: {  	s8 =	sadd.s32 s6, s14;
	s14 =	sand.u32 $0x1FFFFFF0, s17;
	s17 =	spop (v2sf)  }
0x94: {  	[tilespmem:s18], [sflag:$0x9] =	stream.linear.gather [hbm4b:s8+s19], $0x40, $0x38;
	(v2sf) =	vpush v1, $0xB;
	[tilespmem:$0x1EF88] =	vst v63  }
0x95: {  	s8 =	sadd.s32 s6, s14;
	s14 =	sand.u32 $0x1FFFFFF0, s17;
	s17 =	spop (v2sf)  }
0x96: {  	[tilespmem:s7], [sflag:$0x9] =	stream.linear.gather [hbm4b:s8+s19], $0x40, $0x38;
	(v2sf) =	vpush v1, $0xC;
	[tilespmem:$0x1EF88] =	vst v63  }
0x97: {  	s7 =	sadd.s32 s6, s14;
	s8 =	sand.u32 $0x1FFFFFF0, s17;
	s14 =	spop (v2sf)  }
0x98: {  	[tilespmem:s11], [sflag:$0x9] =	stream.linear.gather [hbm4b:s7+s19], $0x40, $0x38;
	(v2sf) =	vpush v1, $0xD;
	[tilespmem:$0x1EF88] =	vst v63  }
0x99: {  	s7 =	sadd.s32 s6, s8;
	s8 =	sand.u32 $0x1FFFFFF0, s14;
	s11 =	spop (v2sf)  }
0x9a: {  	[tilespmem:s12], [sflag:$0x9] =	stream.linear.gather [hbm4b:s7+s19], $0x40, $0x38;
	(v2sf) =	vpush v1, $0xE;
	[tilespmem:$0x1EF88] =	vst v63  }
0x9b: {  	s7 =	sadd.s32 s6, s8;
	s8 =	sand.u32 $0x1FFFFFF0, s11;
	s11 =	spop (v2sf)  }
0x9c: {  	[tilespmem:s15], [sflag:$0x9] =	stream.linear.gather [hbm4b:s7+s19], $0x40, $0x38;
	(v2sf) =	vpush v1, $0xF;
	[tilespmem:$0x1EF88] =	vst v63  }
0x9d: {  	s7 =	sadd.s32 s6, s8;
	s8 =	sand.u32 $0x1FFFFFF0, s11;
	s11 =	spop (v2sf)  }
0x9e: {  	[tilespmem:s10], [sflag:$0x9] =	stream.linear.gather [hbm4b:s7+s19], $0x40, $0x38;
	[tilespmem:$0x1EF88] =	vst v63  }
0x9f: {  	s7 =	sadd.s32 s6, s8;
	s8 =	sand.u32 $0x1FFFFFF0, s11;
	s10 =	spop (v2sf)  }
0xa0: {  	[tilespmem:s9], [sflag:$0x9] =	stream.linear.gather [hbm4b:s7+s19], $0x40, $0x38;
	[tilespmem:$0x1EF88] =	vst v63  }
0xa1: {  	s7 =	sadd.s32 s6, s8;
	s8 =	sand.u32 $0x1FFFFFF0, s10;
	s9 =	spop (v2sf)  }
0xa2: {  	[tilespmem:s16], [sflag:$0x9] =	stream.linear.gather [hbm4b:s7+s19], $0x40, $0x38;
	[tilespmem:$0x1EF88] =	vst v63  }
0xa3: {  	s7 =	sadd.s32 s6, s8;
	s8 =	sand.u32 $0x1FFFFFF0, s9;
	s9 =	spop (v2sf)  }
0xa4: {  	[tilespmem:s3], [sflag:$0x9] =	stream.linear.gather [hbm4b:s7+s19], $0x40, $0x38;
	[tilespmem:$0x1EF88] =	vst v63  }
0xa5: {  	s3 =	sadd.s32 s6, s8;
	s7 =	sand.u32 $0x1FFFFFF0, s9;
	s8 =	spop (v2sf)  }
0xa6: {  	[tilespmem:s2], [sflag:$0x9] =	stream.linear.gather [hbm4b:s3+s19], $0x40, $0x38;
	[tilespmem:$0x1EF88] =	vst v63  }
0xa7: {  	s2 =	sadd.s32 s6, s7;
	s3 =	sand.u32 $0x1FFFFFF0, s8;
	s7 =	spop (v2sf)  }
0xa8: {  	[tilespmem:s5], [sflag:$0x9] =	stream.linear.gather [hbm4b:s2+s19], $0x40, $0x38;
	[tilespmem:$0x1EF88] =	vst v63  }
0xa9: {  	s2 =	sadd.s32 s6, s3;
	s3 =	sand.u32 $0x1FFFFFF0, s7;
	s5 =	spop (v2sf)  }
0xaa: {  	[tilespmem:s4], [sflag:$0x9] =	stream.linear.gather [hbm4b:s2+s19], $0x40, $0x38;
	[tilespmem:$0x1EF88] =	vst v63  }
0xab: {  	s2 =	sadd.s32 s6, s3  }
.Ltmp4:
0xac: {  	s3 =	sand.u32 $0x1FFFFFF0, s5;
	s4 =	spop (v2sf);
	(pc) =	sbr.rel @p2 .LBB2_5-.Ltmp4, $4  }
0xad: {  	[tilespmem:s0], [sflag:$0x9] =	stream.linear.gather [hbm4b:s2+s19], $0x40, $0x38;
	[tilespmem:$0x1EF88] =	vst v63  }
0xae: {  	s0 =	sadd.s32 s6, s3;
	s2 =	sadd.s32 $0xFFFFFF80, s30;
	s3 =	sand.u32 $0x1FFFFFF0, s4  }
0xaf: {  	[tilespmem:s2], [sflag:$0x9] =	stream.linear.gather [hbm4b:s0+s19], $0x40, $0x38;
	[tilespmem:$0x1EF88] =	vst v63  }
0xb0: {  	s31 =	sadd.s32 $0x10, s31;
	s30 =	sadd.s32 $0x800, s30;
	s2 =	sadd.s32 s6, s3  }
0xb1: {  	[tilespmem:s28], [sflag:$0x9] =	stream.linear.gather [hbm4b:s2+s19], $0x40, $0x38;
	[tilespmem:$0x1EF88] =	vst v63  }
0xb2: {  	s12 =	rddreg [dreg:$0x6]  }
0xb3: {  	s14 =	rddreg [dreg:$0x7]  }
0xb4: {  	s15 =	rddreg [dreg:$0x8]  }
0xb5: {  	s17 =	rddreg [dreg:$0x9]  }
0xb6: {  	s18 =	rddreg [dreg:$0xb]  }
0xb7: {  	s22 =	rddreg [dreg:$0xc]  }
.LBB2_7:
0xb8: {  	p2 =	slt.u32 s25, $0x2  }
.Ltmp5:
0xb9: {  	_ = 	snop;
	(pc) =	sbr.rel @p2 .LBB2_25-.Ltmp5, $1  }
0xba: {  	_ =	sdelay $0x3  }
0xbb: {  	p2 =	sgt.s32 s26, $0x751C0;
	s0 =	smov.u32 s26;
	s2 =	sshra.s32 s26, $0x1F  }
0xbc: {  	s0 =	simm.s32 @!p2 $0x751C0;
	s2 =	sand.u32 s2, s26  }
0xbd: {  	s0 =	ssub.s32 s0, s2  }
0xbe: {  	s0 =	sadd.s32 $0xFFF8AE40, s0  }
0xbf: {  	s3 =	simm.s32 $0x9;
	s29 =	sshll.u32 s0, $0x2  }
0xc0: {  	_ =	swait.ge [sflag:s3], $0x5000;
	s2 =	ssub.s32 $0x500, s29  }
0xc1: {  	[sflag:s3] =	ssyncset.done $0x0;
	p2 =	sgt.s32 s0, $0x13F;
	s0 =	sshrl.u32 s2, $0x2  }
0xc2: {  	s30 =	simm.s32 $0xB;
	[sflag:s3] =	ssyncadd.s32 $0xFFFFB000;
	s0 =	simm.s32 @p2 $0x0  }
0xc3: {  	_ =	swait.ge [sflag:s30], s0  }
0xc4: {  	s0 =	ssub.s32 $0x0, s0;
	[sflag:s30] =	ssyncset.done $0x0  }
0xc5: {  	[sflag:s30] =	ssyncadd.s32 s0  }
0xc6: {  	v1 =	vld [tilespmem:$0xA108];
	_ =	sdelay $0x4  }
0xc7: {  	(v2sf) =	vpush v1, $0x0  }
0xc8: {  	(v2sf) =	vpush v1, $0x1  }
0xc9: {  	(v2sf) =	vpush v1, $0x2;
	_ =	sdelay $0x3  }
0xca: {  	s0 =	sadd.s32 $0x140, s26  }
0xcb: {  	s4 =	ssub.s32 $0xEA600, s26;
	p2 =	slt.s32 s14, s0  }
0xcc: {  	s0 =	smov.u32 @p2 s14;
	p2 =	sgt.s32 s4, $0x0  }
0xcd: {  	s0 =	ssub.s32 s0, s26;
	s4 =	simm.s32 @!p2 $0x0  }
0xce: {  	p2 =	slt.s32 s4, s0  }
0xcf: {  	s0 =	smov.u32 @p2 s4  }
0xd0: {  	s2 =	simm.s32 $0x1;
	p2 =	slt.s32 s0, $0x1  }
.Ltmp6:
0xd1: {  	s2 =	simm.s32 @!p1 $0x0;
	(pc) =	sbr.rel @p2 .LBB2_12-.Ltmp6, $4  }
0xd2: {  	s7 =	smul.u32 $0x500, s2  }
0xd3: {  	s3 =	spop (v2sf)  }
0xd4: {  	s31 =	sshrl.u32 s7, $0x2;
	s5 =	spop (v2sf)  }
0xd5: {  	s28 =	sadd.s32 $0xAD08, s31;
	s26 =	spop (v2sf)  }
0xd6: {  	s4 =	smin.u32 s0, $0x10  }
0xd7: {  	v1 =	vmov s4  }
0xd8: {  	p3 =	sgt.s32 s0, $0x10;
	vm1 =	vgt.u32 v1, v0  }
.Ltmp7:
0xd9: {  	_ = 	snop;
	(pc) =	sbr.rel @!p3 .LBB2_11-.Ltmp7, $2  }
0xda: {  	_ =	sdelay $0x2  }
0xdb: {  	s9 =	simm.s32 $0x10;
	s10 =	sadd.s32 $0xFFFFFFF0, s0;
	s4 =	smov.u32 s28;
	vm0 =	vmmov vm1  }
.LBB2_10:
0xdc: {  	s7 =	smin.u32 s10, $0x10;
	s9 =	sadd.s32 $0x10, s9;
	v1 =	vld.msk [tilespmem:s4+$0x0 ss:$0x1], vm1  }
0xdd: {  	v2 =	vmov s7;
	p3 =	slt.s32 s9, s0  }
0xde: {  	vm1 =	vgt.u32 v2, v0  }
.Ltmp8:
0xdf: {  	(pc) =	sbr.rel @p3 .LBB2_10-.Ltmp8, $3  }
0xe0: {  	_ =	sdelay $0x1  }
0xe1: {  	v1 =	vshll.u32 v1, $0x4  }
0xe2: {  	s10 =	sadd.s32 $0xFFFFFFF0, s10;
	[tilespmem:s4+$0x0] =	vst.msk vm0, v1;
	s4 =	sadd.s32 $0x10, s4;
	vm0 =	vmmov vm1  }
.LBB2_11:
0xe3: {  	_ =	sdelay $0x4  }
0xe4: {  	v1 =	vld.msk [tilespmem:s4+$0x0 ss:$0x1], vm1;
	_ =	sdelay $0x4  }
0xe5: {  	v1 =	vshll.u32 v1, $0x4  }
0xe6: {  	[tilespmem:s4+$0x0] =	vst.msk vm0, v1  }
.LBB2_12:
0xe7: {  	s4 =	sand.u32 $0x1, s25  }
0xe8: {  	s4 =	smul.u32 $0x140, s4  }
0xe9: {  	p3 =	sne.s32 s5, $0xFFFFFFFF  }
0xea: {  	v1 =	vld.msk @!p3 [tilespmem:s4+$0xAD08], $0x1;
	_ =	sdelay $0x4  }
0xeb: {  	(v2sf) =	vpush @!p3 v1, $0x0;
	_ =	sdelay $0xc  }
.Ltmp9:
0xec: {  	_ = 	snop;
	(pc) =	sbr.rel @p2 .LBB2_23-.Ltmp9, $4  }
0xed: {  	_ = 	snop  }
0xee: {  	s29 =	spop @!p3 (v2sf)  }
0xef: {  	s31 =	simm.s32 $0xC;
	s26 =	simm.s32 @!p3 $0x0;
	s4 =	smov.u32 s29  }
0xf0: {  	[sflag:s31] =	ssyncpa.u1 $0x0;
	s29 =	smov.u32 @p3 s3;
	s4 =	smov.u32 @p3 s5  }
0xf1: {  	v1 =	vld.msk [tilespmem:s28+$0x0], $0x1;
	_ =	sdelay $0x4  }
0xf2: {  	(v2sf) =	vpush v1, $0x0;
	_ =	sdelay $0xe  }
0xf3: {  	s2 =	smul.u32 $0x28000, s2;
	s5 =	spop (v2sf)  }
0xf4: {  	s31 =	ssub.s32 $0x0, s0;
	p2 =	seq.s32 s29, s5  }
0xf5: {  	s3 =	smov.u32 s29;
	s2 =	sshrl.u32 s2, $0x2;
	p3 =	sgt.s32 @!p2 s29, $0x0  }
0xf6: {  	s30 =	sadd.s32 $0xAFA8, s2;
	s2 =	sadd.s32 $0x1, s31;
	p3 =	por !p3, p2  }
0xf7: {  	s3 =	simm.s32 @p3 $0x0;
	p3 =	seq.s32 s2, $0x0  }
.Ltmp10:
0xf8: {  	_ = 	snop;
	(pc) =	sbr.rel @p3 .LBB2_15-.Ltmp10, $4  }
0xf9: {  	_ = 	snop  }
0xfa: {  	s0 =	simm.s32 $0x0;
	s9 =	simm.s32 @!p2 $0x1;
	s3 =	smin.u32 @!p2 s3, $0x4E1FF8  }
0xfb: {  	s10 =	simm.s32 @!p2 $0x50C8;
	s9 =	smov.u32 @p2 s0;
	s7 =	sand.u32 @!p2 $0x7FFFF8, s3  }
0xfc: {  	s16 =	sand.u32 @!p2 $0x7, s3;
	s3 =	sadd.s32 $0x1, s28;
	s11 =	sadd.s32 @!p2 s1, s7  }
.LBB2_14:
0xfd: {  	s7 =	smov.u32 s9  }
0xfe: {  	[tilespmem:s10], [sflag:$0x2] =	stream.linear.gather @!p2 [hbm4b:s11+s16], $0x40, $0x38;
	[tilespmem:$0x1EF88] =	vst v63  }
0xff: {  	s2 =	sadd.s32 $0x1, s2;
	s8 =	smov.u32 s5;
	v1 =	vld.msk [tilespmem:s3+$0x0], $0x1  }
0x100: {  	p3 =	seq.s32 s2, $0x0;
	_ =	sdelay $0x3  }
0x101: {  	(v2sf) =	vpush v1, $0x0;
	_ =	sdelay $0xe  }
0x102: {  	s5 =	spop (v2sf)  }
0x103: {  	p2 =	seq.s32 s8, s5  }
0x104: {  	p4 =	sgt.s32 @!p2 s8, $0x0;
	s10 =	sshll.u32 @!p2 s9, $0x8;
	s9 =	sadd.s32 @!p2 $0x1, s9  }
.Ltmp11:
0x105: {  	p4 =	por !p4, p2;
	s10 =	sshra.s32 @!p2 s10, $0x2;
	(pc) =	sbr.rel @!p3 .LBB2_14-.Ltmp11, $4  }
0x106: {  	s9 =	smov.u32 @p2 s7;
	s8 =	simm.s32 @p4 $0x0;
	s10 =	sadd.s32 @!p2 $0x50C8, s10  }
0x107: {  	s7 =	smin.u32 @!p2 s8, $0x4E1FF8  }
0x108: {  	s8 =	sand.u32 @!p2 $0x7FFFF8, s7;
	s16 =	sand.u32 @!p2 $0x7, s7  }
0x109: {  	s3 =	sadd.s32 $0x1, s3;
	s11 =	sadd.s32 @!p2 s1, s8  }
.LBB2_15:
0x10a: {  	[tilespmem:s10], [sflag:$0x2] =	stream.linear.gather @!p2 [hbm4b:s11+s16], $0x40, $0x38;
	[tilespmem:$0x1EF88] =	vst v63  }
.Ltmp12:
0x10b: {  	s2 =	sshll.u32 s9, $0x6;
	(pc) =	sbr.rel .LBB2_16-.Ltmp12, $4  }
0x10c: {  	s3 =	simm.s32 $0x2;
	s2 =	sand.u32 $0x3FFFFFC0, s2  }
0x10d: {  	_ =	swait.ge [sflag:s3], s2  }
0x10e: {  	s2 =	ssub.s32 $0x0, s2;
	[sflag:s3] =	ssyncset.done $0x0  }
0x10f: {  	[sflag:s3] =	ssyncadd.s32 s2;
	s3 =	simm.s32 $0x0  }
.LBB2_17:
0x110: {  	v1 =	vld [tilespmem:s30+$0xFFFFFFE0];
	_ =	sdelay $0x4  }
0x111: {  	[tilespmem:s5+$0x88] =	vst.add.f32.msk $0xffff, v1  }
0x112: {  	v1 =	vld [tilespmem:s30+$0xFFFFFFF0];
	_ =	sdelay $0x4  }
0x113: {  	[tilespmem:s5+$0x98] =	vst.add.f32.msk $0xffff, v1  }
0x114: {  	v1 =	vld [tilespmem:s30+$0x0];
	_ =	sdelay $0x4  }
0x115: {  	[tilespmem:s5+$0xA8] =	vst.add.f32.msk $0xffff, v1  }
0x116: {  	v1 =	vld [tilespmem:s30+$0x10];
	_ =	sdelay $0x4  }
0x117: {  	[tilespmem:s5+$0xB8] =	vst.add.f32.msk $0xffff, v1  }
.LBB2_21:
0x118: {  	s31 =	sadd.s32 $0x1, s31  }
0x119: {  	p2 =	seq.s32 s31, $0x0  }
.Ltmp13:
0x11a: {  	_ = 	snop;
	(pc) =	sbr.rel @p2 .LBB2_22-.Ltmp13, $2  }
0x11b: {  	_ =	sdelay $0x2  }
0x11c: {  	s30 =	sadd.s32 $0x80, s30;
	s28 =	sadd.s32 $0x1, s28;
	s29 =	smov.u32 s2  }
.LBB2_16:
0x11d: {  	v1 =	vld.msk [tilespmem:s28+$0x0], $0x1;
	_ =	sdelay $0x4  }
0x11e: {  	(v2sf) =	vpush v1, $0x0;
	_ =	sdelay $0xe  }
0x11f: {  	s2 =	spop (v2sf)  }
0x120: {  	p2 =	sne.s32 s29, s2  }
.Ltmp14:
0x121: {  	_ = 	snop;
	(pc) =	sbr.rel @!p2 .LBB2_17-.Ltmp14, $3  }
0x122: {  	_ =	sdelay $0x1  }
0x123: {  	s5 =	sshll.u32 s26, $0x8  }
0x124: {  	s5 =	sshra.s32 s5, $0x2  }
0x125: {  	p2 =	seq.s32 s29, s4  }
.Ltmp15:
0x126: {  	_ = 	snop;
	(pc) =	sbr.rel @!p2 .LBB2_19-.Ltmp15, $1  }
0x127: {  	_ =	sdelay $0x3  }
.Ltmp16:
0x128: {  	s5 =	sadd.s32 $0x88, s5;
	(pc) =	sbr.rel .LBB2_20-.Ltmp16, $4  }
0x129: {  	[spmem:s18] =	stream.linear.scatter [tilespmem:s5], [sflag:$0x1], $0x40, $0x38;
	[tilespmem:$0x1EF88] =	vst v63  }
0x12a: {  	_ =	swait.ge [sflag:s13], $0x40  }
0x12b: {  	[sflag:s13] =	ssyncset.done $0x0  }
0x12c: {  	[sflag:s13] =	ssyncadd.s32 $0xFFFFFFC0  }
.LBB2_19:
0x12d: {  	s7 =	sshll.u32 s0, $0x8  }
0x12e: {  	s7 =	sshra.s32 s7, $0x2  }
0x12f: {  	v1 =	vld [tilespmem:s7+$0x50C8];
	_ =	sdelay $0x4  }
0x130: {  	[tilespmem:s5+$0x88] =	vst.add.f32.msk $0xffff, v1  }
0x131: {  	v1 =	vld [tilespmem:s7+$0x50D8];
	_ =	sdelay $0x4  }
0x132: {  	[tilespmem:s5+$0x98] =	vst.add.f32.msk $0xffff, v1  }
0x133: {  	v1 =	vld [tilespmem:s7+$0x50E8];
	_ =	sdelay $0x4  }
0x134: {  	[tilespmem:s5+$0xA8] =	vst.add.f32.msk $0xffff, v1  }
0x135: {  	v1 =	vld [tilespmem:s7+$0x50F8];
	_ =	sdelay $0x2  }
0x136: {  	p2 =	sgt.u32 s29, $0x4E1FF8  }
0x137: {  	s7 =	sand.u32 @!p2 $0x7FFFF8, s29  }
0x138: {  	s8 =	sadd.s32 $0x88, s5;
	[tilespmem:s5+$0xB8] =	vst.add.f32.msk $0xffff, v1;
	s5 =	sadd.s32 @!p2 s1, s7;
	s7 =	sand.u32 @!p2 $0x7, s29  }
0x139: {  	[hbm4b:s5+s7] =	stream.linear.scatter @!p2 [tilespmem:s8], [sflag:$0xC], $0x40, $0x38;
	[tilespmem:$0x1EF88] =	vst v63  }
0x13a: {  	s5 =	simm.s32 $0x0  }
0x13b: {  	s5 =	simm.s32 @!p2 $0x100  }
0x13c: {  	s3 =	sadd.s32 s5, s3  }
.LBB2_20:
0x13d: {  	s5 =	sadd.s32 $0x1, s26  }
0x13e: {  	s7 =	smulhi.u32 $0xCCCCCCCD, s5;
	_ =	sdelay $0x1  }
0x13f: {  	v1 =	vld [tilespmem:s30+$0xFFFFFFE0];
	s7 =	sshrl.u32 s7, $0x8  }
0x140: {  	s7 =	smul.u32 $0x140, s7;
	_ =	sdelay $0x1  }
0x141: {  	s26 =	ssub.s32 s5, s7  }
0x142: {  	s5 =	sshll.u32 s26, $0x6  }
0x143: {  	[tilespmem:s5+$0x88] =	vst v1  }
0x144: {  	v1 =	vld [tilespmem:s30+$0xFFFFFFF0];
	_ =	sdelay $0x4  }
0x145: {  	[tilespmem:s5+$0x98] =	vst v1  }
0x146: {  	v1 =	vld [tilespmem:s30+$0x0];
	_ =	sdelay $0x4  }
0x147: {  	[tilespmem:s5+$0xA8] =	vst v1  }
0x148: {  	v1 =	vld [tilespmem:s30+$0x10]  }
.Ltmp17:
0x149: {  	_ = 	snop;
	(pc) =	sbr.rel .LBB2_21-.Ltmp17, $2  }
0x14a: {  	_ =	sdelay $0x2  }
0x14b: {  	s0 =	sadd.s32 $0x1, s0;
	[tilespmem:s5+$0xB8] =	vst v1  }
.LBB2_23:
.Ltmp18:
0x14c: {  	(pc) =	sbr.rel .LBB2_24-.Ltmp18, $4  }
0x14d: {  	_ = 	snop  }
0x14e: {  	s0 =	simm.s32 $0x2  }
0x14f: {  	_ =	swait.ge [sflag:s0], $0x0  }
0x150: {  	s2 =	smov.u32 s29;
	[sflag:s0] =	ssyncset.done $0x0;
	s0 =	simm.s32 $0x0  }
.LBB2_26:
0x151: {  	_ =	sfence.sel $0x180000  }
0x152: {  	s0 =	simm.s32 $0x9;
	[bflag:$0x0] =	sbarrier.arrive $0xFFFF  }
0x153: {  	s24 =	simm.s32 $0xA;
	[sflag:s0] =	ssyncpa.u1 $0x1  }
0x154: {  	s25 =	simm.s32 $0xB;
	[sflag:s24] =	ssyncpa.u1 $0x1  }
0x155: {  	s26 =	simm.s32 $0x2;
	[sflag:s25] =	ssyncpa.u1 $0x1  }
0x156: {  	[sflag:s26] =	ssyncpa.u1 $0x1  }
0x157: {  	v0 =	vld [tilespmem:$0xA108];
	_ =	sdelay $0x4  }
0x158: {  	(v2sf) =	vpush v0, $0x0  }
0x159: {  	(v2sf) =	vpush v0, $0x1;
	_ =	sdelay $0x1  }
0x15a: {  	(v2sf) =	vpush v0, $0x2;
	_ =	sdelay $0xb  }
0x15b: {  	s0 =	spop (v2sf)  }
0x15c: {  	s2 =	spop (v2sf)  }
0x15d: {  	s3 =	smov.u32 s0;
	p0 =	sne.s32 s0, s2  }
0x15e: {  	s4 =	spop (v2sf);
	s3 =	simm.s32 @!p0 $0xFFFFFFFF  }
0x15f: {  	v2 =	vimm.s32 $0x1;
	v3 =	vlaneseq.u32;
	p0 =	seq.s32 s4, $0xFFFFFFFF;
	v1 =	vmov s3  }
0x160: {  	s14 =	stileid.u32;
	v0 =	vperm.xlane v0, v2;
	p1 =	sne.s32 @!p0 s0, s2;
	v1 =	vperm.xlane v1, v3  }
0x161: {  	vm0 =	vcmask $0x3F04;
	s6 =	simm.s32 $0xA108;
	s0 =	simm.s32 @!p0 $0x1;
	p1 =	por !p1, p0  }
0x162: {  	s3 =	sshll.u32 s14, $0x1;
	s2 =	sshll.u32 @!p0 s4, $0x8;
	s0 =	simm.s32 @p1 $0x0;
	v0 =	vsel vm0, v1, v0  }
0x163: {  	s5 =	sor.u32 $0x800, s3;
	s2 =	sshra.s32 @!p0 s2, $0x2;
	s0 =	sor.u32 @!p0 s0, s3;
	[tilespmem:$0xA108] =	vst v0  }
0x164: {  	[spmem:s5] =	stream.linear.scatter [tilespmem:s6], [sflag:$0x1], $0x2, $0x38;
	[tilespmem:$0x1EF88] =	vst v63  }
0x165: {  	s2 =	sadd.s32 @!p0 $0x88, s2;
	s0 =	sshll.u32 @!p0 s0, $0x6  }
0x166: {  	[spmem:s0] =	stream.linear.scatter @!p0 [tilespmem:s2], [sflag:$0x1], $0x40, $0x38;
	[tilespmem:$0x1EF88] =	vst v63  }
0x167: {  	s0 =	simm.s32 @!p0 $0x42  }
0x168: {  	s28 =	simm.s32 $0x1;
	s0 =	simm.s32 @p0 $0x2  }
0x169: {  	_ =	swait.ge [sflag:s28], s0  }
0x16a: {  	s0 =	ssub.s32 $0x0, s0;
	[sflag:s28] =	ssyncset.done $0x0  }
0x16b: {  	p0 =	sne.s32 s14, $0x0;
	[sflag:s28] =	ssyncadd.s32 s0  }
.Ltmp19:
0x16c: {  	_ =	sfence.stream.spmem;
	(pc) =	sbr.rel @p0 .LBB2_43-.Ltmp19, $4  }
0x16d: {  	s29 =	simm.s32 $0x3;
	[bflag:$0x0] =	sbarrier.arrive $0xFFFF  }
0x16e: {  	s30 =	simm.s32 $0x4;
	[sflag:s29] =	ssyncpa.u1 $0x1  }
0x16f: {  	s31 =	simm.s32 $0x3C;
	[sflag:s30] =	ssyncpa.u1 $0x1  }
0x170: {  	s13 =	rddreg [dreg:$0x5];
	[sflag:s31] =	ssyncpa.u1 $0x1  }
0x171: {  	_ =	sfence.stream.spmem;
	s0 =	simm.s32 $0x5  }
0x172: {  	s2 =	simm.s32 $0x800;
	s3 =	simm.s32 $0xA118;
	[sflag:s0] =	ssyncpa.u1 $0x0  }
0x173: {  	[tilespmem:s3], [sflag:$0x5] =	stream.linear.gather [spmem:s2], $0x20, $0x38;
	[tilespmem:$0x1EF88] =	vst v63  }
0x174: {  	s26 =	simm.s32 $0x0;
	s28 =	simm.s32 $0xA138  }
0x175: {  	[tilespmem:s28], [sflag:$0x5] =	stream.linear.gather [spmem:s26], $0x800, $0x38;
	[tilespmem:$0x1EF88] =	vst v63  }
0x176: {  	_ =	swait.ge [sflag:s0], $0x820  }
0x177: {  	[sflag:s0] =	ssyncset.done $0x0  }
0x178: {  	s29 =	simm.s32 $0x0;
	[sflag:s0] =	ssyncadd.s32 $0xFFFFF7E0  }
0x179: {  	v0 =	vld.msk [tilespmem:s29+$0xA118], $0x1;
	_ =	sdelay $0x1  }
0x17a: {  	s30 =	simm.s32 $0x1  }
0x17b: {  	v1 =	vld.msk [tilespmem:s30+$0xA118], $0x1;
	_ =	sdelay $0x1  }
0x17c: {  	(v2sf) =	vpush v0, $0x0;
	_ =	sdelay $0x2  }
0x17d: {  	(v2sf) =	vpush v1, $0x0;
	_ =	sdelay $0x2  }
0x17e: {  	s31 =	simm.s32 $0x2  }
0x17f: {  	v0 =	vld.msk [tilespmem:s31+$0xA118], $0x1;
	_ =	sdelay $0x2  }
0x180: {  	s2 =	simm.s32 $0xFFFFFFFF;
	s3 =	simm.s32 $0xFFFFFFFF;
	s0 =	simm.s32 $0xC  }
.LBB2_28:
0x181: {  	s4 =	smov.u32 s3;
	s5 =	smov.u32 s2  }
0x182: {  	s2 =	sshra.s32 s0, $0x2;
	p1 =	sne.s32 s0, $0x7C;
	s0 =	sadd.s32 $0x4, s0;
	(v2sf) =	vpush v0, $0x0  }
0x183: {  	v0 =	vld.msk [tilespmem:s2+$0xA118], $0x1  }
.Ltmp20:
0x184: {  	(pc) =	sbr.rel @p1 .LBB2_28-.Ltmp20, $4  }
0x185: {  	s3 =	spop (v2sf)  }
0x186: {  	p2 =	sne.s32 s5, $0xFFFFFFFF;
	s2 =	smov.u32 s3  }
0x187: {  	p3 =	seq.s32 s3, $0xFFFFFFFF;
	s2 =	smov.u32 @p2 s5  }
0x188: {  	s3 =	smov.u32 @p3 s4;
	s2 =	smov.u32 @p3 s5  }
0x189: {  	(v2sf) =	vpush v0, $0x0;
	_ =	sdelay $0x8  }
0x18a: {  	s0 =	spop (v2sf)  }
0x18b: {  	p1 =	sne.s32 s2, $0xFFFFFFFF;
	s4 =	smov.u32 s0  }
0x18c: {  	s6 =	simm.s32 $0x0;
	p2 =	seq.s32 s0, $0xFFFFFFFF;
	s4 =	smov.u32 @p1 s2  }
0x18d: {  	s9 =	simm.s32 $0xA0C8;
	s4 =	smov.u32 @p2 s2;
	s2 =	spop (v2sf)  }
0x18e: {  	s0 =	smov.u32 @p2 s3;
	p1 =	sne.s32 s4, $0xFFFFFFFF;
	s5 =	smov.u32 s2  }
.Ltmp21:
0x18f: {  	p2 =	seq.s32 s2, $0xFFFFFFFF;
	s5 =	smov.u32 @p1 s4;
	(pc) =	sbr.rel .LBB2_30-.Ltmp21, $4  }
0x190: {  	s10 =	simm.s32 $0x0;
	s5 =	smov.u32 @p2 s4;
	s7 =	spop (v2sf)  }
0x191: {  	s2 =	smov.u32 @p2 s0;
	p1 =	sne.s32 s5, $0xFFFFFFFF;
	s8 =	smov.u32 s7  }
0x192: {  	s0 =	simm.s32 $0x6;
	p2 =	seq.s32 s7, $0xFFFFFFFF;
	s8 =	smov.u32 @p1 s5  }
0x193: {  	[sflag:s0] =	ssyncpa.u1 $0x0;
	s7 =	smov.u32 @p2 s2;
	s8 =	smov.u32 @p2 s5  }
.LBB2_36:
0x194: {  	p1 =	sgt.u32 s2, $0x4E1FF8  }
0x195: {  	p2 =	seq.s32 @!p1 s2, s8  }
0x196: {  	p1 =	por p1, p2  }
0x197: {  	p2 =	sne.s32 @!p1 s2, s7  }
0x198: {  	p1 =	por p1, !p2  }
0x199: {  	s2 =	sshll.u32 @p1 s10, $0x8  }
0x19a: {  	s3 =	sand.u32 @!p1 $0x7FFFF8, s2  }
0x19b: {  	s2 =	sand.u32 @!p1 $0x7, s2;
	s3 =	sadd.s32 @!p1 s1, s3  }
0x19c: {  	[tilespmem:s9], [sflag:$0x6] =	stream.linear.gather @!p1 [hbm4b:s3+s2], $0x40, $0x38;
	[tilespmem:$0x1EF88] =	vst v63  }
0x19d: {  	_ =	swait.ge @!p1 [sflag:s0], $0x40  }
0x19e: {  	[sflag:s0] =	ssyncset.done @!p1 $0x0  }
0x19f: {  	[sflag:s0] =	ssyncadd.s32 @!p1 $0xFFFFFFC0  }
0x1a0: {  	v1 =	vld @!p1 [tilespmem:$0xA0C8];
	_ =	sdelay $0x2  }
0x1a1: {  	s2 =	sshll.u32 @!p1 s10, $0x8  }
0x1a2: {  	s3 =	sshrl.u32 @!p1 s2, $0x2  }
0x1a3: {  	[tilespmem:s3+$0xA138] =	vst.add.f32.msk @!p1 $0xffff, v1  }
0x1a4: {  	v1 =	vld @!p1 [tilespmem:$0xA0D8];
	_ =	sdelay $0x4  }
0x1a5: {  	[tilespmem:s3+$0xA148] =	vst.add.f32.msk @!p1 $0xffff, v1  }
0x1a6: {  	v1 =	vld @!p1 [tilespmem:$0xA0E8];
	_ =	sdelay $0x4  }
0x1a7: {  	[tilespmem:s3+$0xA158] =	vst.add.f32.msk @!p1 $0xffff, v1  }
0x1a8: {  	v1 =	vld @!p1 [tilespmem:$0xA0F8];
	_ =	sdelay $0x4  }
0x1a9: {  	[tilespmem:s3+$0xA168] =	vst.add.f32.msk @!p1 $0xffff, v1  }
0x1aa: {  	s2 =	sshrl.u32 s2, $0x2;
	[tilespmem:s6+$0xA118] =	vst.msk $0x1, v0  }
0x1ab: {  	v0 =	vld [tilespmem:s2+$0xA138];
	_ =	sdelay $0x2  }
0x1ac: {  	s31 =	sshll.u32 s6, $0x8  }
0x1ad: {  	s3 =	sshra.s32 s31, $0x2  }
0x1ae: {  	[tilespmem:s3+$0xA138] =	vst v0  }
0x1af: {  	v0 =	vld [tilespmem:s2+$0xA148];
	_ =	sdelay $0x4  }
0x1b0: {  	[tilespmem:s3+$0xA148] =	vst v0  }
0x1b1: {  	v0 =	vld [tilespmem:s2+$0xA158];
	_ =	sdelay $0x4  }
0x1b2: {  	[tilespmem:s3+$0xA158] =	vst v0  }
0x1b3: {  	v0 =	vld [tilespmem:s2+$0xA168];
	_ =	sdelay $0x4  }
0x1b4: {  	s6 =	sadd.s32 $0x1, s6;
	[tilespmem:s3+$0xA168] =	vst v0  }
.LBB2_37:
0x1b5: {  	s10 =	sadd.s32 $0x1, s10  }
0x1b6: {  	p1 =	sne.s32 s10, $0x20  }
.Ltmp22:
0x1b7: {  	_ = 	snop;
	(pc) =	sbr.rel @!p1 .LBB2_38-.Ltmp22, $1  }
0x1b8: {  	_ =	sdelay $0x3  }
.LBB2_30:
0x1b9: {  	v0 =	vld.msk [tilespmem:s10+$0xA118], $0x1;
	_ =	sdelay $0x4  }
0x1ba: {  	(v2sf) =	vpush v0, $0x0;
	_ =	sdelay $0xe  }
0x1bb: {  	s2 =	spop (v2sf)  }
0x1bc: {  	p1 =	seq.s32 s2, $0xFFFFFFFF  }
.Ltmp23:
0x1bd: {  	_ = 	snop;
	(pc) =	sbr.rel @p1 .LBB2_37-.Ltmp23, $1  }
0x1be: {  	_ =	sdelay $0x3  }
0x1bf: {  	p1 =	slt.s32 s6, $0x1  }
.Ltmp24:
0x1c0: {  	_ = 	snop;
	(pc) =	sbr.rel @p1 .LBB2_36-.Ltmp24, $1  }
0x1c1: {  	_ =	sdelay $0x3  }
0x1c2: {  	s3 =	simm.s32 $0xA118;
	p1 =	por $0x0, $0x0  }
0x1c3: {  	v1 =	vld.msk @!p1 [tilespmem:s3+$0x0], $0x1;
	_ =	sdelay $0x4  }
0x1c4: {  	(v2sf) =	vpush @!p1 v1, $0x0;
	_ =	sdelay $0xd  }
0x1c5: {  	p3 =	sne.s32 s6, $0x1  }
.Ltmp25:
0x1c6: {  	s4 =	spop @!p1 (v2sf);
	(pc) =	sbr.rel @!p3 .LBB2_34-.Ltmp25, $4  }
0x1c7: {  	p2 =	seq.s32 @!p1 s2, s4  }
0x1c8: {  	s4 =	simm.s32 $0x0;
	p2 =	por !p2, p1  }
0x1c9: {  	s11 =	simm.s32 $0xFFFFFFFF;
	s4 =	simm.s32 @p2 $0xFFFFFFFF  }
0x1ca: {  	s5 =	simm.s32 $0x1;
	s4 =	smov.u32 @p1 s11  }
.LBB2_33:
0x1cb: {  	s11 =	smov.u32 s4;
	p1 =	sne.s32 s4, $0xFFFFFFFF  }
0x1cc: {  	s3 =	sadd.s32 $0x1, s3;
	s4 =	smov.u32 s5;
	s5 =	sadd.s32 $0x1, s5  }
0x1cd: {  	p2 =	sne.s32 s6, s5;
	v1 =	vld.msk @!p1 [tilespmem:s3+$0x0], $0x1;
	_ =	sdelay $0x4  }
0x1ce: {  	(v2sf) =	vpush @!p1 v1, $0x0;
	_ =	sdelay $0xe  }
.Ltmp26:
0x1cf: {  	s12 =	spop @!p1 (v2sf);
	(pc) =	sbr.rel @p2 .LBB2_33-.Ltmp26, $4  }
0x1d0: {  	p3 =	seq.s32 @!p1 s2, s12  }
0x1d1: {  	p3 =	por !p3, p1  }
0x1d2: {  	s4 =	simm.s32 @p3 $0xFFFFFFFF  }
0x1d3: {  	s4 =	smov.u32 @p1 s11  }
.LBB2_34:
0x1d4: {  	p1 =	seq.s32 s4, $0xFFFFFFFF  }
.Ltmp27:
0x1d5: {  	_ = 	snop;
	(pc) =	sbr.rel @p1 .LBB2_36-.Ltmp27, $1  }
0x1d6: {  	_ =	sdelay $0x3  }
0x1d7: {  	s2 =	sshll.u32 s10, $0x6  }
0x1d8: {  	s2 =	sand.u32 $0x3FFFFFC0, s2  }
0x1d9: {  	v0 =	vld [tilespmem:s2+$0xA138];
	_ =	sdelay $0x2  }
0x1da: {  	s3 =	sshll.u32 s4, $0x8  }
0x1db: {  	s3 =	sshra.s32 s3, $0x2  }
0x1dc: {  	[tilespmem:s3+$0xA138] =	vst.add.f32.msk $0xffff, v0  }
0x1dd: {  	v0 =	vld [tilespmem:s2+$0xA148];
	_ =	sdelay $0x4  }
0x1de: {  	[tilespmem:s3+$0xA148] =	vst.add.f32.msk $0xffff, v0  }
0x1df: {  	v0 =	vld [tilespmem:s2+$0xA158];
	_ =	sdelay $0x4  }
0x1e0: {  	[tilespmem:s3+$0xA158] =	vst.add.f32.msk $0xffff, v0  }
0x1e1: {  	v0 =	vld [tilespmem:s2+$0xA168]  }
.Ltmp28:
0x1e2: {  	_ = 	snop;
	(pc) =	sbr.rel .LBB2_37-.Ltmp28, $2  }
0x1e3: {  	_ =	sdelay $0x2  }
0x1e4: {  	[tilespmem:s3+$0xA168] =	vst.add.f32.msk $0xffff, v0  }
.LBB2_38:
0x1e5: {  	s0 =	simm.s32 $0x6;
	p1 =	seq.s32 s6, $0x0  }
0x1e6: {  	[sflag:s0] =	ssyncpa.u1 $0x1;
	v0 =	vimm.s32 @p1 $0xFFFFFFFF  }
0x1e7: {  	s0 =	sadd.s32 $0xFFFFFFFF, s6;
	[tilespmem:$0xA938] =	vst @p1 v0  }
0x1e8: {  	v0 =	vld.msk @!p1 [tilespmem:s0+$0xA118], $0x1;
	_ =	sdelay $0x1  }
0x1e9: {  	v1 =	vld.msk @!p1 [tilespmem:$0xA118], $0x1;
	_ =	sdelay $0x2  }
0x1ea: {  	p2 =	seq.s32 @!p1 s0, $0x0;
	v0 =	vbroadcast @!p1 v0, $0x0  }
0x1eb: {  	vm0 =	vmmov @!p1 $0x1;
	p2 =	por !p2, p1  }
0x1ec: {  	v1 =	vnsel @!p1 vm0, $0xFFFFFFFF, v1;
	vm0 =	vcmask @!p1 $0x308;
	v0 =	vpsel !p2, $0xFFFFFFFF, v0  }
0x1ed: {  	p2 =	sne.s32 @!p1 s8, s7;
	v0 =	vsel @!p1 vm0, v1, v0  }
0x1ee: {  	s2 =	simm.s32 @!p1 $0xA138;
	s3 =	simm.s32 @!p1 $0x0;
	p3 =	por !p2, p1;
	[tilespmem:$0xA938] =	vst @!p1 v0  }
0x1ef: {  	[spmem:s3] =	stream.linear.scatter @!p1 [tilespmem:s2], [sflag:$0x1], $0x40, $0x38;
	[tilespmem:$0x1EF88] =	vst v63  }
0x1f0: {  	s2 =	sshll.u32 @!p3 s0, $0x8  }
0x1f1: {  	s2 =	sshra.s32 @!p3 s2, $0x2  }
0x1f2: {  	s3 =	simm.s32 @!p3 $0x40;
	s2 =	sadd.s32 @!p3 $0xA138, s2  }
0x1f3: {  	[spmem:s3] =	stream.linear.scatter @!p3 [tilespmem:s2], [sflag:$0x1], $0x40, $0x38;
	[tilespmem:$0x1EF88] =	vst v63  }
0x1f4: {  	s2 =	simm.s32 @!p3 $0x1  }
0x1f5: {  	_ =	swait.ge @!p3 [sflag:s2], $0x80  }
0x1f6: {  	p1 =	por p2, p1;
	[sflag:s2] =	ssyncset.done @!p3 $0x0  }
0x1f7: {  	[sflag:s2] =	ssyncadd.s32 @!p3 $0xFFFFFF80;
	s2 =	simm.s32 @!p1 $0x1  }
0x1f8: {  	_ =	swait.ge @!p1 [sflag:s2], $0x40  }
0x1f9: {  	s29 =	simm.s32 $0xA938;
	[sflag:s2] =	ssyncset.done @!p1 $0x0  }
0x1fa: {  	s30 =	simm.s32 $0x800;
	s31 =	simm.s32 $0x1;
	[sflag:s2] =	ssyncadd.s32 @!p1 $0xFFFFFFC0  }
0x1fb: {  	[spmem:s30] =	stream.linear.scatter [tilespmem:s29], [sflag:$0x1], $0x10, $0x38;
	[tilespmem:$0x1EF88] =	vst v63  }
0x1fc: {  	_ =	swait.ge [sflag:s31], $0x10  }
0x1fd: {  	[sflag:s31] =	ssyncset.done $0x0  }
0x1fe: {  	p1 =	seq.s32 s13, $0x0;
	s9 =	rddreg [dreg:$0x2];
	[sflag:s31] =	ssyncadd.s32 $0xFFFFFFF0  }
0x1ff: {  	s3 =	sshll.u32 @p1 s9, $0xE;
	s8 =	rddreg [dreg:$0x3]  }
0x200: {  	s2 =	sadd.s32 @p1 $0x15C3C, s3;
	s3 =	sshll.u32 @p1 s8, $0x11  }
0x201: {  	_ =	sfence.stream.spmem;
	s2 =	sor.u32 @p1 s3, s2  }
0x202: {  	[sflag:s2] =	ssyncadd.remote.s32 @p1 $0x1;
	s2 =	simm.s32 @p1 $0x4  }
0x203: {  	s4 =	simm.s32 @!p1 $0x3C;
	s3 =	sand.u32 $0xFFFFFFFE, s9;
	_ =	swait.ge @p1 [sflag:s2], $0x12  }
0x204: {  	s5 =	simm.s32 @!p1 $0x0;
	s3 =	sadd.s32 @!p1 $0x4, s3;
	[sflag:s2] =	ssyncset.done @p1 $0x0  }
0x205: {  	s7 =	simm.s32 @!p1 $0x80;
	[sflag:s2] =	ssyncadd.s32 @p1 $0xFFFFFFEE;
	s2 =	sshll.u32 @!p1 s3, $0x1A  }
0x206: {  	s3 =	sshll.u32 @!p1 s3, $0xD;
	s2 =	sor.u32 @!p1 s2, s8;
	_ =	swait.eq @!p1 [sflag:s4], $0x1  }
0x207: {  	s3 =	sor.u32 @!p1 $0x1C04, s3;
	s4 =	simm.s32 @!p1 $0x1C03;
	s2 =	sor.u32 @!p1 $0x80004000, s2  }
0x208: {  	[spmem:s7], [sflag:s3] =	dma.general @!p1 [spmem:s5], [sflag:s4], length:$0x10, [dreg:$0x0], stride_count:$0x0, ici_dest:s2, dma_misc:DstOpCode:WRITE  }
0x209: {  	p2 =	slt.s32 s0, $0x2;
	s5 =	simm.s32 @!p1 $0x100;
	s7 =	simm.s32 @!p1 $0x102  }
0x20a: {  	[spmem:s7], [sflag:s3] =	dma.general @!p1 [spmem:s5], [sflag:s4], length:$0x2, [dreg:$0x0], stride_count:$0x0, ici_dest:s2, dma_misc:DstOpCode:WRITE  }
.Ltmp29:
0x20b: {  	s2 =	simm.s32 @!p1 $0x3;
	(pc) =	sbr.rel @p2 .LBB2_42-.Ltmp29, $4  }
0x20c: {  	s3 =	sshll.u32 @!p1 s9, $0xE;
	_ =	swait.ge @!p1 [sflag:s2], $0x12  }
0x20d: {  	s4 =	sshll.u32 @!p1 s8, $0x11;
	s3 =	sadd.s32 @!p1 $0x11C3C, s3;
	[sflag:s2] =	ssyncset.done @!p1 $0x0  }
0x20e: {  	[sflag:s2] =	ssyncadd.s32 @!p1 $0xFFFFFFEE;
	s2 =	sor.u32 @!p1 s4, s3  }
0x20f: {  	s0 =	simm.s32 $0x0;
	[sflag:s2] =	ssyncadd.remote.s32 @!p1 $0xFFFFFFFF  }
0x210: {  	s0 =	simm.s32 $0xA119  }
0x211: {  	v0 =	vld.msk [tilespmem:s0+$0x0], $0x1;
	_ =	sdelay $0x4  }
0x212: {  	(v2sf) =	vpush v0, $0x0;
	_ =	sdelay $0xc  }
0x213: {  	s2 =	sadd.s32 $0xFFFFFFFE, s6  }
0x214: {  	s2 =	sadd.s32 $0xFFFFFFFF, s2  }
0x215: {  	p2 =	sne.s32 s2, $0x0;
	s3 =	spop (v2sf)  }
.Ltmp30:
0x216: {  	p1 =	sgt.u32 s3, $0x4E1FF8;
	(pc) =	sbr.rel @!p2 .LBB2_41-.Ltmp30, $4  }
0x217: {  	s5 =	simm.s32 $0x0;
	s4 =	sand.u32 @!p1 $0x7FFFF8, s3  }
0x218: {  	s0 =	simm.s32 $0xA178;
	s3 =	sand.u32 @!p1 $0x7, s3;
	s4 =	sadd.s32 @!p1 s1, s4  }
0x219: {  	[hbm4b:s4+s3] =	stream.linear.scatter @!p1 [tilespmem:s0], [sflag:$0x5], $0x40, $0x38;
	[tilespmem:$0x1EF88] =	vst v63  }
0x21a: {  	s5 =	simm.s32 @!p1 $0x100;
	s3 =	simm.s32 $0x0;
	s4 =	simm.s32 $0xA11A  }
.LBB2_40:
0x21b: {  	v0 =	vld.msk [tilespmem:s4+$0x0], $0x1;
	s2 =	sadd.s32 $0xFFFFFFFF, s2;
	s3 =	sadd.s32 s3, s5  }
0x21c: {  	p1 =	sne.s32 s2, $0x0;
	_ =	sdelay $0x3  }
0x21d: {  	(v2sf) =	vpush v0, $0x0;
	_ =	sdelay $0xe  }
.Ltmp31:
0x21e: {  	s6 =	spop (v2sf);
	(pc) =	sbr.rel @p1 .LBB2_40-.Ltmp31, $4  }
0x21f: {  	s5 =	simm.s32 $0x0;
	p2 =	sgt.u32 s6, $0x4E1FF8  }
0x220: {  	s0 =	sadd.s32 $0x40, s0;
	s5 =	simm.s32 @!p2 $0x100;
	s7 =	sand.u32 @!p2 $0x7FFFF8, s6  }
0x221: {  	s4 =	sadd.s32 $0x1, s4;
	s6 =	sand.u32 @!p2 $0x7, s6;
	s7 =	sadd.s32 @!p2 s1, s7  }
0x222: {  	[hbm4b:s7+s6] =	stream.linear.scatter @!p2 [tilespmem:s0], [sflag:$0x5], $0x40, $0x38;
	[tilespmem:$0x1EF88] =	vst v63  }
.LBB2_41:
0x223: {  	s0 =	sadd.s32 s3, s5  }
0x224: {  	s0 =	sshrl.u32 s0, $0x2  }
.LBB2_42:
0x225: {  	s2 =	simm.s32 $0x5  }
0x226: {  	_ =	swait.ge [sflag:s2], s0  }
0x227: {  	s31 =	ssub.s32 $0x0, s0;
	[sflag:s2] =	ssyncset.done $0x0  }
0x228: {  	[sflag:s2] =	ssyncadd.s32 s31  }
0x229: {  	[sflag:s2] =	ssyncpa.u1 $0x1  }
.LBB2_43:
0x22a: {  	s0 =	sor.u32 s13, s14  }
0x22b: {  	p1 =	sne.s32 s0, $0x0  }
.Ltmp32:
0x22c: {  	_ = 	snop;
	(pc) =	sbr.rel @p1 .LBB2_58-.Ltmp32, $3  }
0x22d: {  	_ =	sdelay $0x1  }
0x22e: {  	[bflag:$0x0] =	sbarrier.arrive $0xFFFF  }
0x22f: {  	_ =	sfence  }
0x230: {  	s2 =	simm.s32 $0x7  }
0x231: {  	s0 =	simm.s32 $0x800;
	s3 =	simm.s32 $0xA118;
	[sflag:s2] =	ssyncpa.u1 $0x0  }
0x232: {  	[tilespmem:s3], [sflag:$0x7] =	stream.linear.gather [spmem:s0], $0x20, $0x38;
	[tilespmem:$0x1EF88] =	vst v63  }
0x233: {  	s30 =	simm.s32 $0xA138;
	s0 =	simm.s32 $0x0  }
0x234: {  	[tilespmem:s30], [sflag:$0x7] =	stream.linear.gather [spmem:s0], $0x800, $0x38;
	[tilespmem:$0x1EF88] =	vst v63  }
.Ltmp33:
0x235: {  	_ = 	snop;
	(pc) =	sbr.rel .LBB2_45-.Ltmp33, $4  }
0x236: {  	_ =	swait.ge [sflag:s2], $0x820  }
0x237: {  	[sflag:s2] =	ssyncset.done $0x0  }
0x238: {  	s31 =	simm.s32 $0x8;
	[sflag:s2] =	ssyncadd.s32 $0xFFFFF7E0  }
0x239: {  	s2 =	simm.s32 $0x0;
	[sflag:s31] =	ssyncpa.u1 $0x0  }
.LBB2_51:
0x23a: {  	p1 =	slt.u32 s3, $0x4E1FF9  }
0x23b: {  	s4 =	sand.u32 @p1 $0x7FFFF8, s3  }
0x23c: {  	s3 =	sand.u32 @p1 $0x7, s3;
	s5 =	simm.s32 @p1 $0xA0C8;
	s4 =	sadd.s32 @p1 s1, s4  }
0x23d: {  	[tilespmem:s5], [sflag:$0x8] =	stream.linear.gather @p1 [hbm4b:s4+s3], $0x40, $0x38;
	[tilespmem:$0x1EF88] =	vst v63  }
0x23e: {  	s3 =	simm.s32 @p1 $0x8  }
0x23f: {  	_ =	swait.ge @p1 [sflag:s3], $0x40  }
0x240: {  	[sflag:s3] =	ssyncset.done @p1 $0x0  }
0x241: {  	[sflag:s3] =	ssyncadd.s32 @p1 $0xFFFFFFC0  }
0x242: {  	v1 =	vld @p1 [tilespmem:$0xA0C8];
	_ =	sdelay $0x2  }
0x243: {  	s3 =	sshll.u32 @p1 s2, $0x8  }
0x244: {  	s4 =	sshrl.u32 @p1 s3, $0x2  }
0x245: {  	[tilespmem:s4+$0xA138] =	vst.add.f32.msk @p1 $0xffff, v1  }
0x246: {  	v1 =	vld @p1 [tilespmem:$0xA0D8];
	_ =	sdelay $0x4  }
0x247: {  	[tilespmem:s4+$0xA148] =	vst.add.f32.msk @p1 $0xffff, v1  }
0x248: {  	v1 =	vld @p1 [tilespmem:$0xA0E8];
	_ =	sdelay $0x4  }
0x249: {  	[tilespmem:s4+$0xA158] =	vst.add.f32.msk @p1 $0xffff, v1  }
0x24a: {  	v1 =	vld @p1 [tilespmem:$0xA0F8];
	_ =	sdelay $0x3  }
0x24b: {  	s5 =	sshll.u32 @!p1 s2, $0x8  }
0x24c: {  	s5 =	smov.u32 @p1 s3;
	[tilespmem:s4+$0xA168] =	vst.add.f32.msk @p1 $0xffff, v1  }
0x24d: {  	s3 =	sshrl.u32 s5, $0x2;
	[tilespmem:s0+$0xA118] =	vst.msk $0x1, v0  }
0x24e: {  	v0 =	vld [tilespmem:s3+$0xA138];
	_ =	sdelay $0x2  }
0x24f: {  	s31 =	sshll.u32 s0, $0x8  }
0x250: {  	s4 =	sshra.s32 s31, $0x2  }
0x251: {  	[tilespmem:s4+$0xA138] =	vst v0  }
0x252: {  	v0 =	vld [tilespmem:s3+$0xA148];
	_ =	sdelay $0x4  }
0x253: {  	[tilespmem:s4+$0xA148] =	vst v0  }
0x254: {  	v0 =	vld [tilespmem:s3+$0xA158];
	_ =	sdelay $0x4  }
0x255: {  	[tilespmem:s4+$0xA158] =	vst v0  }
0x256: {  	v0 =	vld [tilespmem:s3+$0xA168];
	_ =	sdelay $0x4  }
0x257: {  	s0 =	sadd.s32 $0x1, s0;
	[tilespmem:s4+$0xA168] =	vst v0  }
.LBB2_52:
0x258: {  	s2 =	sadd.s32 $0x1, s2  }
0x259: {  	p1 =	sne.s32 s2, $0x20  }
.Ltmp34:
0x25a: {  	_ = 	snop;
	(pc) =	sbr.rel @!p1 .LBB2_53-.Ltmp34, $1  }
0x25b: {  	_ =	sdelay $0x3  }
.LBB2_45:
0x25c: {  	v0 =	vld.msk [tilespmem:s2+$0xA118], $0x1;
	_ =	sdelay $0x4  }
0x25d: {  	(v2sf) =	vpush v0, $0x0;
	_ =	sdelay $0xe  }
0x25e: {  	s3 =	spop (v2sf)  }
0x25f: {  	p1 =	seq.s32 s3, $0xFFFFFFFF  }
.Ltmp35:
0x260: {  	_ = 	snop;
	(pc) =	sbr.rel @p1 .LBB2_52-.Ltmp35, $1  }
0x261: {  	_ =	sdelay $0x3  }
0x262: {  	p1 =	slt.s32 s0, $0x1  }
.Ltmp36:
0x263: {  	_ = 	snop;
	(pc) =	sbr.rel @p1 .LBB2_51-.Ltmp36, $1  }
0x264: {  	_ =	sdelay $0x3  }
0x265: {  	s4 =	simm.s32 $0xA118;
	p1 =	por $0x0, $0x0  }
0x266: {  	v1 =	vld.msk @!p1 [tilespmem:s4+$0x0], $0x1;
	_ =	sdelay $0x4  }
0x267: {  	(v2sf) =	vpush @!p1 v1, $0x0;
	_ =	sdelay $0xd  }
0x268: {  	p3 =	sne.s32 s0, $0x1  }
.Ltmp37:
0x269: {  	s5 =	spop @!p1 (v2sf);
	(pc) =	sbr.rel @!p3 .LBB2_49-.Ltmp37, $4  }
0x26a: {  	p2 =	seq.s32 @!p1 s3, s5  }
0x26b: {  	s5 =	simm.s32 $0x0;
	p2 =	por !p2, p1  }
0x26c: {  	s7 =	simm.s32 $0xFFFFFFFF;
	s5 =	simm.s32 @p2 $0xFFFFFFFF  }
0x26d: {  	s6 =	simm.s32 $0x1;
	s5 =	smov.u32 @p1 s7  }
.LBB2_48:
0x26e: {  	s7 =	smov.u32 s5;
	p1 =	sne.s32 s5, $0xFFFFFFFF  }
0x26f: {  	s4 =	sadd.s32 $0x1, s4;
	s5 =	smov.u32 s6;
	s6 =	sadd.s32 $0x1, s6  }
0x270: {  	p2 =	sne.s32 s0, s6;
	v1 =	vld.msk @!p1 [tilespmem:s4+$0x0], $0x1;
	_ =	sdelay $0x4  }
0x271: {  	(v2sf) =	vpush @!p1 v1, $0x0;
	_ =	sdelay $0xe  }
.Ltmp38:
0x272: {  	s8 =	spop @!p1 (v2sf);
	(pc) =	sbr.rel @p2 .LBB2_48-.Ltmp38, $4  }
0x273: {  	p3 =	seq.s32 @!p1 s3, s8  }
0x274: {  	p3 =	por !p3, p1  }
0x275: {  	s5 =	simm.s32 @p3 $0xFFFFFFFF  }
0x276: {  	s5 =	smov.u32 @p1 s7  }
.LBB2_49:
0x277: {  	p1 =	seq.s32 s5, $0xFFFFFFFF  }
.Ltmp39:
0x278: {  	_ = 	snop;
	(pc) =	sbr.rel @p1 .LBB2_51-.Ltmp39, $1  }
0x279: {  	_ =	sdelay $0x3  }
0x27a: {  	s3 =	sshll.u32 s2, $0x6  }
0x27b: {  	s3 =	sand.u32 $0x3FFFFFC0, s3  }
0x27c: {  	v0 =	vld [tilespmem:s3+$0xA138];
	_ =	sdelay $0x2  }
0x27d: {  	s4 =	sshll.u32 s5, $0x8  }
0x27e: {  	s4 =	sshra.s32 s4, $0x2  }
0x27f: {  	[tilespmem:s4+$0xA138] =	vst.add.f32.msk $0xffff, v0  }
0x280: {  	v0 =	vld [tilespmem:s3+$0xA148];
	_ =	sdelay $0x4  }
0x281: {  	[tilespmem:s4+$0xA148] =	vst.add.f32.msk $0xffff, v0  }
0x282: {  	v0 =	vld [tilespmem:s3+$0xA158];
	_ =	sdelay $0x4  }
0x283: {  	[tilespmem:s4+$0xA158] =	vst.add.f32.msk $0xffff, v0  }
0x284: {  	v0 =	vld [tilespmem:s3+$0xA168]  }
.Ltmp40:
0x285: {  	_ = 	snop;
	(pc) =	sbr.rel .LBB2_52-.Ltmp40, $2  }
0x286: {  	_ =	sdelay $0x2  }
0x287: {  	[tilespmem:s4+$0xA168] =	vst.add.f32.msk $0xffff, v0  }
.LBB2_53:
0x288: {  	p1 =	slt.s32 s0, $0x1  }
.Ltmp41:
0x289: {  	_ = 	snop;
	(pc) =	sbr.rel @p1 .LBB2_57-.Ltmp41, $3  }
0x28a: {  	_ =	sdelay $0x1  }
0x28b: {  	s2 =	simm.s32 $0x8  }
0x28c: {  	[sflag:s2] =	ssyncpa.u1 $0x1;
	s2 =	simm.s32 $0x0  }
0x28d: {  	s3 =	simm.s32 $0xA118  }
0x28e: {  	v0 =	vld.msk [tilespmem:s3+$0x0], $0x1;
	_ =	sdelay $0x4  }
0x28f: {  	(v2sf) =	vpush v0, $0x0;
	_ =	sdelay $0xe  }
0x290: {  	s0 =	sadd.s32 $0xFFFFFFFF, s0;
	s4 =	spop (v2sf)  }
0x291: {  	p2 =	sne.s32 s0, $0x0;
	p1 =	sgt.u32 s4, $0x4E1FF8  }
.Ltmp42:
0x292: {  	s5 =	sand.u32 @!p1 $0x7FFFF8, s4;
	(pc) =	sbr.rel @!p2 .LBB2_56-.Ltmp42, $4  }
0x293: {  	s3 =	simm.s32 $0xA138;
	s4 =	sand.u32 @!p1 $0x7, s4;
	s5 =	sadd.s32 @!p1 s1, s5  }
0x294: {  	[hbm4b:s5+s4] =	stream.linear.scatter @!p1 [tilespmem:s3], [sflag:$0x7], $0x40, $0x38;
	[tilespmem:$0x1EF88] =	vst v63  }
0x295: {  	s5 =	simm.s32 $0x0  }
0x296: {  	s4 =	simm.s32 $0xA119;
	s5 =	simm.s32 @!p1 $0x100  }
.LBB2_55:
0x297: {  	v0 =	vld.msk [tilespmem:s4+$0x0], $0x1;
	s0 =	sadd.s32 $0xFFFFFFFF, s0;
	s2 =	sadd.s32 s2, s5  }
0x298: {  	p1 =	sne.s32 s0, $0x0;
	_ =	sdelay $0x3  }
0x299: {  	(v2sf) =	vpush v0, $0x0;
	_ =	sdelay $0xe  }
.Ltmp43:
0x29a: {  	s6 =	spop (v2sf);
	(pc) =	sbr.rel @p1 .LBB2_55-.Ltmp43, $4  }
0x29b: {  	s5 =	simm.s32 $0x0;
	p2 =	sgt.u32 s6, $0x4E1FF8  }
0x29c: {  	s3 =	sadd.s32 $0x40, s3;
	s5 =	simm.s32 @!p2 $0x100;
	s7 =	sand.u32 @!p2 $0x7FFFF8, s6  }
0x29d: {  	s4 =	sadd.s32 $0x1, s4;
	s6 =	sand.u32 @!p2 $0x7, s6;
	s7 =	sadd.s32 @!p2 s1, s7  }
0x29e: {  	[hbm4b:s7+s6] =	stream.linear.scatter @!p2 [tilespmem:s3], [sflag:$0x7], $0x40, $0x38;
	[tilespmem:$0x1EF88] =	vst v63  }
.LBB2_56:
0x29f: {  	s0 =	sadd.s32 s2, s5  }
0x2a0: {  	s2 =	sshrl.u32 s0, $0x2  }
.LBB2_57:
0x2a1: {  	s0 =	simm.s32 $0x7  }
0x2a2: {  	_ =	swait.ge [sflag:s0], s2  }
0x2a3: {  	s1 =	ssub.s32 $0x0, s2;
	[sflag:s0] =	ssyncset.done $0x0  }
0x2a4: {  	[sflag:s0] =	ssyncadd.s32 s1  }
0x2a5: {  	[sflag:s0] =	ssyncpa.u1 $0x1  }
.LBB2_58:
0x2a6: {  	_ =	sfence;
	s0 =	simm.s32 $0x1  }
0x2a7: {  	[sflag:s0] =	ssyncpa.u1 $0x1  }
0x2a8: {  	_ =	strace $0x9000004A  }
0x2a9: {  	[bflag:$0x2] =	sbarrier.arrive $0xFFFF  }
0x2aa: {  	s0 =	rddreg [dreg:$0x4]  }
0x2ab: {  	s0 =	sadd.s32 @!p0 $0x100000, s0  }
0x2ac: {  	[sflag:s0] =	ssyncadd.tile.s32 @!p0 $0x1;
	_ =	shalt  }
.Lfunc_end2:
_tile_overlayer_lowered:
.L_overlay_start_2:
0x2ad: {  	(tag) =	ssettag $0x2  }
0x2ae: {  	s0 =	rddreg [dreg:$0x0];
	s2 =	stileid.u32  }
0x2af: {  	s1 =	rddreg [dreg:$0x1];
	p0 =	sne.s32 s2, $0x0  }
0x2b0: {  	s3 =	rddreg [dreg:$0x2];
	[bflag:$0x3] =	sbarrier.arrive $0xFFFF;
	s2 =	simm.s32 @!p0 $0x1C01  }
0x2b1: {  	[timem:s3], [sflag:s2] =	dma.local @!p0 [hbm:s0], s1  }
0x2b2: {  	s0 =	simm.s32 @!p0 $0x1  }
0x2b3: {  	_ =	swait.ge @!p0 [sflag:s0], s1  }
0x2b4: {  	s1 =	ssub.s32 @!p0 $0x0, s1;
	[sflag:s0] =	ssyncset.done @!p0 $0x0  }
0x2b5: {  	[sflag:s0] =	ssyncadd.s32 @!p0 s1  }
0x2b6: {  	[bflag:$0x3] =	sbarrier.arrive $0xFFFF  }
0x2b7: {  	_ =	shalt  }

</sc_bundles>
